<compile_context>
chip_gen: v7x
topology: tpu7x:2x2x1
jax: 0.10.2.dev20260603
libtpu: 0.0.44.dev20260713+nightly
codegen_flags: <defaults>
</compile_context>

<pallas_src>
import functools

import jax
import jax.numpy as jnp
from jax import lax
from jax.experimental import pallas as pl
from jax.experimental.pallas import tpu as pltpu
from jax.experimental.pallas import tpu_sc as plsc

N_EMB = 1000000
DIM = 64
NCB = 8
CB_SIZE = 256
CB_DIM = 8
BATCH = 4096
HIST = 200
N = BATCH * HIST

NW = 32
NSUBC = 16
PER_W = N // NW
SUB = 128
CHUNK = 1024
HALF = CHUNK // 2
NSUB = CHUNK // SUB
NCHUNK = PER_W // CHUNK
G2 = HALF * NCB // SUB


def _build_main_kernel():
    mesh = plsc.VectorSubcoreMesh(core_axis_name="c", subcore_axis_name="s")

    @functools.partial(
        pl.kernel,
        out_type=jax.ShapeDtypeStruct((N * NCB, CB_DIM), jnp.float32),
        mesh=mesh,
        scratch_types=[
            pltpu.VMEM((2, NSUB, SUB), jnp.int32),
            pltpu.VMEM((2, CHUNK, NCB), jnp.int32),
            pltpu.VMEM((CHUNK * NCB,), jnp.int32),
            pltpu.VMEM((2, HALF * NCB, CB_DIM), jnp.float32),
            pltpu.VMEM_SHARED((NCB * CB_SIZE, CB_DIM), jnp.float32),
            pltpu.SemaphoreType.DMA,
            pltpu.SemaphoreType.DMA,
            pltpu.SemaphoreType.DMA,
            pltpu.SemaphoreType.DMA,
            pltpu.SemaphoreType.DMA,
        ],
        compiler_params=pltpu.CompilerParams(
            needs_layout_passes=False, use_tc_tiling_on_sc=False),
    )
    def rpq_sc(idx_hbm, codes_t_hbm, cb_hbm, out_hbm,
               idx_v, il_v, fl_v, out_v, cb_sh,
               sem_g, sem_c0, sem_c1, sem_o0, sem_o1):
        wid = lax.axis_index("c") * NSUBC + lax.axis_index("s")
        row_base = wid * PER_W
        sub_base = row_base // SUB
        sem_c = (sem_c0, sem_c1)
        sem_o = (sem_o0, sem_o1)
        iota16 = lax.iota(jnp.int32, 16)

        @pl.when(lax.axis_index("s") == 0)
        def _():
            pltpu.sync_copy(cb_hbm, cb_sh)

        plsc.subcore_barrier()

        def fetch(g, slot):
            sub_off = pl.multiple_of(sub_base + g * NSUB, 8)
            pltpu.sync_copy(idx_hbm.at[pl.ds(sub_off, NSUB)], idx_v.at[slot])
            for j in range(NSUB):
                pltpu.async_copy(codes_t_hbm.at[idx_v.at[slot, j]],
                                 il_v.at[slot, pl.ds(j * SUB, SUB)],
                                 sem_g)

        fetch(0, 0)

        @pl.loop(0, NCHUNK)
        def chunk_loop(g):
            p = lax.rem(g, 2)
            pltpu.make_async_copy(codes_t_hbm.at[pl.ds(0, CHUNK)],
                                  il_v.at[p], sem_g).wait()

            @pl.when(g + 1 < NCHUNK)
            def _():
                fetch(g + 1, 1 - p)

            pvec = jnp.broadcast_to(p, (16,))
            for k in range(2):
                @pl.when(g > 0)
                def _():
                    pltpu.make_async_copy(
                        out_hbm.at[pl.ds(0, HALF * NCB)],
                        out_v.at[k], sem_o[k]).wait()

                @pl.loop(0, HALF // 16)
                def row_loop(t):
                    rvec = k * HALF + t * 16 + iota16
                    rvec8 = rvec * NCB
                    vals = []
                    for h in range(NCB):
                        hvec = jnp.full((16,), h, jnp.int32)
                        vals.append(
                            plsc.load_gather(il_v, [pvec, rvec, hvec])
                            + (h * CB_SIZE))
                    for h in range(NCB):
                        plsc.store_scatter(fl_v, [rvec8 + h], vals[h])

                for j in range(G2):
                    pltpu.async_copy(
                        cb_sh.at[fl_v.at[pl.ds(k * HALF * NCB + j * SUB,
                                               SUB)]],
                        out_v.at[k, pl.ds(j * SUB, SUB)],
                        sem_c[k])

            for k in range(2):
                pltpu.make_async_copy(out_hbm.at[pl.ds(0, HALF * NCB)],
                                      out_v.at[k], sem_c[k]).wait()
                out_off = pl.multiple_of(
                    (row_base + g * CHUNK + k * HALF) * NCB, 8)
                pltpu.async_copy(out_v.at[k],
                                 out_hbm.at[pl.ds(out_off, HALF * NCB)],
                                 sem_o[k])

        for k in range(2):
            pltpu.make_async_copy(out_hbm.at[pl.ds(0, HALF * NCB)],
                                  out_v.at[k], sem_o[k]).wait()

    return rpq_sc


_RPQ_SC = _build_main_kernel()


@jax.jit
def kernel(input, codes, codebooks):
    idx = input.reshape(N // SUB, SUB)
    codes_t = jnp.swapaxes(codes, 0, 1)
    cb2 = codebooks.reshape(NCB * CB_SIZE, CB_DIM)
    out = _RPQ_SC(idx, codes_t, cb2)
    return out.reshape(input.shape + (DIM,))

# --- scband reference (transcript-rebuilt; emitter-appended) ---
"""Pipeline reference for scband-rpqembedding-80917183856747 (READ-ONLY COPY).

The authoritative reference and input builder live on the scoring server;
editing this copy changes nothing except your own understanding.
"""

import jax, jax.numpy as jnp
import numpy as np

NUM_EMBEDDINGS = 1000000
EMBEDDING_DIM = 64
NUM_CODEBOOKS = 8
NBITS = 8
CODEBOOK_DIM = EMBEDDING_DIM // NUM_CODEBOOKS
BATCH = 4096
HIST = 200


def setup_inputs(seed: int = 0) -> dict:
    key = jax.random.key(seed)
    k1, k2, k3 = jax.random.split(key, 3)
    inp = jax.random.randint(k1, (BATCH, HIST), 0, NUM_EMBEDDINGS, dtype=jnp.int32)
    # codes buffer: uint8 in torch, int32 here (values in [0, 2**nbits))
    codes = jax.random.randint(k2, (NUM_CODEBOOKS, NUM_EMBEDDINGS), 0, 2 ** NBITS, dtype=jnp.int32)
    # codebooks parameter, normal init (reset_parameters uses init.normal_)
    codebooks = jax.random.normal(k3, (NUM_CODEBOOKS, 2 ** NBITS, CODEBOOK_DIM), dtype=jnp.float32)
    return {"input": inp, "codes": codes, "codebooks": codebooks}


def reference(input, codes, codebooks):
    # RPQEmbedding.forward with use_subset=True:
    # expand(codes, codebooks, subset=input.flatten()) then view(*input.shape, embedding_dim)
    subset = input.reshape(-1)                      # [N]
    codes_sub = jnp.take(codes, subset, axis=1)      # [h, N]  (codes[:, subset])
    # torch.gather(codebooks, dim=1, index=repeat(codes_sub,'h c -> h c d'))
    w = jnp.take_along_axis(codebooks, codes_sub[:, :, None], axis=1)  # [h, N, d]
    # rearrange 'h c d -> c (h d)'
    n = subset.shape[0]
    weight = jnp.transpose(w, (1, 0, 2)).reshape(n, NUM_CODEBOOKS * CODEBOOK_DIM)
    out = weight.reshape(input.shape + (EMBEDDING_DIM,))
    return out

if __name__ == "__main__":
    import jax
    _d = setup_inputs()
    print(jax.jit(kernel)(*tuple(_d.values())))

</pallas_src>

<mosaic_0001>
#map = affine_map<(d0, d1) -> (0, 0)>
module attributes {stable_mosaic.version = 14 : i64} {
  func.func @rpq_sc(%arg0: i32, %arg1: i32, %arg2: memref<6400x128xi32, #tpu.memory_space<hbm>>, %arg3: memref<1000000x8xi32, #tpu.memory_space<hbm>>, %arg4: memref<2048x8xf32, #tpu.memory_space<hbm>>, %arg5: memref<6553600x8xf32, #tpu.memory_space<hbm>>, %arg6: memref<2x8x128xi32, #tpu.memory_space<vmem>>, %arg7: memref<2x1024x8xi32, #tpu.memory_space<vmem>>, %arg8: memref<8192xi32, #tpu.memory_space<vmem>>, %arg9: memref<2x4096x8xf32, #tpu.memory_space<vmem>>, %arg10: memref<2048x8xf32, #tpu.memory_space<vmem_shared>>, %arg11: memref<!tpu.dma_semaphore, #tpu.memory_space<semaphore_mem>>, %arg12: memref<!tpu.dma_semaphore, #tpu.memory_space<semaphore_mem>>, %arg13: memref<!tpu.dma_semaphore, #tpu.memory_space<semaphore_mem>>, %arg14: memref<!tpu.dma_semaphore, #tpu.memory_space<semaphore_mem>>, %arg15: memref<!tpu.dma_semaphore, #tpu.memory_space<semaphore_mem>>) attributes {dimension_semantics = [#tpu.dimension_semantics<core_parallel>, #tpu.dimension_semantics<subcore_parallel>], iteration_bounds = array<i64: 2, 16>, scalar_prefetch = 0 : i64, scratch_operands = 10 : i64, tpu.core_type = #tpu.core_type<sc_vector_subcore>, window_params = [{transform_indices = #map}, {transform_indices = #map}, {transform_indices = #map}, {transform_indices = #map}]} {
    %mul3A = arith.constant 16 : i32
    %mul3A_0 = arith.muli %arg0, %mul3A : i32
    %add3A = arith.addi %mul3A_0, %arg1 : i32
    %mul3A_1 = arith.constant 25600 : i32
    %mul3A_2 = arith.muli %add3A, %mul3A_1 : i32
    %jit3A = arith.constant 128 : i32
    %div3A = arith.divsi %mul3A_2, %jit3A : i32
    %sign3A = arith.constant 0 : i32
    %sign3A_3 = arith.cmpi sgt, %mul3A_2, %sign3A : i32
    %sign3A_4 = arith.extui %sign3A_3 : i1 to i32
    %sign3A_5 = arith.constant 0 : i32
    %sign3A_6 = arith.cmpi slt, %mul3A_2, %sign3A_5 : i32
    %sign3A_7 = arith.extui %sign3A_6 : i1 to i32
    %sign3A_8 = arith.subi %sign3A_4, %sign3A_7 : i32
    %sign3A_9 = arith.constant 0 : i32
    %sign3A_10 = arith.cmpi sgt, %jit3A, %sign3A_9 : i32
    %sign3A_11 = arith.extui %sign3A_10 : i1 to i32
    %sign3A_12 = arith.constant 0 : i32
    %sign3A_13 = arith.cmpi slt, %jit3A, %sign3A_12 : i32
    %sign3A_14 = arith.extui %sign3A_13 : i1 to i32
    %sign3A_15 = arith.subi %sign3A_11, %sign3A_14 : i32
    %ne3A = arith.cmpi ne, %sign3A_8, %sign3A_15 : i32
    %rem3A = arith.remsi %mul3A_2, %jit3A : i32
    %ne3A_16 = arith.constant 0 : i32
    %ne3A_17 = arith.cmpi ne, %rem3A, %ne3A_16 : i32
    %and3A = arith.andi %ne3A, %ne3A_17 : i1
    %sub3A = arith.constant 1 : i32
    %sub3A_18 = arith.subi %div3A, %sub3A : i32
    %select_n3A = arith.select %and3A, %sub3A_18, %div3A : i32
    %iota3A = tpu.iota {dimensions = array<i32: 0>} : vector<16xi32>
    %eq3A = arith.constant 0 : i32
    %eq3A_19 = arith.cmpi eq, %arg1, %eq3A : i32
    %convert_element_type3A = arith.extui %eq3A_19 : i1 to i32
    %cond3A = arith.constant 0 : i32
    %cond3A_20 = arith.cmpi ne, %convert_element_type3A, %cond3A : i32
    scf.if %cond3A_20 {
      "tpu.region"() ({
        %run_scoped3A_159 = tpu.sem_alloc : memref<!tpu.dma_semaphore, #tpu.memory_space<semaphore_mem>>
        tpu.enqueue_dma source(%arg4 : memref<2048x8xf32, #tpu.memory_space<hbm>>) target(%arg10 : memref<2048x8xf32, #tpu.memory_space<vmem_shared>>) target_semaphore(%run_scoped3A_159 : memref<!tpu.dma_semaphore, #tpu.memory_space<semaphore_mem>>)
        tpu.wait_dma2 semaphore(%run_scoped3A_159 : memref<!tpu.dma_semaphore, #tpu.memory_space<semaphore_mem>>) src(%arg4 : memref<2048x8xf32, #tpu.memory_space<hbm>>) dst(%arg10 : memref<2048x8xf32, #tpu.memory_space<vmem_shared>>)
        tpu.yield
      }) : () -> ()
    } else {
    }
    %barrier3A = arith.constant 0 : index
    tpu.barrier barrier_id(%barrier3A)
    %add3A_21 = arith.constant 0 : i32
    %add3A_22 = arith.addi %select_n3A, %add3A_21 : i32
    %multiple_of3A = tpu.assume_multiple %add3A_22, 8 : i32
    %run_scoped3A = arith.constant 0 : i32
    "tpu.region"() ({
      %run_scoped3A_159 = tpu.sem_alloc : memref<!tpu.dma_semaphore, #tpu.memory_space<semaphore_mem>>
      %dma_start3A_160 = arith.constant 0 : i32
      %dma_start3A_161 = arith.constant 0 : i32
      %dma_start3A_162 = tpu.memref_slice %arg6[%run_scoped3A, %dma_start3A_160, %dma_start3A_161] : memref<2x8x128xi32, #tpu.memory_space<vmem>> -> memref<1x8x128xi32, #tpu.memory_space<vmem>>
      %dma_start3A_163 = tpu.memref_squeeze %dma_start3A_162 : memref<1x8x128xi32, #tpu.memory_space<vmem>> -> memref<8x128xi32, #tpu.memory_space<vmem>>
      %dma_start3A_164 = arith.constant 0 : i32
      %dma_start3A_165 = tpu.memref_slice %arg2[%multiple_of3A, %dma_start3A_164] : memref<6400x128xi32, #tpu.memory_space<hbm>> -> memref<8x128xi32, #tpu.memory_space<hbm>>
      %dma_start3A_166 = arith.constant 0 : i32
      %dma_start3A_167 = arith.constant 0 : i32
      %dma_start3A_168 = tpu.memref_slice %arg6[%run_scoped3A, %dma_start3A_166, %dma_start3A_167] : memref<2x8x128xi32, #tpu.memory_space<vmem>> -> memref<1x8x128xi32, #tpu.memory_space<vmem>>
      %dma_start3A_169 = tpu.memref_squeeze %dma_start3A_168 : memref<1x8x128xi32, #tpu.memory_space<vmem>> -> memref<8x128xi32, #tpu.memory_space<vmem>>
      %dma_start3A_170 = arith.constant 0 : i32
      %dma_start3A_171 = tpu.memref_slice %arg2[%multiple_of3A, %dma_start3A_170] : memref<6400x128xi32, #tpu.memory_space<hbm>> -> memref<8x128xi32, #tpu.memory_space<hbm>>
      tpu.enqueue_dma source(%dma_start3A_171 : memref<8x128xi32, #tpu.memory_space<hbm>>) target(%dma_start3A_169 : memref<8x128xi32, #tpu.memory_space<vmem>>) target_semaphore(%run_scoped3A_159 : memref<!tpu.dma_semaphore, #tpu.memory_space<semaphore_mem>>)
      %dma_wait3A_172 = arith.constant 0 : i32
      %dma_wait3A_173 = arith.constant 0 : i32
      %dma_wait3A_174 = tpu.memref_slice %arg6[%run_scoped3A, %dma_wait3A_172, %dma_wait3A_173] : memref<2x8x128xi32, #tpu.memory_space<vmem>> -> memref<1x8x128xi32, #tpu.memory_space<vmem>>
      %dma_wait3A_175 = tpu.memref_squeeze %dma_wait3A_174 : memref<1x8x128xi32, #tpu.memory_space<vmem>> -> memref<8x128xi32, #tpu.memory_space<vmem>>
      %dma_wait3A_176 = arith.constant 0 : i32
      %dma_wait3A_177 = tpu.memref_slice %arg2[%multiple_of3A, %dma_wait3A_176] : memref<6400x128xi32, #tpu.memory_space<hbm>> -> memref<8x128xi32, #tpu.memory_space<hbm>>
      %dma_wait3A_178 = arith.constant 0 : i32
      %dma_wait3A_179 = arith.constant 0 : i32
      %dma_wait3A_180 = tpu.memref_slice %arg6[%run_scoped3A, %dma_wait3A_178, %dma_wait3A_179] : memref<2x8x128xi32, #tpu.memory_space<vmem>> -> memref<1x8x128xi32, #tpu.memory_space<vmem>>
      %dma_wait3A_181 = tpu.memref_squeeze %dma_wait3A_180 : memref<1x8x128xi32, #tpu.memory_space<vmem>> -> memref<8x128xi32, #tpu.memory_space<vmem>>
      %dma_wait3A_182 = arith.constant 0 : i32
      %dma_wait3A_183 = tpu.memref_slice %arg2[%multiple_of3A, %dma_wait3A_182] : memref<6400x128xi32, #tpu.memory_space<hbm>> -> memref<8x128xi32, #tpu.memory_space<hbm>>
      tpu.wait_dma2 semaphore(%run_scoped3A_159 : memref<!tpu.dma_semaphore, #tpu.memory_space<semaphore_mem>>) src(%dma_wait3A_183 : memref<8x128xi32, #tpu.memory_space<hbm>>) dst(%dma_wait3A_181 : memref<8x128xi32, #tpu.memory_space<vmem>>)
      tpu.yield
    }) : () -> ()
    %dma_start3A = arith.constant 0 : i32
    %dma_start3A_23 = arith.constant 0 : i32
    %dma_start3A_24 = arith.constant 0 : i32
    %dma_start3A_25 = arith.constant 0 : i32
    %dma_start3A_26 = arith.constant 0 : i32
    %dma_start3A_27 = tpu.memref_slice %arg7[%dma_start3A_24, %dma_start3A_25, %dma_start3A_26] : memref<2x1024x8xi32, #tpu.memory_space<vmem>> -> memref<1x128x8xi32, #tpu.memory_space<vmem>>
    %dma_start3A_28 = tpu.memref_squeeze %dma_start3A_27 : memref<1x128x8xi32, #tpu.memory_space<vmem>> -> memref<128x8xi32, #tpu.memory_space<vmem>>
    %dma_start3A_29 = arith.constant 0 : i32
    %dma_start3A_30 = tpu.memref_slice %arg6[%dma_start3A, %dma_start3A_23, %dma_start3A_29] : memref<2x8x128xi32, #tpu.memory_space<vmem>> -> memref<1x1x128xi32, #tpu.memory_space<vmem>>
    %dma_start3A_31 = tpu.memref_squeeze %dma_start3A_30 : memref<1x1x128xi32, #tpu.memory_space<vmem>> -> memref<128xi32, #tpu.memory_space<vmem>>
    %dma_start3A_32 = arith.constant 0 : i32
    %dma_start3A_33 = arith.constant 0 : i32
    %dma_start3A_34 = tpu.memref_slice %arg3[%dma_start3A_32, %dma_start3A_33] : memref<1000000x8xi32, #tpu.memory_space<hbm>> -> memref<1000000x8xi32, #tpu.memory_space<hbm>>
    tpu.enqueue_indirect_dma source(%dma_start3A_34 : memref<1000000x8xi32, #tpu.memory_space<hbm>>) target(%dma_start3A_28 : memref<128x8xi32, #tpu.memory_space<vmem>>) offsets(%dma_start3A_31 : memref<128xi32, #tpu.memory_space<vmem>>) semaphore(%arg11 : memref<!tpu.dma_semaphore, #tpu.memory_space<semaphore_mem>>)
    %dma_start3A_35 = arith.constant 0 : i32
    %dma_start3A_36 = arith.constant 1 : i32
    %dma_start3A_37 = arith.constant 0 : i32
    %dma_start3A_38 = arith.constant 128 : i32
    %dma_start3A_39 = arith.constant 0 : i32
    %dma_start3A_40 = tpu.memref_slice %arg7[%dma_start3A_37, %dma_start3A_38, %dma_start3A_39] : memref<2x1024x8xi32, #tpu.memory_space<vmem>> -> memref<1x128x8xi32, #tpu.memory_space<vmem>>
    %dma_start3A_41 = tpu.memref_squeeze %dma_start3A_40 : memref<1x128x8xi32, #tpu.memory_space<vmem>> -> memref<128x8xi32, #tpu.memory_space<vmem>>
    %dma_start3A_42 = arith.constant 0 : i32
    %dma_start3A_43 = tpu.memref_slice %arg6[%dma_start3A_35, %dma_start3A_36, %dma_start3A_42] : memref<2x8x128xi32, #tpu.memory_space<vmem>> -> memref<1x1x128xi32, #tpu.memory_space<vmem>>
    %dma_start3A_44 = tpu.memref_squeeze %dma_start3A_43 : memref<1x1x128xi32, #tpu.memory_space<vmem>> -> memref<128xi32, #tpu.memory_space<vmem>>
    %dma_start3A_45 = arith.constant 0 : i32
    %dma_start3A_46 = arith.constant 0 : i32
    %dma_start3A_47 = tpu.memref_slice %arg3[%dma_start3A_45, %dma_start3A_46] : memref<1000000x8xi32, #tpu.memory_space<hbm>> -> memref<1000000x8xi32, #tpu.memory_space<hbm>>
    tpu.enqueue_indirect_dma source(%dma_start3A_47 : memref<1000000x8xi32, #tpu.memory_space<hbm>>) target(%dma_start3A_41 : memref<128x8xi32, #tpu.memory_space<vmem>>) offsets(%dma_start3A_44 : memref<128xi32, #tpu.memory_space<vmem>>) semaphore(%arg11 : memref<!tpu.dma_semaphore, #tpu.memory_space<semaphore_mem>>)
    %dma_start3A_48 = arith.constant 0 : i32
    %dma_start3A_49 = arith.constant 2 : i32
    %dma_start3A_50 = arith.constant 0 : i32
    %dma_start3A_51 = arith.constant 256 : i32
    %dma_start3A_52 = arith.constant 0 : i32
    %dma_start3A_53 = tpu.memref_slice %arg7[%dma_start3A_50, %dma_start3A_51, %dma_start3A_52] : memref<2x1024x8xi32, #tpu.memory_space<vmem>> -> memref<1x128x8xi32, #tpu.memory_space<vmem>>
    %dma_start3A_54 = tpu.memref_squeeze %dma_start3A_53 : memref<1x128x8xi32, #tpu.memory_space<vmem>> -> memref<128x8xi32, #tpu.memory_space<vmem>>
    %dma_start3A_55 = arith.constant 0 : i32
    %dma_start3A_56 = tpu.memref_slice %arg6[%dma_start3A_48, %dma_start3A_49, %dma_start3A_55] : memref<2x8x128xi32, #tpu.memory_space<vmem>> -> memref<1x1x128xi32, #tpu.memory_space<vmem>>
    %dma_start3A_57 = tpu.memref_squeeze %dma_start3A_56 : memref<1x1x128xi32, #tpu.memory_space<vmem>> -> memref<128xi32, #tpu.memory_space<vmem>>
    %dma_start3A_58 = arith.constant 0 : i32
    %dma_start3A_59 = arith.constant 0 : i32
    %dma_start3A_60 = tpu.memref_slice %arg3[%dma_start3A_58, %dma_start3A_59] : memref<1000000x8xi32, #tpu.memory_space<hbm>> -> memref<1000000x8xi32, #tpu.memory_space<hbm>>
    tpu.enqueue_indirect_dma source(%dma_start3A_60 : memref<1000000x8xi32, #tpu.memory_space<hbm>>) target(%dma_start3A_54 : memref<128x8xi32, #tpu.memory_space<vmem>>) offsets(%dma_start3A_57 : memref<128xi32, #tpu.memory_space<vmem>>) semaphore(%arg11 : memref<!tpu.dma_semaphore, #tpu.memory_space<semaphore_mem>>)
    %dma_start3A_61 = arith.constant 0 : i32
    %dma_start3A_62 = arith.constant 3 : i32
    %dma_start3A_63 = arith.constant 0 : i32
    %dma_start3A_64 = arith.constant 384 : i32
    %dma_start3A_65 = arith.constant 0 : i32
    %dma_start3A_66 = tpu.memref_slice %arg7[%dma_start3A_63, %dma_start3A_64, %dma_start3A_65] : memref<2x1024x8xi32, #tpu.memory_space<vmem>> -> memref<1x128x8xi32, #tpu.memory_space<vmem>>
    %dma_start3A_67 = tpu.memref_squeeze %dma_start3A_66 : memref<1x128x8xi32, #tpu.memory_space<vmem>> -> memref<128x8xi32, #tpu.memory_space<vmem>>
    %dma_start3A_68 = arith.constant 0 : i32
    %dma_start3A_69 = tpu.memref_slice %arg6[%dma_start3A_61, %dma_start3A_62, %dma_start3A_68] : memref<2x8x128xi32, #tpu.memory_space<vmem>> -> memref<1x1x128xi32, #tpu.memory_space<vmem>>
    %dma_start3A_70 = tpu.memref_squeeze %dma_start3A_69 : memref<1x1x128xi32, #tpu.memory_space<vmem>> -> memref<128xi32, #tpu.memory_space<vmem>>
    %dma_start3A_71 = arith.constant 0 : i32
    %dma_start3A_72 = arith.constant 0 : i32
    %dma_start3A_73 = tpu.memref_slice %arg3[%dma_start3A_71, %dma_start3A_72] : memref<1000000x8xi32, #tpu.memory_space<hbm>> -> memref<1000000x8xi32, #tpu.memory_space<hbm>>
    tpu.enqueue_indirect_dma source(%dma_start3A_73 : memref<1000000x8xi32, #tpu.memory_space<hbm>>) target(%dma_start3A_67 : memref<128x8xi32, #tpu.memory_space<vmem>>) offsets(%dma_start3A_70 : memref<128xi32, #tpu.memory_space<vmem>>) semaphore(%arg11 : memref<!tpu.dma_semaphore, #tpu.memory_space<semaphore_mem>>)
    %dma_start3A_74 = arith.constant 0 : i32
    %dma_start3A_75 = arith.constant 4 : i32
    %dma_start3A_76 = arith.constant 0 : i32
    %dma_start3A_77 = arith.constant 512 : i32
    %dma_start3A_78 = arith.constant 0 : i32
    %dma_start3A_79 = tpu.memref_slice %arg7[%dma_start3A_76, %dma_start3A_77, %dma_start3A_78] : memref<2x1024x8xi32, #tpu.memory_space<vmem>> -> memref<1x128x8xi32, #tpu.memory_space<vmem>>
    %dma_start3A_80 = tpu.memref_squeeze %dma_start3A_79 : memref<1x128x8xi32, #tpu.memory_space<vmem>> -> memref<128x8xi32, #tpu.memory_space<vmem>>
    %dma_start3A_81 = arith.constant 0 : i32
    %dma_start3A_82 = tpu.memref_slice %arg6[%dma_start3A_74, %dma_start3A_75, %dma_start3A_81] : memref<2x8x128xi32, #tpu.memory_space<vmem>> -> memref<1x1x128xi32, #tpu.memory_space<vmem>>
    %dma_start3A_83 = tpu.memref_squeeze %dma_start3A_82 : memref<1x1x128xi32, #tpu.memory_space<vmem>> -> memref<128xi32, #tpu.memory_space<vmem>>
    %dma_start3A_84 = arith.constant 0 : i32
    %dma_start3A_85 = arith.constant 0 : i32
    %dma_start3A_86 = tpu.memref_slice %arg3[%dma_start3A_84, %dma_start3A_85] : memref<1000000x8xi32, #tpu.memory_space<hbm>> -> memref<1000000x8xi32, #tpu.memory_space<hbm>>
    tpu.enqueue_indirect_dma source(%dma_start3A_86 : memref<1000000x8xi32, #tpu.memory_space<hbm>>) target(%dma_start3A_80 : memref<128x8xi32, #tpu.memory_space<vmem>>) offsets(%dma_start3A_83 : memref<128xi32, #tpu.memory_space<vmem>>) semaphore(%arg11 : memref<!tpu.dma_semaphore, #tpu.memory_space<semaphore_mem>>)
    %dma_start3A_87 = arith.constant 0 : i32
    %dma_start3A_88 = arith.constant 5 : i32
    %dma_start3A_89 = arith.constant 0 : i32
    %dma_start3A_90 = arith.constant 640 : i32
    %dma_start3A_91 = arith.constant 0 : i32
    %dma_start3A_92 = tpu.memref_slice %arg7[%dma_start3A_89, %dma_start3A_90, %dma_start3A_91] : memref<2x1024x8xi32, #tpu.memory_space<vmem>> -> memref<1x128x8xi32, #tpu.memory_space<vmem>>
    %dma_start3A_93 = tpu.memref_squeeze %dma_start3A_92 : memref<1x128x8xi32, #tpu.memory_space<vmem>> -> memref<128x8xi32, #tpu.memory_space<vmem>>
    %dma_start3A_94 = arith.constant 0 : i32
    %dma_start3A_95 = tpu.memref_slice %arg6[%dma_start3A_87, %dma_start3A_88, %dma_start3A_94] : memref<2x8x128xi32, #tpu.memory_space<vmem>> -> memref<1x1x128xi32, #tpu.memory_space<vmem>>
    %dma_start3A_96 = tpu.memref_squeeze %dma_start3A_95 : memref<1x1x128xi32, #tpu.memory_space<vmem>> -> memref<128xi32, #tpu.memory_space<vmem>>
    %dma_start3A_97 = arith.constant 0 : i32
    %dma_start3A_98 = arith.constant 0 : i32
    %dma_start3A_99 = tpu.memref_slice %arg3[%dma_start3A_97, %dma_start3A_98] : memref<1000000x8xi32, #tpu.memory_space<hbm>> -> memref<1000000x8xi32, #tpu.memory_space<hbm>>
    tpu.enqueue_indirect_dma source(%dma_start3A_99 : memref<1000000x8xi32, #tpu.memory_space<hbm>>) target(%dma_start3A_93 : memref<128x8xi32, #tpu.memory_space<vmem>>) offsets(%dma_start3A_96 : memref<128xi32, #tpu.memory_space<vmem>>) semaphore(%arg11 : memref<!tpu.dma_semaphore, #tpu.memory_space<semaphore_mem>>)
    %dma_start3A_100 = arith.constant 0 : i32
    %dma_start3A_101 = arith.constant 6 : i32
    %dma_start3A_102 = arith.constant 0 : i32
    %dma_start3A_103 = arith.constant 768 : i32
    %dma_start3A_104 = arith.constant 0 : i32
    %dma_start3A_105 = tpu.memref_slice %arg7[%dma_start3A_102, %dma_start3A_103, %dma_start3A_104] : memref<2x1024x8xi32, #tpu.memory_space<vmem>> -> memref<1x128x8xi32, #tpu.memory_space<vmem>>
    %dma_start3A_106 = tpu.memref_squeeze %dma_start3A_105 : memref<1x128x8xi32, #tpu.memory_space<vmem>> -> memref<128x8xi32, #tpu.memory_space<vmem>>
    %dma_start3A_107 = arith.constant 0 : i32
    %dma_start3A_108 = tpu.memref_slice %arg6[%dma_start3A_100, %dma_start3A_101, %dma_start3A_107] : memref<2x8x128xi32, #tpu.memory_space<vmem>> -> memref<1x1x128xi32, #tpu.memory_space<vmem>>
    %dma_start3A_109 = tpu.memref_squeeze %dma_start3A_108 : memref<1x1x128xi32, #tpu.memory_space<vmem>> -> memref<128xi32, #tpu.memory_space<vmem>>
    %dma_start3A_110 = arith.constant 0 : i32
    %dma_start3A_111 = arith.constant 0 : i32
    %dma_start3A_112 = tpu.memref_slice %arg3[%dma_start3A_110, %dma_start3A_111] : memref<1000000x8xi32, #tpu.memory_space<hbm>> -> memref<1000000x8xi32, #tpu.memory_space<hbm>>
    tpu.enqueue_indirect_dma source(%dma_start3A_112 : memref<1000000x8xi32, #tpu.memory_space<hbm>>) target(%dma_start3A_106 : memref<128x8xi32, #tpu.memory_space<vmem>>) offsets(%dma_start3A_109 : memref<128xi32, #tpu.memory_space<vmem>>) semaphore(%arg11 : memref<!tpu.dma_semaphore, #tpu.memory_space<semaphore_mem>>)
    %dma_start3A_113 = arith.constant 0 : i32
    %dma_start3A_114 = arith.constant 7 : i32
    %dma_start3A_115 = arith.constant 0 : i32
    %dma_start3A_116 = arith.constant 896 : i32
    %dma_start3A_117 = arith.constant 0 : i32
    %dma_start3A_118 = tpu.memref_slice %arg7[%dma_start3A_115, %dma_start3A_116, %dma_start3A_117] : memref<2x1024x8xi32, #tpu.memory_space<vmem>> -> memref<1x128x8xi32, #tpu.memory_space<vmem>>
    %dma_start3A_119 = tpu.memref_squeeze %dma_start3A_118 : memref<1x128x8xi32, #tpu.memory_space<vmem>> -> memref<128x8xi32, #tpu.memory_space<vmem>>
    %dma_start3A_120 = arith.constant 0 : i32
    %dma_start3A_121 = tpu.memref_slice %arg6[%dma_start3A_113, %dma_start3A_114, %dma_start3A_120] : memref<2x8x128xi32, #tpu.memory_space<vmem>> -> memref<1x1x128xi32, #tpu.memory_space<vmem>>
    %dma_start3A_122 = tpu.memref_squeeze %dma_start3A_121 : memref<1x1x128xi32, #tpu.memory_space<vmem>> -> memref<128xi32, #tpu.memory_space<vmem>>
    %dma_start3A_123 = arith.constant 0 : i32
    %dma_start3A_124 = arith.constant 0 : i32
    %dma_start3A_125 = tpu.memref_slice %arg3[%dma_start3A_123, %dma_start3A_124] : memref<1000000x8xi32, #tpu.memory_space<hbm>> -> memref<1000000x8xi32, #tpu.memory_space<hbm>>
    tpu.enqueue_indirect_dma source(%dma_start3A_125 : memref<1000000x8xi32, #tpu.memory_space<hbm>>) target(%dma_start3A_119 : memref<128x8xi32, #tpu.memory_space<vmem>>) offsets(%dma_start3A_122 : memref<128xi32, #tpu.memory_space<vmem>>) semaphore(%arg11 : memref<!tpu.dma_semaphore, #tpu.memory_space<semaphore_mem>>)
    %scan3A = arith.constant 0 : i32
    %scan3A_126 = arith.constant 25 : i32
    %scan3A_127 = arith.addi %scan3A, %scan3A_126 : i32
    %scan3A_128 = arith.constant 1 : i32
    scf.for %scan3A_159 = %scan3A to %scan3A_127 step %scan3A_128  : i32 {
      %mul3A_160 = arith.constant 1 : i32
      %mul3A_161 = arith.muli %scan3A_159, %mul3A_160 : i32
      %add3A_162 = arith.constant 0 : i32
      %add3A_163 = arith.addi %add3A_162, %mul3A_161 : i32
      %rem3A_164 = arith.constant 2 : i32
      %rem3A_165 = arith.remsi %add3A_163, %rem3A_164 : i32
      %dma_wait3A_166 = arith.constant 0 : i32
      %dma_wait3A_167 = arith.constant 0 : i32
      %dma_wait3A_168 = tpu.memref_slice %arg7[%rem3A_165, %dma_wait3A_166, %dma_wait3A_167] : memref<2x1024x8xi32, #tpu.memory_space<vmem>> -> memref<1x1024x8xi32, #tpu.memory_space<vmem>>
      %dma_wait3A_169 = tpu.memref_squeeze %dma_wait3A_168 : memref<1x1024x8xi32, #tpu.memory_space<vmem>> -> memref<1024x8xi32, #tpu.memory_space<vmem>>
      %dma_wait3A_170 = arith.constant 0 : i32
      %dma_wait3A_171 = arith.constant 0 : i32
      %dma_wait3A_172 = tpu.memref_slice %arg3[%dma_wait3A_170, %dma_wait3A_171] : memref<1000000x8xi32, #tpu.memory_space<hbm>> -> memref<1024x8xi32, #tpu.memory_space<hbm>>
      %dma_wait3A_173 = arith.constant 0 : i32
      %dma_wait3A_174 = arith.constant 0 : i32
      %dma_wait3A_175 = tpu.memref_slice %arg7[%rem3A_165, %dma_wait3A_173, %dma_wait3A_174] : memref<2x1024x8xi32, #tpu.memory_space<vmem>> -> memref<1x1024x8xi32, #tpu.memory_space<vmem>>
      %dma_wait3A_176 = tpu.memref_squeeze %dma_wait3A_175 : memref<1x1024x8xi32, #tpu.memory_space<vmem>> -> memref<1024x8xi32, #tpu.memory_space<vmem>>
      %dma_wait3A_177 = arith.constant 0 : i32
      %dma_wait3A_178 = arith.constant 0 : i32
      %dma_wait3A_179 = tpu.memref_slice %arg3[%dma_wait3A_177, %dma_wait3A_178] : memref<1000000x8xi32, #tpu.memory_space<hbm>> -> memref<1024x8xi32, #tpu.memory_space<hbm>>
      tpu.wait_dma2 semaphore(%arg11 : memref<!tpu.dma_semaphore, #tpu.memory_space<semaphore_mem>>) src(%dma_wait3A_179 : memref<1024x8xi32, #tpu.memory_space<hbm>>) dst(%dma_wait3A_176 : memref<1024x8xi32, #tpu.memory_space<vmem>>)
      %add3A_180 = arith.constant 1 : i32
      %add3A_181 = arith.addi %add3A_163, %add3A_180 : i32
      %lt3A = arith.constant 25 : i32
      %lt3A_182 = arith.cmpi slt, %add3A_181, %lt3A : i32
      %convert_element_type3A_183 = arith.extui %lt3A_182 : i1 to i32
      %cond3A_184 = arith.constant 0 : i32
      %cond3A_185 = arith.cmpi ne, %convert_element_type3A_183, %cond3A_184 : i32
      scf.if %cond3A_185 {
        %add3A_917 = arith.constant 1 : i32
        %add3A_918 = arith.addi %add3A_163, %add3A_917 : i32
        %sub3A_919 = arith.constant 1 : i32
        %sub3A_920 = arith.subi %sub3A_919, %rem3A_165 : i32
        %mul3A_921 = arith.constant 8 : i32
        %mul3A_922 = arith.muli %add3A_918, %mul3A_921 : i32
        %add3A_923 = arith.addi %select_n3A, %mul3A_922 : i32
        %multiple_of3A_924 = tpu.assume_multiple %add3A_923, 8 : i32
        "tpu.region"() ({
          %run_scoped3A_1013 = tpu.sem_alloc : memref<!tpu.dma_semaphore, #tpu.memory_space<semaphore_mem>>
          %dma_start3A_1014 = arith.constant 0 : i32
          %dma_start3A_1015 = arith.constant 0 : i32
          %dma_start3A_1016 = tpu.memref_slice %arg6[%sub3A_920, %dma_start3A_1014, %dma_start3A_1015] : memref<2x8x128xi32, #tpu.memory_space<vmem>> -> memref<1x8x128xi32, #tpu.memory_space<vmem>>
          %dma_start3A_1017 = tpu.memref_squeeze %dma_start3A_1016 : memref<1x8x128xi32, #tpu.memory_space<vmem>> -> memref<8x128xi32, #tpu.memory_space<vmem>>
          %dma_start3A_1018 = arith.constant 0 : i32
          %dma_start3A_1019 = tpu.memref_slice %arg2[%multiple_of3A_924, %dma_start3A_1018] : memref<6400x128xi32, #tpu.memory_space<hbm>> -> memref<8x128xi32, #tpu.memory_space<hbm>>
          %dma_start3A_1020 = arith.constant 0 : i32
          %dma_start3A_1021 = arith.constant 0 : i32
          %dma_start3A_1022 = tpu.memref_slice %arg6[%sub3A_920, %dma_start3A_1020, %dma_start3A_1021] : memref<2x8x128xi32, #tpu.memory_space<vmem>> -> memref<1x8x128xi32, #tpu.memory_space<vmem>>
          %dma_start3A_1023 = tpu.memref_squeeze %dma_start3A_1022 : memref<1x8x128xi32, #tpu.memory_space<vmem>> -> memref<8x128xi32, #tpu.memory_space<vmem>>
          %dma_start3A_1024 = arith.constant 0 : i32
          %dma_start3A_1025 = tpu.memref_slice %arg2[%multiple_of3A_924, %dma_start3A_1024] : memref<6400x128xi32, #tpu.memory_space<hbm>> -> memref<8x128xi32, #tpu.memory_space<hbm>>
          tpu.enqueue_dma source(%dma_start3A_1025 : memref<8x128xi32, #tpu.memory_space<hbm>>) target(%dma_start3A_1023 : memref<8x128xi32, #tpu.memory_space<vmem>>) target_semaphore(%run_scoped3A_1013 : memref<!tpu.dma_semaphore, #tpu.memory_space<semaphore_mem>>)
          %dma_wait3A_1026 = arith.constant 0 : i32
          %dma_wait3A_1027 = arith.constant 0 : i32
          %dma_wait3A_1028 = tpu.memref_slice %arg6[%sub3A_920, %dma_wait3A_1026, %dma_wait3A_1027] : memref<2x8x128xi32, #tpu.memory_space<vmem>> -> memref<1x8x128xi32, #tpu.memory_space<vmem>>
          %dma_wait3A_1029 = tpu.memref_squeeze %dma_wait3A_1028 : memref<1x8x128xi32, #tpu.memory_space<vmem>> -> memref<8x128xi32, #tpu.memory_space<vmem>>
          %dma_wait3A_1030 = arith.constant 0 : i32
          %dma_wait3A_1031 = tpu.memref_slice %arg2[%multiple_of3A_924, %dma_wait3A_1030] : memref<6400x128xi32, #tpu.memory_space<hbm>> -> memref<8x128xi32, #tpu.memory_space<hbm>>
          %dma_wait3A_1032 = arith.constant 0 : i32
          %dma_wait3A_1033 = arith.constant 0 : i32
          %dma_wait3A_1034 = tpu.memref_slice %arg6[%sub3A_920, %dma_wait3A_1032, %dma_wait3A_1033] : memref<2x8x128xi32, #tpu.memory_space<vmem>> -> memref<1x8x128xi32, #tpu.memory_space<vmem>>
          %dma_wait3A_1035 = tpu.memref_squeeze %dma_wait3A_1034 : memref<1x8x128xi32, #tpu.memory_space<vmem>> -> memref<8x128xi32, #tpu.memory_space<vmem>>
          %dma_wait3A_1036 = arith.constant 0 : i32
          %dma_wait3A_1037 = tpu.memref_slice %arg2[%multiple_of3A_924, %dma_wait3A_1036] : memref<6400x128xi32, #tpu.memory_space<hbm>> -> memref<8x128xi32, #tpu.memory_space<hbm>>
          tpu.wait_dma2 semaphore(%run_scoped3A_1013 : memref<!tpu.dma_semaphore, #tpu.memory_space<semaphore_mem>>) src(%dma_wait3A_1037 : memref<8x128xi32, #tpu.memory_space<hbm>>) dst(%dma_wait3A_1035 : memref<8x128xi32, #tpu.memory_space<vmem>>)
          tpu.yield
        }) : () -> ()
        %dma_start3A_925 = arith.constant 0 : i32
        %dma_start3A_926 = arith.constant 0 : i32
        %dma_start3A_927 = arith.constant 0 : i32
        %dma_start3A_928 = tpu.memref_slice %arg7[%sub3A_920, %dma_start3A_926, %dma_start3A_927] : memref<2x1024x8xi32, #tpu.memory_space<vmem>> -> memref<1x128x8xi32, #tpu.memory_space<vmem>>
        %dma_start3A_929 = tpu.memref_squeeze %dma_start3A_928 : memref<1x128x8xi32, #tpu.memory_space<vmem>> -> memref<128x8xi32, #tpu.memory_space<vmem>>
        %dma_start3A_930 = arith.constant 0 : i32
        %dma_start3A_931 = tpu.memref_slice %arg6[%sub3A_920, %dma_start3A_925, %dma_start3A_930] : memref<2x8x128xi32, #tpu.memory_space<vmem>> -> memref<1x1x128xi32, #tpu.memory_space<vmem>>
        %dma_start3A_932 = tpu.memref_squeeze %dma_start3A_931 : memref<1x1x128xi32, #tpu.memory_space<vmem>> -> memref<128xi32, #tpu.memory_space<vmem>>
        %dma_start3A_933 = arith.constant 0 : i32
        %dma_start3A_934 = arith.constant 0 : i32
        %dma_start3A_935 = tpu.memref_slice %arg3[%dma_start3A_933, %dma_start3A_934] : memref<1000000x8xi32, #tpu.memory_space<hbm>> -> memref<1000000x8xi32, #tpu.memory_space<hbm>>
        tpu.enqueue_indirect_dma source(%dma_start3A_935 : memref<1000000x8xi32, #tpu.memory_space<hbm>>) target(%dma_start3A_929 : memref<128x8xi32, #tpu.memory_space<vmem>>) offsets(%dma_start3A_932 : memref<128xi32, #tpu.memory_space<vmem>>) semaphore(%arg11 : memref<!tpu.dma_semaphore, #tpu.memory_space<semaphore_mem>>)
        %dma_start3A_936 = arith.constant 1 : i32
        %dma_start3A_937 = arith.constant 128 : i32
        %dma_start3A_938 = arith.constant 0 : i32
        %dma_start3A_939 = tpu.memref_slice %arg7[%sub3A_920, %dma_start3A_937, %dma_start3A_938] : memref<2x1024x8xi32, #tpu.memory_space<vmem>> -> memref<1x128x8xi32, #tpu.memory_space<vmem>>
        %dma_start3A_940 = tpu.memref_squeeze %dma_start3A_939 : memref<1x128x8xi32, #tpu.memory_space<vmem>> -> memref<128x8xi32, #tpu.memory_space<vmem>>
        %dma_start3A_941 = arith.constant 0 : i32
        %dma_start3A_942 = tpu.memref_slice %arg6[%sub3A_920, %dma_start3A_936, %dma_start3A_941] : memref<2x8x128xi32, #tpu.memory_space<vmem>> -> memref<1x1x128xi32, #tpu.memory_space<vmem>>
        %dma_start3A_943 = tpu.memref_squeeze %dma_start3A_942 : memref<1x1x128xi32, #tpu.memory_space<vmem>> -> memref<128xi32, #tpu.memory_space<vmem>>
        %dma_start3A_944 = arith.constant 0 : i32
        %dma_start3A_945 = arith.constant 0 : i32
        %dma_start3A_946 = tpu.memref_slice %arg3[%dma_start3A_944, %dma_start3A_945] : memref<1000000x8xi32, #tpu.memory_space<hbm>> -> memref<1000000x8xi32, #tpu.memory_space<hbm>>
        tpu.enqueue_indirect_dma source(%dma_start3A_946 : memref<1000000x8xi32, #tpu.memory_space<hbm>>) target(%dma_start3A_940 : memref<128x8xi32, #tpu.memory_space<vmem>>) offsets(%dma_start3A_943 : memref<128xi32, #tpu.memory_space<vmem>>) semaphore(%arg11 : memref<!tpu.dma_semaphore, #tpu.memory_space<semaphore_mem>>)
        %dma_start3A_947 = arith.constant 2 : i32
        %dma_start3A_948 = arith.constant 256 : i32
        %dma_start3A_949 = arith.constant 0 : i32
        %dma_start3A_950 = tpu.memref_slice %arg7[%sub3A_920, %dma_start3A_948, %dma_start3A_949] : memref<2x1024x8xi32, #tpu.memory_space<vmem>> -> memref<1x128x8xi32, #tpu.memory_space<vmem>>
        %dma_start3A_951 = tpu.memref_squeeze %dma_start3A_950 : memref<1x128x8xi32, #tpu.memory_space<vmem>> -> memref<128x8xi32, #tpu.memory_space<vmem>>
        %dma_start3A_952 = arith.constant 0 : i32
        %dma_start3A_953 = tpu.memref_slice %arg6[%sub3A_920, %dma_start3A_947, %dma_start3A_952] : memref<2x8x128xi32, #tpu.memory_space<vmem>> -> memref<1x1x128xi32, #tpu.memory_space<vmem>>
        %dma_start3A_954 = tpu.memref_squeeze %dma_start3A_953 : memref<1x1x128xi32, #tpu.memory_space<vmem>> -> memref<128xi32, #tpu.memory_space<vmem>>
        %dma_start3A_955 = arith.constant 0 : i32
        %dma_start3A_956 = arith.constant 0 : i32
        %dma_start3A_957 = tpu.memref_slice %arg3[%dma_start3A_955, %dma_start3A_956] : memref<1000000x8xi32, #tpu.memory_space<hbm>> -> memref<1000000x8xi32, #tpu.memory_space<hbm>>
        tpu.enqueue_indirect_dma source(%dma_start3A_957 : memref<1000000x8xi32, #tpu.memory_space<hbm>>) target(%dma_start3A_951 : memref<128x8xi32, #tpu.memory_space<vmem>>) offsets(%dma_start3A_954 : memref<128xi32, #tpu.memory_space<vmem>>) semaphore(%arg11 : memref<!tpu.dma_semaphore, #tpu.memory_space<semaphore_mem>>)
        %dma_start3A_958 = arith.constant 3 : i32
        %dma_start3A_959 = arith.constant 384 : i32
        %dma_start3A_960 = arith.constant 0 : i32
        %dma_start3A_961 = tpu.memref_slice %arg7[%sub3A_920, %dma_start3A_959, %dma_start3A_960] : memref<2x1024x8xi32, #tpu.memory_space<vmem>> -> memref<1x128x8xi32, #tpu.memory_space<vmem>>
        %dma_start3A_962 = tpu.memref_squeeze %dma_start3A_961 : memref<1x128x8xi32, #tpu.memory_space<vmem>> -> memref<128x8xi32, #tpu.memory_space<vmem>>
        %dma_start3A_963 = arith.constant 0 : i32
        %dma_start3A_964 = tpu.memref_slice %arg6[%sub3A_920, %dma_start3A_958, %dma_start3A_963] : memref<2x8x128xi32, #tpu.memory_space<vmem>> -> memref<1x1x128xi32, #tpu.memory_space<vmem>>
        %dma_start3A_965 = tpu.memref_squeeze %dma_start3A_964 : memref<1x1x128xi32, #tpu.memory_space<vmem>> -> memref<128xi32, #tpu.memory_space<vmem>>
        %dma_start3A_966 = arith.constant 0 : i32
        %dma_start3A_967 = arith.constant 0 : i32
        %dma_start3A_968 = tpu.memref_slice %arg3[%dma_start3A_966, %dma_start3A_967] : memref<1000000x8xi32, #tpu.memory_space<hbm>> -> memref<1000000x8xi32, #tpu.memory_space<hbm>>
        tpu.enqueue_indirect_dma source(%dma_start3A_968 : memref<1000000x8xi32, #tpu.memory_space<hbm>>) target(%dma_start3A_962 : memref<128x8xi32, #tpu.memory_space<vmem>>) offsets(%dma_start3A_965 : memref<128xi32, #tpu.memory_space<vmem>>) semaphore(%arg11 : memref<!tpu.dma_semaphore, #tpu.memory_space<semaphore_mem>>)
        %dma_start3A_969 = arith.constant 4 : i32
        %dma_start3A_970 = arith.constant 512 : i32
        %dma_start3A_971 = arith.constant 0 : i32
        %dma_start3A_972 = tpu.memref_slice %arg7[%sub3A_920, %dma_start3A_970, %dma_start3A_971] : memref<2x1024x8xi32, #tpu.memory_space<vmem>> -> memref<1x128x8xi32, #tpu.memory_space<vmem>>
        %dma_start3A_973 = tpu.memref_squeeze %dma_start3A_972 : memref<1x128x8xi32, #tpu.memory_space<vmem>> -> memref<128x8xi32, #tpu.memory_space<vmem>>
        %dma_start3A_974 = arith.constant 0 : i32
        %dma_start3A_975 = tpu.memref_slice %arg6[%sub3A_920, %dma_start3A_969, %dma_start3A_974] : memref<2x8x128xi32, #tpu.memory_space<vmem>> -> memref<1x1x128xi32, #tpu.memory_space<vmem>>
        %dma_start3A_976 = tpu.memref_squeeze %dma_start3A_975 : memref<1x1x128xi32, #tpu.memory_space<vmem>> -> memref<128xi32, #tpu.memory_space<vmem>>
        %dma_start3A_977 = arith.constant 0 : i32
        %dma_start3A_978 = arith.constant 0 : i32
        %dma_start3A_979 = tpu.memref_slice %arg3[%dma_start3A_977, %dma_start3A_978] : memref<1000000x8xi32, #tpu.memory_space<hbm>> -> memref<1000000x8xi32, #tpu.memory_space<hbm>>
        tpu.enqueue_indirect_dma source(%dma_start3A_979 : memref<1000000x8xi32, #tpu.memory_space<hbm>>) target(%dma_start3A_973 : memref<128x8xi32, #tpu.memory_space<vmem>>) offsets(%dma_start3A_976 : memref<128xi32, #tpu.memory_space<vmem>>) semaphore(%arg11 : memref<!tpu.dma_semaphore, #tpu.memory_space<semaphore_mem>>)
        %dma_start3A_980 = arith.constant 5 : i32
        %dma_start3A_981 = arith.constant 640 : i32
        %dma_start3A_982 = arith.constant 0 : i32
        %dma_start3A_983 = tpu.memref_slice %arg7[%sub3A_920, %dma_start3A_981, %dma_start3A_982] : memref<2x1024x8xi32, #tpu.memory_space<vmem>> -> memref<1x128x8xi32, #tpu.memory_space<vmem>>
        %dma_start3A_984 = tpu.memref_squeeze %dma_start3A_983 : memref<1x128x8xi32, #tpu.memory_space<vmem>> -> memref<128x8xi32, #tpu.memory_space<vmem>>
        %dma_start3A_985 = arith.constant 0 : i32
        %dma_start3A_986 = tpu.memref_slice %arg6[%sub3A_920, %dma_start3A_980, %dma_start3A_985] : memref<2x8x128xi32, #tpu.memory_space<vmem>> -> memref<1x1x128xi32, #tpu.memory_space<vmem>>
        %dma_start3A_987 = tpu.memref_squeeze %dma_start3A_986 : memref<1x1x128xi32, #tpu.memory_space<vmem>> -> memref<128xi32, #tpu.memory_space<vmem>>
        %dma_start3A_988 = arith.constant 0 : i32
        %dma_start3A_989 = arith.constant 0 : i32
        %dma_start3A_990 = tpu.memref_slice %arg3[%dma_start3A_988, %dma_start3A_989] : memref<1000000x8xi32, #tpu.memory_space<hbm>> -> memref<1000000x8xi32, #tpu.memory_space<hbm>>
        tpu.enqueue_indirect_dma source(%dma_start3A_990 : memref<1000000x8xi32, #tpu.memory_space<hbm>>) target(%dma_start3A_984 : memref<128x8xi32, #tpu.memory_space<vmem>>) offsets(%dma_start3A_987 : memref<128xi32, #tpu.memory_space<vmem>>) semaphore(%arg11 : memref<!tpu.dma_semaphore, #tpu.memory_space<semaphore_mem>>)
        %dma_start3A_991 = arith.constant 6 : i32
        %dma_start3A_992 = arith.constant 768 : i32
        %dma_start3A_993 = arith.constant 0 : i32
        %dma_start3A_994 = tpu.memref_slice %arg7[%sub3A_920, %dma_start3A_992, %dma_start3A_993] : memref<2x1024x8xi32, #tpu.memory_space<vmem>> -> memref<1x128x8xi32, #tpu.memory_space<vmem>>
        %dma_start3A_995 = tpu.memref_squeeze %dma_start3A_994 : memref<1x128x8xi32, #tpu.memory_space<vmem>> -> memref<128x8xi32, #tpu.memory_space<vmem>>
        %dma_start3A_996 = arith.constant 0 : i32
        %dma_start3A_997 = tpu.memref_slice %arg6[%sub3A_920, %dma_start3A_991, %dma_start3A_996] : memref<2x8x128xi32, #tpu.memory_space<vmem>> -> memref<1x1x128xi32, #tpu.memory_space<vmem>>
        %dma_start3A_998 = tpu.memref_squeeze %dma_start3A_997 : memref<1x1x128xi32, #tpu.memory_space<vmem>> -> memref<128xi32, #tpu.memory_space<vmem>>
        %dma_start3A_999 = arith.constant 0 : i32
        %dma_start3A_1000 = arith.constant 0 : i32
        %dma_start3A_1001 = tpu.memref_slice %arg3[%dma_start3A_999, %dma_start3A_1000] : memref<1000000x8xi32, #tpu.memory_space<hbm>> -> memref<1000000x8xi32, #tpu.memory_space<hbm>>
        tpu.enqueue_indirect_dma source(%dma_start3A_1001 : memref<1000000x8xi32, #tpu.memory_space<hbm>>) target(%dma_start3A_995 : memref<128x8xi32, #tpu.memory_space<vmem>>) offsets(%dma_start3A_998 : memref<128xi32, #tpu.memory_space<vmem>>) semaphore(%arg11 : memref<!tpu.dma_semaphore, #tpu.memory_space<semaphore_mem>>)
        %dma_start3A_1002 = arith.constant 7 : i32
        %dma_start3A_1003 = arith.constant 896 : i32
        %dma_start3A_1004 = arith.constant 0 : i32
        %dma_start3A_1005 = tpu.memref_slice %arg7[%sub3A_920, %dma_start3A_1003, %dma_start3A_1004] : memref<2x1024x8xi32, #tpu.memory_space<vmem>> -> memref<1x128x8xi32, #tpu.memory_space<vmem>>
        %dma_start3A_1006 = tpu.memref_squeeze %dma_start3A_1005 : memref<1x128x8xi32, #tpu.memory_space<vmem>> -> memref<128x8xi32, #tpu.memory_space<vmem>>
        %dma_start3A_1007 = arith.constant 0 : i32
        %dma_start3A_1008 = tpu.memref_slice %arg6[%sub3A_920, %dma_start3A_1002, %dma_start3A_1007] : memref<2x8x128xi32, #tpu.memory_space<vmem>> -> memref<1x1x128xi32, #tpu.memory_space<vmem>>
        %dma_start3A_1009 = tpu.memref_squeeze %dma_start3A_1008 : memref<1x1x128xi32, #tpu.memory_space<vmem>> -> memref<128xi32, #tpu.memory_space<vmem>>
        %dma_start3A_1010 = arith.constant 0 : i32
        %dma_start3A_1011 = arith.constant 0 : i32
        %dma_start3A_1012 = tpu.memref_slice %arg3[%dma_start3A_1010, %dma_start3A_1011] : memref<1000000x8xi32, #tpu.memory_space<hbm>> -> memref<1000000x8xi32, #tpu.memory_space<hbm>>
        tpu.enqueue_indirect_dma source(%dma_start3A_1012 : memref<1000000x8xi32, #tpu.memory_space<hbm>>) target(%dma_start3A_1006 : memref<128x8xi32, #tpu.memory_space<vmem>>) offsets(%dma_start3A_1009 : memref<128xi32, #tpu.memory_space<vmem>>) semaphore(%arg11 : memref<!tpu.dma_semaphore, #tpu.memory_space<semaphore_mem>>)
      } else {
      }
      %broadcast_in_dim3A = vector.broadcast %rem3A_165 : i32 to vector<16xi32>
      %gt3A = arith.constant 0 : i32
      %gt3A_186 = arith.cmpi sgt, %add3A_163, %gt3A : i32
      %convert_element_type3A_187 = arith.extui %gt3A_186 : i1 to i32
      %cond3A_188 = arith.constant 0 : i32
      %cond3A_189 = arith.cmpi ne, %convert_element_type3A_187, %cond3A_188 : i32
      scf.if %cond3A_189 {
        %dma_wait3A_917 = arith.constant 0 : i32
        %dma_wait3A_918 = arith.constant 0 : i32
        %dma_wait3A_919 = arith.constant 0 : i32
        %dma_wait3A_920 = tpu.memref_slice %arg9[%dma_wait3A_917, %dma_wait3A_918, %dma_wait3A_919] : memref<2x4096x8xf32, #tpu.memory_space<vmem>> -> memref<1x4096x8xf32, #tpu.memory_space<vmem>>
        %dma_wait3A_921 = tpu.memref_squeeze %dma_wait3A_920 : memref<1x4096x8xf32, #tpu.memory_space<vmem>> -> memref<4096x8xf32, #tpu.memory_space<vmem>>
        %dma_wait3A_922 = arith.constant 0 : i32
        %dma_wait3A_923 = arith.constant 0 : i32
        %dma_wait3A_924 = tpu.memref_slice %arg5[%dma_wait3A_922, %dma_wait3A_923] : memref<6553600x8xf32, #tpu.memory_space<hbm>> -> memref<4096x8xf32, #tpu.memory_space<hbm>>
        %dma_wait3A_925 = arith.constant 0 : i32
        %dma_wait3A_926 = arith.constant 0 : i32
        %dma_wait3A_927 = tpu.memref_slice %arg9[%dma_wait3A_917, %dma_wait3A_925, %dma_wait3A_926] : memref<2x4096x8xf32, #tpu.memory_space<vmem>> -> memref<1x4096x8xf32, #tpu.memory_space<vmem>>
        %dma_wait3A_928 = tpu.memref_squeeze %dma_wait3A_927 : memref<1x4096x8xf32, #tpu.memory_space<vmem>> -> memref<4096x8xf32, #tpu.memory_space<vmem>>
        %dma_wait3A_929 = arith.constant 0 : i32
        %dma_wait3A_930 = arith.constant 0 : i32
        %dma_wait3A_931 = tpu.memref_slice %arg5[%dma_wait3A_929, %dma_wait3A_930] : memref<6553600x8xf32, #tpu.memory_space<hbm>> -> memref<4096x8xf32, #tpu.memory_space<hbm>>
        tpu.wait_dma2 semaphore(%arg14 : memref<!tpu.dma_semaphore, #tpu.memory_space<semaphore_mem>>) src(%dma_wait3A_931 : memref<4096x8xf32, #tpu.memory_space<hbm>>) dst(%dma_wait3A_928 : memref<4096x8xf32, #tpu.memory_space<vmem>>)
      } else {
      }
      %scan3A_190 = arith.constant 0 : i32
      %scan3A_191 = arith.constant 32 : i32
      %scan3A_192 = arith.addi %scan3A_190, %scan3A_191 : i32
      %scan3A_193 = arith.constant 1 : i32
      scf.for %scan3A_917 = %scan3A_190 to %scan3A_192 step %scan3A_193  : i32 {
        %mul3A_918 = arith.constant 1 : i32
        %mul3A_919 = arith.muli %scan3A_917, %mul3A_918 : i32
        %add3A_920 = arith.constant 0 : i32
        %add3A_921 = arith.addi %add3A_920, %mul3A_919 : i32
        %mul3A_922 = arith.constant 16 : i32
        %mul3A_923 = arith.muli %add3A_921, %mul3A_922 : i32
        %add3A_924 = arith.constant 0 : i32
        %add3A_925 = arith.addi %add3A_924, %mul3A_923 : i32
        %add3A_926 = vector.broadcast %add3A_925 : i32 to vector<16xi32>
        %add3A_927 = arith.addi %add3A_926, %iota3A : vector<16xi32>
        %mul3A_928 = arith.constant 8 : i32
        %mul3A_929 = vector.broadcast %mul3A_928 : i32 to vector<16xi32>
        %mul3A_930 = arith.muli %add3A_927, %mul3A_929 : vector<16xi32>
        %broadcast_in_dim3A_931 = arith.constant 0 : i32
        %broadcast_in_dim3A_932 = vector.broadcast %broadcast_in_dim3A_931 : i32 to vector<16xi32>
        %gather3A = tpu.vector_load_idx %arg7[%broadcast_in_dim3A, %add3A_927, %broadcast_in_dim3A_932] : memref<2x1024x8xi32, #tpu.memory_space<vmem>>[vector<16xi32>, vector<16xi32>, vector<16xi32>], vector<16xi32>,
        %add3A_933 = arith.constant 0 : i32
        %add3A_934 = vector.broadcast %add3A_933 : i32 to vector<16xi32>
        %add3A_935 = arith.addi %gather3A, %add3A_934 : vector<16xi32>
        %broadcast_in_dim3A_936 = arith.constant 1 : i32
        %broadcast_in_dim3A_937 = vector.broadcast %broadcast_in_dim3A_936 : i32 to vector<16xi32>
        %gather3A_938 = tpu.vector_load_idx %arg7[%broadcast_in_dim3A, %add3A_927, %broadcast_in_dim3A_937] : memref<2x1024x8xi32, #tpu.memory_space<vmem>>[vector<16xi32>, vector<16xi32>, vector<16xi32>], vector<16xi32>,
        %add3A_939 = arith.constant 256 : i32
        %add3A_940 = vector.broadcast %add3A_939 : i32 to vector<16xi32>
        %add3A_941 = arith.addi %gather3A_938, %add3A_940 : vector<16xi32>
        %broadcast_in_dim3A_942 = arith.constant 2 : i32
        %broadcast_in_dim3A_943 = vector.broadcast %broadcast_in_dim3A_942 : i32 to vector<16xi32>
        %gather3A_944 = tpu.vector_load_idx %arg7[%broadcast_in_dim3A, %add3A_927, %broadcast_in_dim3A_943] : memref<2x1024x8xi32, #tpu.memory_space<vmem>>[vector<16xi32>, vector<16xi32>, vector<16xi32>], vector<16xi32>,
        %add3A_945 = arith.constant 512 : i32
        %add3A_946 = vector.broadcast %add3A_945 : i32 to vector<16xi32>
        %add3A_947 = arith.addi %gather3A_944, %add3A_946 : vector<16xi32>
        %broadcast_in_dim3A_948 = arith.constant 3 : i32
        %broadcast_in_dim3A_949 = vector.broadcast %broadcast_in_dim3A_948 : i32 to vector<16xi32>
        %gather3A_950 = tpu.vector_load_idx %arg7[%broadcast_in_dim3A, %add3A_927, %broadcast_in_dim3A_949] : memref<2x1024x8xi32, #tpu.memory_space<vmem>>[vector<16xi32>, vector<16xi32>, vector<16xi32>], vector<16xi32>,
        %add3A_951 = arith.constant 768 : i32
        %add3A_952 = vector.broadcast %add3A_951 : i32 to vector<16xi32>
        %add3A_953 = arith.addi %gather3A_950, %add3A_952 : vector<16xi32>
        %broadcast_in_dim3A_954 = arith.constant 4 : i32
        %broadcast_in_dim3A_955 = vector.broadcast %broadcast_in_dim3A_954 : i32 to vector<16xi32>
        %gather3A_956 = tpu.vector_load_idx %arg7[%broadcast_in_dim3A, %add3A_927, %broadcast_in_dim3A_955] : memref<2x1024x8xi32, #tpu.memory_space<vmem>>[vector<16xi32>, vector<16xi32>, vector<16xi32>], vector<16xi32>,
        %add3A_957 = arith.constant 1024 : i32
        %add3A_958 = vector.broadcast %add3A_957 : i32 to vector<16xi32>
        %add3A_959 = arith.addi %gather3A_956, %add3A_958 : vector<16xi32>
        %broadcast_in_dim3A_960 = arith.constant 5 : i32
        %broadcast_in_dim3A_961 = vector.broadcast %broadcast_in_dim3A_960 : i32 to vector<16xi32>
        %gather3A_962 = tpu.vector_load_idx %arg7[%broadcast_in_dim3A, %add3A_927, %broadcast_in_dim3A_961] : memref<2x1024x8xi32, #tpu.memory_space<vmem>>[vector<16xi32>, vector<16xi32>, vector<16xi32>], vector<16xi32>,
        %add3A_963 = arith.constant 1280 : i32
        %add3A_964 = vector.broadcast %add3A_963 : i32 to vector<16xi32>
        %add3A_965 = arith.addi %gather3A_962, %add3A_964 : vector<16xi32>
        %broadcast_in_dim3A_966 = arith.constant 6 : i32
        %broadcast_in_dim3A_967 = vector.broadcast %broadcast_in_dim3A_966 : i32 to vector<16xi32>
        %gather3A_968 = tpu.vector_load_idx %arg7[%broadcast_in_dim3A, %add3A_927, %broadcast_in_dim3A_967] : memref<2x1024x8xi32, #tpu.memory_space<vmem>>[vector<16xi32>, vector<16xi32>, vector<16xi32>], vector<16xi32>,
        %add3A_969 = arith.constant 1536 : i32
        %add3A_970 = vector.broadcast %add3A_969 : i32 to vector<16xi32>
        %add3A_971 = arith.addi %gather3A_968, %add3A_970 : vector<16xi32>
        %broadcast_in_dim3A_972 = arith.constant 7 : i32
        %broadcast_in_dim3A_973 = vector.broadcast %broadcast_in_dim3A_972 : i32 to vector<16xi32>
        %gather3A_974 = tpu.vector_load_idx %arg7[%broadcast_in_dim3A, %add3A_927, %broadcast_in_dim3A_973] : memref<2x1024x8xi32, #tpu.memory_space<vmem>>[vector<16xi32>, vector<16xi32>, vector<16xi32>], vector<16xi32>,
        %add3A_975 = arith.constant 1792 : i32
        %add3A_976 = vector.broadcast %add3A_975 : i32 to vector<16xi32>
        %add3A_977 = arith.addi %gather3A_974, %add3A_976 : vector<16xi32>
        %add3A_978 = arith.constant 0 : i32
        %add3A_979 = vector.broadcast %add3A_978 : i32 to vector<16xi32>
        %add3A_980 = arith.addi %mul3A_930, %add3A_979 : vector<16xi32>
        tpu.vector_store_idx %arg8[%add3A_980], %add3A_935 : memref<8192xi32, #tpu.memory_space<vmem>>[vector<16xi32>], vector<16xi32>,
        %add3A_981 = arith.constant 1 : i32
        %add3A_982 = vector.broadcast %add3A_981 : i32 to vector<16xi32>
        %add3A_983 = arith.addi %mul3A_930, %add3A_982 : vector<16xi32>
        tpu.vector_store_idx %arg8[%add3A_983], %add3A_941 : memref<8192xi32, #tpu.memory_space<vmem>>[vector<16xi32>], vector<16xi32>,
        %add3A_984 = arith.constant 2 : i32
        %add3A_985 = vector.broadcast %add3A_984 : i32 to vector<16xi32>
        %add3A_986 = arith.addi %mul3A_930, %add3A_985 : vector<16xi32>
        tpu.vector_store_idx %arg8[%add3A_986], %add3A_947 : memref<8192xi32, #tpu.memory_space<vmem>>[vector<16xi32>], vector<16xi32>,
        %add3A_987 = arith.constant 3 : i32
        %add3A_988 = vector.broadcast %add3A_987 : i32 to vector<16xi32>
        %add3A_989 = arith.addi %mul3A_930, %add3A_988 : vector<16xi32>
        tpu.vector_store_idx %arg8[%add3A_989], %add3A_953 : memref<8192xi32, #tpu.memory_space<vmem>>[vector<16xi32>], vector<16xi32>,
        %add3A_990 = arith.constant 4 : i32
        %add3A_991 = vector.broadcast %add3A_990 : i32 to vector<16xi32>
        %add3A_992 = arith.addi %mul3A_930, %add3A_991 : vector<16xi32>
        tpu.vector_store_idx %arg8[%add3A_992], %add3A_959 : memref<8192xi32, #tpu.memory_space<vmem>>[vector<16xi32>], vector<16xi32>,
        %add3A_993 = arith.constant 5 : i32
        %add3A_994 = vector.broadcast %add3A_993 : i32 to vector<16xi32>
        %add3A_995 = arith.addi %mul3A_930, %add3A_994 : vector<16xi32>
        tpu.vector_store_idx %arg8[%add3A_995], %add3A_965 : memref<8192xi32, #tpu.memory_space<vmem>>[vector<16xi32>], vector<16xi32>,
        %add3A_996 = arith.constant 6 : i32
        %add3A_997 = vector.broadcast %add3A_996 : i32 to vector<16xi32>
        %add3A_998 = arith.addi %mul3A_930, %add3A_997 : vector<16xi32>
        tpu.vector_store_idx %arg8[%add3A_998], %add3A_971 : memref<8192xi32, #tpu.memory_space<vmem>>[vector<16xi32>], vector<16xi32>,
        %add3A_999 = arith.constant 7 : i32
        %add3A_1000 = vector.broadcast %add3A_999 : i32 to vector<16xi32>
        %add3A_1001 = arith.addi %mul3A_930, %add3A_1000 : vector<16xi32>
        tpu.vector_store_idx %arg8[%add3A_1001], %add3A_977 : memref<8192xi32, #tpu.memory_space<vmem>>[vector<16xi32>], vector<16xi32>,
      }
      %scan3A_194 = arith.constant 32 : i32
      %dma_start3A_195 = arith.constant 0 : i32
      %dma_start3A_196 = arith.constant 0 : i32
      %dma_start3A_197 = arith.constant 0 : i32
      %dma_start3A_198 = tpu.memref_slice %arg9[%dma_start3A_195, %dma_start3A_196, %dma_start3A_197] : memref<2x4096x8xf32, #tpu.memory_space<vmem>> -> memref<1x128x8xf32, #tpu.memory_space<vmem>>
      %dma_start3A_199 = tpu.memref_squeeze %dma_start3A_198 : memref<1x128x8xf32, #tpu.memory_space<vmem>> -> memref<128x8xf32, #tpu.memory_space<vmem>>
      %dma_start3A_200 = arith.constant 0 : i32
      %dma_start3A_201 = tpu.memref_slice %arg8[%dma_start3A_200] : memref<8192xi32, #tpu.memory_space<vmem>> -> memref<128xi32, #tpu.memory_space<vmem>>
      %dma_start3A_202 = arith.constant 0 : i32
      %dma_start3A_203 = arith.constant 0 : i32
      %dma_start3A_204 = tpu.memref_slice %arg10[%dma_start3A_202, %dma_start3A_203] : memref<2048x8xf32, #tpu.memory_space<vmem_shared>> -> memref<2048x8xf32, #tpu.memory_space<vmem_shared>>
      tpu.enqueue_indirect_dma source(%dma_start3A_204 : memref<2048x8xf32, #tpu.memory_space<vmem_shared>>) target(%dma_start3A_199 : memref<128x8xf32, #tpu.memory_space<vmem>>) offsets(%dma_start3A_201 : memref<128xi32, #tpu.memory_space<vmem>>) semaphore(%arg12 : memref<!tpu.dma_semaphore, #tpu.memory_space<semaphore_mem>>)
      %dma_start3A_205 = arith.constant 0 : i32
      %dma_start3A_206 = arith.constant 128 : i32
      %dma_start3A_207 = arith.constant 0 : i32
      %dma_start3A_208 = tpu.memref_slice %arg9[%dma_start3A_205, %dma_start3A_206, %dma_start3A_207] : memref<2x4096x8xf32, #tpu.memory_space<vmem>> -> memref<1x128x8xf32, #tpu.memory_space<vmem>>
      %dma_start3A_209 = tpu.memref_squeeze %dma_start3A_208 : memref<1x128x8xf32, #tpu.memory_space<vmem>> -> memref<128x8xf32, #tpu.memory_space<vmem>>
      %dma_start3A_210 = arith.constant 128 : i32
      %dma_start3A_211 = tpu.memref_slice %arg8[%dma_start3A_210] : memref<8192xi32, #tpu.memory_space<vmem>> -> memref<128xi32, #tpu.memory_space<vmem>>
      %dma_start3A_212 = arith.constant 0 : i32
      %dma_start3A_213 = arith.constant 0 : i32
      %dma_start3A_214 = tpu.memref_slice %arg10[%dma_start3A_212, %dma_start3A_213] : memref<2048x8xf32, #tpu.memory_space<vmem_shared>> -> memref<2048x8xf32, #tpu.memory_space<vmem_shared>>
      tpu.enqueue_indirect_dma source(%dma_start3A_214 : memref<2048x8xf32, #tpu.memory_space<vmem_shared>>) target(%dma_start3A_209 : memref<128x8xf32, #tpu.memory_space<vmem>>) offsets(%dma_start3A_211 : memref<128xi32, #tpu.memory_space<vmem>>) semaphore(%arg12 : memref<!tpu.dma_semaphore, #tpu.memory_space<semaphore_mem>>)
      %dma_start3A_215 = arith.constant 0 : i32
      %dma_start3A_216 = arith.constant 256 : i32
      %dma_start3A_217 = arith.constant 0 : i32
      %dma_start3A_218 = tpu.memref_slice %arg9[%dma_start3A_215, %dma_start3A_216, %dma_start3A_217] : memref<2x4096x8xf32, #tpu.memory_space<vmem>> -> memref<1x128x8xf32, #tpu.memory_space<vmem>>
      %dma_start3A_219 = tpu.memref_squeeze %dma_start3A_218 : memref<1x128x8xf32, #tpu.memory_space<vmem>> -> memref<128x8xf32, #tpu.memory_space<vmem>>
      %dma_start3A_220 = arith.constant 256 : i32
      %dma_start3A_221 = tpu.memref_slice %arg8[%dma_start3A_220] : memref<8192xi32, #tpu.memory_space<vmem>> -> memref<128xi32, #tpu.memory_space<vmem>>
      %dma_start3A_222 = arith.constant 0 : i32
      %dma_start3A_223 = arith.constant 0 : i32
      %dma_start3A_224 = tpu.memref_slice %arg10[%dma_start3A_222, %dma_start3A_223] : memref<2048x8xf32, #tpu.memory_space<vmem_shared>> -> memref<2048x8xf32, #tpu.memory_space<vmem_shared>>
      tpu.enqueue_indirect_dma source(%dma_start3A_224 : memref<2048x8xf32, #tpu.memory_space<vmem_shared>>) target(%dma_start3A_219 : memref<128x8xf32, #tpu.memory_space<vmem>>) offsets(%dma_start3A_221 : memref<128xi32, #tpu.memory_space<vmem>>) semaphore(%arg12 : memref<!tpu.dma_semaphore, #tpu.memory_space<semaphore_mem>>)
      %dma_start3A_225 = arith.constant 0 : i32
      %dma_start3A_226 = arith.constant 384 : i32
      %dma_start3A_227 = arith.constant 0 : i32
      %dma_start3A_228 = tpu.memref_slice %arg9[%dma_start3A_225, %dma_start3A_226, %dma_start3A_227] : memref<2x4096x8xf32, #tpu.memory_space<vmem>> -> memref<1x128x8xf32, #tpu.memory_space<vmem>>
      %dma_start3A_229 = tpu.memref_squeeze %dma_start3A_228 : memref<1x128x8xf32, #tpu.memory_space<vmem>> -> memref<128x8xf32, #tpu.memory_space<vmem>>
      %dma_start3A_230 = arith.constant 384 : i32
      %dma_start3A_231 = tpu.memref_slice %arg8[%dma_start3A_230] : memref<8192xi32, #tpu.memory_space<vmem>> -> memref<128xi32, #tpu.memory_space<vmem>>
      %dma_start3A_232 = arith.constant 0 : i32
      %dma_start3A_233 = arith.constant 0 : i32
      %dma_start3A_234 = tpu.memref_slice %arg10[%dma_start3A_232, %dma_start3A_233] : memref<2048x8xf32, #tpu.memory_space<vmem_shared>> -> memref<2048x8xf32, #tpu.memory_space<vmem_shared>>
      tpu.enqueue_indirect_dma source(%dma_start3A_234 : memref<2048x8xf32, #tpu.memory_space<vmem_shared>>) target(%dma_start3A_229 : memref<128x8xf32, #tpu.memory_space<vmem>>) offsets(%dma_start3A_231 : memref<128xi32, #tpu.memory_space<vmem>>) semaphore(%arg12 : memref<!tpu.dma_semaphore, #tpu.memory_space<semaphore_mem>>)
      %dma_start3A_235 = arith.constant 0 : i32
      %dma_start3A_236 = arith.constant 512 : i32
      %dma_start3A_237 = arith.constant 0 : i32
      %dma_start3A_238 = tpu.memref_slice %arg9[%dma_start3A_235, %dma_start3A_236, %dma_start3A_237] : memref<2x4096x8xf32, #tpu.memory_space<vmem>> -> memref<1x128x8xf32, #tpu.memory_space<vmem>>
      %dma_start3A_239 = tpu.memref_squeeze %dma_start3A_238 : memref<1x128x8xf32, #tpu.memory_space<vmem>> -> memref<128x8xf32, #tpu.memory_space<vmem>>
      %dma_start3A_240 = arith.constant 512 : i32
      %dma_start3A_241 = tpu.memref_slice %arg8[%dma_start3A_240] : memref<8192xi32, #tpu.memory_space<vmem>> -> memref<128xi32, #tpu.memory_space<vmem>>
      %dma_start3A_242 = arith.constant 0 : i32
      %dma_start3A_243 = arith.constant 0 : i32
      %dma_start3A_244 = tpu.memref_slice %arg10[%dma_start3A_242, %dma_start3A_243] : memref<2048x8xf32, #tpu.memory_space<vmem_shared>> -> memref<2048x8xf32, #tpu.memory_space<vmem_shared>>
      tpu.enqueue_indirect_dma source(%dma_start3A_244 : memref<2048x8xf32, #tpu.memory_space<vmem_shared>>) target(%dma_start3A_239 : memref<128x8xf32, #tpu.memory_space<vmem>>) offsets(%dma_start3A_241 : memref<128xi32, #tpu.memory_space<vmem>>) semaphore(%arg12 : memref<!tpu.dma_semaphore, #tpu.memory_space<semaphore_mem>>)
      %dma_start3A_245 = arith.constant 0 : i32
      %dma_start3A_246 = arith.constant 640 : i32
      %dma_start3A_247 = arith.constant 0 : i32
      %dma_start3A_248 = tpu.memref_slice %arg9[%dma_start3A_245, %dma_start3A_246, %dma_start3A_247] : memref<2x4096x8xf32, #tpu.memory_space<vmem>> -> memref<1x128x8xf32, #tpu.memory_space<vmem>>
      %dma_start3A_249 = tpu.memref_squeeze %dma_start3A_248 : memref<1x128x8xf32, #tpu.memory_space<vmem>> -> memref<128x8xf32, #tpu.memory_space<vmem>>
      %dma_start3A_250 = arith.constant 640 : i32
      %dma_start3A_251 = tpu.memref_slice %arg8[%dma_start3A_250] : memref<8192xi32, #tpu.memory_space<vmem>> -> memref<128xi32, #tpu.memory_space<vmem>>
      %dma_start3A_252 = arith.constant 0 : i32
      %dma_start3A_253 = arith.constant 0 : i32
      %dma_start3A_254 = tpu.memref_slice %arg10[%dma_start3A_252, %dma_start3A_253] : memref<2048x8xf32, #tpu.memory_space<vmem_shared>> -> memref<2048x8xf32, #tpu.memory_space<vmem_shared>>
      tpu.enqueue_indirect_dma source(%dma_start3A_254 : memref<2048x8xf32, #tpu.memory_space<vmem_shared>>) target(%dma_start3A_249 : memref<128x8xf32, #tpu.memory_space<vmem>>) offsets(%dma_start3A_251 : memref<128xi32, #tpu.memory_space<vmem>>) semaphore(%arg12 : memref<!tpu.dma_semaphore, #tpu.memory_space<semaphore_mem>>)
      %dma_start3A_255 = arith.constant 0 : i32
      %dma_start3A_256 = arith.constant 768 : i32
      %dma_start3A_257 = arith.constant 0 : i32
      %dma_start3A_258 = tpu.memref_slice %arg9[%dma_start3A_255, %dma_start3A_256, %dma_start3A_257] : memref<2x4096x8xf32, #tpu.memory_space<vmem>> -> memref<1x128x8xf32, #tpu.memory_space<vmem>>
      %dma_start3A_259 = tpu.memref_squeeze %dma_start3A_258 : memref<1x128x8xf32, #tpu.memory_space<vmem>> -> memref<128x8xf32, #tpu.memory_space<vmem>>
      %dma_start3A_260 = arith.constant 768 : i32
      %dma_start3A_261 = tpu.memref_slice %arg8[%dma_start3A_260] : memref<8192xi32, #tpu.memory_space<vmem>> -> memref<128xi32, #tpu.memory_space<vmem>>
      %dma_start3A_262 = arith.constant 0 : i32
      %dma_start3A_263 = arith.constant 0 : i32
      %dma_start3A_264 = tpu.memref_slice %arg10[%dma_start3A_262, %dma_start3A_263] : memref<2048x8xf32, #tpu.memory_space<vmem_shared>> -> memref<2048x8xf32, #tpu.memory_space<vmem_shared>>
      tpu.enqueue_indirect_dma source(%dma_start3A_264 : memref<2048x8xf32, #tpu.memory_space<vmem_shared>>) target(%dma_start3A_259 : memref<128x8xf32, #tpu.memory_space<vmem>>) offsets(%dma_start3A_261 : memref<128xi32, #tpu.memory_space<vmem>>) semaphore(%arg12 : memref<!tpu.dma_semaphore, #tpu.memory_space<semaphore_mem>>)
      %dma_start3A_265 = arith.constant 0 : i32
      %dma_start3A_266 = arith.constant 896 : i32
      %dma_start3A_267 = arith.constant 0 : i32
      %dma_start3A_268 = tpu.memref_slice %arg9[%dma_start3A_265, %dma_start3A_266, %dma_start3A_267] : memref<2x4096x8xf32, #tpu.memory_space<vmem>> -> memref<1x128x8xf32, #tpu.memory_space<vmem>>
      %dma_start3A_269 = tpu.memref_squeeze %dma_start3A_268 : memref<1x128x8xf32, #tpu.memory_space<vmem>> -> memref<128x8xf32, #tpu.memory_space<vmem>>
      %dma_start3A_270 = arith.constant 896 : i32
      %dma_start3A_271 = tpu.memref_slice %arg8[%dma_start3A_270] : memref<8192xi32, #tpu.memory_space<vmem>> -> memref<128xi32, #tpu.memory_space<vmem>>
      %dma_start3A_272 = arith.constant 0 : i32
      %dma_start3A_273 = arith.constant 0 : i32
      %dma_start3A_274 = tpu.memref_slice %arg10[%dma_start3A_272, %dma_start3A_273] : memref<2048x8xf32, #tpu.memory_space<vmem_shared>> -> memref<2048x8xf32, #tpu.memory_space<vmem_shared>>
      tpu.enqueue_indirect_dma source(%dma_start3A_274 : memref<2048x8xf32, #tpu.memory_space<vmem_shared>>) target(%dma_start3A_269 : memref<128x8xf32, #tpu.memory_space<vmem>>) offsets(%dma_start3A_271 : memref<128xi32, #tpu.memory_space<vmem>>) semaphore(%arg12 : memref<!tpu.dma_semaphore, #tpu.memory_space<semaphore_mem>>)
      %dma_start3A_275 = arith.constant 0 : i32
      %dma_start3A_276 = arith.constant 1024 : i32
      %dma_start3A_277 = arith.constant 0 : i32
      %dma_start3A_278 = tpu.memref_slice %arg9[%dma_start3A_275, %dma_start3A_276, %dma_start3A_277] : memref<2x4096x8xf32, #tpu.memory_space<vmem>> -> memref<1x128x8xf32, #tpu.memory_space<vmem>>
      %dma_start3A_279 = tpu.memref_squeeze %dma_start3A_278 : memref<1x128x8xf32, #tpu.memory_space<vmem>> -> memref<128x8xf32, #tpu.memory_space<vmem>>
      %dma_start3A_280 = arith.constant 1024 : i32
      %dma_start3A_281 = tpu.memref_slice %arg8[%dma_start3A_280] : memref<8192xi32, #tpu.memory_space<vmem>> -> memref<128xi32, #tpu.memory_space<vmem>>
      %dma_start3A_282 = arith.constant 0 : i32
      %dma_start3A_283 = arith.constant 0 : i32
      %dma_start3A_284 = tpu.memref_slice %arg10[%dma_start3A_282, %dma_start3A_283] : memref<2048x8xf32, #tpu.memory_space<vmem_shared>> -> memref<2048x8xf32, #tpu.memory_space<vmem_shared>>
      tpu.enqueue_indirect_dma source(%dma_start3A_284 : memref<2048x8xf32, #tpu.memory_space<vmem_shared>>) target(%dma_start3A_279 : memref<128x8xf32, #tpu.memory_space<vmem>>) offsets(%dma_start3A_281 : memref<128xi32, #tpu.memory_space<vmem>>) semaphore(%arg12 : memref<!tpu.dma_semaphore, #tpu.memory_space<semaphore_mem>>)
      %dma_start3A_285 = arith.constant 0 : i32
      %dma_start3A_286 = arith.constant 1152 : i32
      %dma_start3A_287 = arith.constant 0 : i32
      %dma_start3A_288 = tpu.memref_slice %arg9[%dma_start3A_285, %dma_start3A_286, %dma_start3A_287] : memref<2x4096x8xf32, #tpu.memory_space<vmem>> -> memref<1x128x8xf32, #tpu.memory_space<vmem>>
      %dma_start3A_289 = tpu.memref_squeeze %dma_start3A_288 : memref<1x128x8xf32, #tpu.memory_space<vmem>> -> memref<128x8xf32, #tpu.memory_space<vmem>>
      %dma_start3A_290 = arith.constant 1152 : i32
      %dma_start3A_291 = tpu.memref_slice %arg8[%dma_start3A_290] : memref<8192xi32, #tpu.memory_space<vmem>> -> memref<128xi32, #tpu.memory_space<vmem>>
      %dma_start3A_292 = arith.constant 0 : i32
      %dma_start3A_293 = arith.constant 0 : i32
      %dma_start3A_294 = tpu.memref_slice %arg10[%dma_start3A_292, %dma_start3A_293] : memref<2048x8xf32, #tpu.memory_space<vmem_shared>> -> memref<2048x8xf32, #tpu.memory_space<vmem_shared>>
      tpu.enqueue_indirect_dma source(%dma_start3A_294 : memref<2048x8xf32, #tpu.memory_space<vmem_shared>>) target(%dma_start3A_289 : memref<128x8xf32, #tpu.memory_space<vmem>>) offsets(%dma_start3A_291 : memref<128xi32, #tpu.memory_space<vmem>>) semaphore(%arg12 : memref<!tpu.dma_semaphore, #tpu.memory_space<semaphore_mem>>)
      %dma_start3A_295 = arith.constant 0 : i32
      %dma_start3A_296 = arith.constant 1280 : i32
      %dma_start3A_297 = arith.constant 0 : i32
      %dma_start3A_298 = tpu.memref_slice %arg9[%dma_start3A_295, %dma_start3A_296, %dma_start3A_297] : memref<2x4096x8xf32, #tpu.memory_space<vmem>> -> memref<1x128x8xf32, #tpu.memory_space<vmem>>
      %dma_start3A_299 = tpu.memref_squeeze %dma_start3A_298 : memref<1x128x8xf32, #tpu.memory_space<vmem>> -> memref<128x8xf32, #tpu.memory_space<vmem>>
      %dma_start3A_300 = arith.constant 1280 : i32
      %dma_start3A_301 = tpu.memref_slice %arg8[%dma_start3A_300] : memref<8192xi32, #tpu.memory_space<vmem>> -> memref<128xi32, #tpu.memory_space<vmem>>
      %dma_start3A_302 = arith.constant 0 : i32
      %dma_start3A_303 = arith.constant 0 : i32
      %dma_start3A_304 = tpu.memref_slice %arg10[%dma_start3A_302, %dma_start3A_303] : memref<2048x8xf32, #tpu.memory_space<vmem_shared>> -> memref<2048x8xf32, #tpu.memory_space<vmem_shared>>
      tpu.enqueue_indirect_dma source(%dma_start3A_304 : memref<2048x8xf32, #tpu.memory_space<vmem_shared>>) target(%dma_start3A_299 : memref<128x8xf32, #tpu.memory_space<vmem>>) offsets(%dma_start3A_301 : memref<128xi32, #tpu.memory_space<vmem>>) semaphore(%arg12 : memref<!tpu.dma_semaphore, #tpu.memory_space<semaphore_mem>>)
      %dma_start3A_305 = arith.constant 0 : i32
      %dma_start3A_306 = arith.constant 1408 : i32
      %dma_start3A_307 = arith.constant 0 : i32
      %dma_start3A_308 = tpu.memref_slice %arg9[%dma_start3A_305, %dma_start3A_306, %dma_start3A_307] : memref<2x4096x8xf32, #tpu.memory_space<vmem>> -> memref<1x128x8xf32, #tpu.memory_space<vmem>>
      %dma_start3A_309 = tpu.memref_squeeze %dma_start3A_308 : memref<1x128x8xf32, #tpu.memory_space<vmem>> -> memref<128x8xf32, #tpu.memory_space<vmem>>
      %dma_start3A_310 = arith.constant 1408 : i32
      %dma_start3A_311 = tpu.memref_slice %arg8[%dma_start3A_310] : memref<8192xi32, #tpu.memory_space<vmem>> -> memref<128xi32, #tpu.memory_space<vmem>>
      %dma_start3A_312 = arith.constant 0 : i32
      %dma_start3A_313 = arith.constant 0 : i32
      %dma_start3A_314 = tpu.memref_slice %arg10[%dma_start3A_312, %dma_start3A_313] : memref<2048x8xf32, #tpu.memory_space<vmem_shared>> -> memref<2048x8xf32, #tpu.memory_space<vmem_shared>>
      tpu.enqueue_indirect_dma source(%dma_start3A_314 : memref<2048x8xf32, #tpu.memory_space<vmem_shared>>) target(%dma_start3A_309 : memref<128x8xf32, #tpu.memory_space<vmem>>) offsets(%dma_start3A_311 : memref<128xi32, #tpu.memory_space<vmem>>) semaphore(%arg12 : memref<!tpu.dma_semaphore, #tpu.memory_space<semaphore_mem>>)
      %dma_start3A_315 = arith.constant 0 : i32
      %dma_start3A_316 = arith.constant 1536 : i32
      %dma_start3A_317 = arith.constant 0 : i32
      %dma_start3A_318 = tpu.memref_slice %arg9[%dma_start3A_315, %dma_start3A_316, %dma_start3A_317] : memref<2x4096x8xf32, #tpu.memory_space<vmem>> -> memref<1x128x8xf32, #tpu.memory_space<vmem>>
      %dma_start3A_319 = tpu.memref_squeeze %dma_start3A_318 : memref<1x128x8xf32, #tpu.memory_space<vmem>> -> memref<128x8xf32, #tpu.memory_space<vmem>>
      %dma_start3A_320 = arith.constant 1536 : i32
      %dma_start3A_321 = tpu.memref_slice %arg8[%dma_start3A_320] : memref<8192xi32, #tpu.memory_space<vmem>> -> memref<128xi32, #tpu.memory_space<vmem>>
      %dma_start3A_322 = arith.constant 0 : i32
      %dma_start3A_323 = arith.constant 0 : i32
      %dma_start3A_324 = tpu.memref_slice %arg10[%dma_start3A_322, %dma_start3A_323] : memref<2048x8xf32, #tpu.memory_space<vmem_shared>> -> memref<2048x8xf32, #tpu.memory_space<vmem_shared>>
      tpu.enqueue_indirect_dma source(%dma_start3A_324 : memref<2048x8xf32, #tpu.memory_space<vmem_shared>>) target(%dma_start3A_319 : memref<128x8xf32, #tpu.memory_space<vmem>>) offsets(%dma_start3A_321 : memref<128xi32, #tpu.memory_space<vmem>>) semaphore(%arg12 : memref<!tpu.dma_semaphore, #tpu.memory_space<semaphore_mem>>)
      %dma_start3A_325 = arith.constant 0 : i32
      %dma_start3A_326 = arith.constant 1664 : i32
      %dma_start3A_327 = arith.constant 0 : i32
      %dma_start3A_328 = tpu.memref_slice %arg9[%dma_start3A_325, %dma_start3A_326, %dma_start3A_327] : memref<2x4096x8xf32, #tpu.memory_space<vmem>> -> memref<1x128x8xf32, #tpu.memory_space<vmem>>
      %dma_start3A_329 = tpu.memref_squeeze %dma_start3A_328 : memref<1x128x8xf32, #tpu.memory_space<vmem>> -> memref<128x8xf32, #tpu.memory_space<vmem>>
      %dma_start3A_330 = arith.constant 1664 : i32
      %dma_start3A_331 = tpu.memref_slice %arg8[%dma_start3A_330] : memref<8192xi32, #tpu.memory_space<vmem>> -> memref<128xi32, #tpu.memory_space<vmem>>
      %dma_start3A_332 = arith.constant 0 : i32
      %dma_start3A_333 = arith.constant 0 : i32
      %dma_start3A_334 = tpu.memref_slice %arg10[%dma_start3A_332, %dma_start3A_333] : memref<2048x8xf32, #tpu.memory_space<vmem_shared>> -> memref<2048x8xf32, #tpu.memory_space<vmem_shared>>
      tpu.enqueue_indirect_dma source(%dma_start3A_334 : memref<2048x8xf32, #tpu.memory_space<vmem_shared>>) target(%dma_start3A_329 : memref<128x8xf32, #tpu.memory_space<vmem>>) offsets(%dma_start3A_331 : memref<128xi32, #tpu.memory_space<vmem>>) semaphore(%arg12 : memref<!tpu.dma_semaphore, #tpu.memory_space<semaphore_mem>>)
      %dma_start3A_335 = arith.constant 0 : i32
      %dma_start3A_336 = arith.constant 1792 : i32
      %dma_start3A_337 = arith.constant 0 : i32
      %dma_start3A_338 = tpu.memref_slice %arg9[%dma_start3A_335, %dma_start3A_336, %dma_start3A_337] : memref<2x4096x8xf32, #tpu.memory_space<vmem>> -> memref<1x128x8xf32, #tpu.memory_space<vmem>>
      %dma_start3A_339 = tpu.memref_squeeze %dma_start3A_338 : memref<1x128x8xf32, #tpu.memory_space<vmem>> -> memref<128x8xf32, #tpu.memory_space<vmem>>
      %dma_start3A_340 = arith.constant 1792 : i32
      %dma_start3A_341 = tpu.memref_slice %arg8[%dma_start3A_340] : memref<8192xi32, #tpu.memory_space<vmem>> -> memref<128xi32, #tpu.memory_space<vmem>>
      %dma_start3A_342 = arith.constant 0 : i32
      %dma_start3A_343 = arith.constant 0 : i32
      %dma_start3A_344 = tpu.memref_slice %arg10[%dma_start3A_342, %dma_start3A_343] : memref<2048x8xf32, #tpu.memory_space<vmem_shared>> -> memref<2048x8xf32, #tpu.memory_space<vmem_shared>>
      tpu.enqueue_indirect_dma source(%dma_start3A_344 : memref<2048x8xf32, #tpu.memory_space<vmem_shared>>) target(%dma_start3A_339 : memref<128x8xf32, #tpu.memory_space<vmem>>) offsets(%dma_start3A_341 : memref<128xi32, #tpu.memory_space<vmem>>) semaphore(%arg12 : memref<!tpu.dma_semaphore, #tpu.memory_space<semaphore_mem>>)
      %dma_start3A_345 = arith.constant 0 : i32
      %dma_start3A_346 = arith.constant 1920 : i32
      %dma_start3A_347 = arith.constant 0 : i32
      %dma_start3A_348 = tpu.memref_slice %arg9[%dma_start3A_345, %dma_start3A_346, %dma_start3A_347] : memref<2x4096x8xf32, #tpu.memory_space<vmem>> -> memref<1x128x8xf32, #tpu.memory_space<vmem>>
      %dma_start3A_349 = tpu.memref_squeeze %dma_start3A_348 : memref<1x128x8xf32, #tpu.memory_space<vmem>> -> memref<128x8xf32, #tpu.memory_space<vmem>>
      %dma_start3A_350 = arith.constant 1920 : i32
      %dma_start3A_351 = tpu.memref_slice %arg8[%dma_start3A_350] : memref<8192xi32, #tpu.memory_space<vmem>> -> memref<128xi32, #tpu.memory_space<vmem>>
      %dma_start3A_352 = arith.constant 0 : i32
      %dma_start3A_353 = arith.constant 0 : i32
      %dma_start3A_354 = tpu.memref_slice %arg10[%dma_start3A_352, %dma_start3A_353] : memref<2048x8xf32, #tpu.memory_space<vmem_shared>> -> memref<2048x8xf32, #tpu.memory_space<vmem_shared>>
      tpu.enqueue_indirect_dma source(%dma_start3A_354 : memref<2048x8xf32, #tpu.memory_space<vmem_shared>>) target(%dma_start3A_349 : memref<128x8xf32, #tpu.memory_space<vmem>>) offsets(%dma_start3A_351 : memref<128xi32, #tpu.memory_space<vmem>>) semaphore(%arg12 : memref<!tpu.dma_semaphore, #tpu.memory_space<semaphore_mem>>)
      %dma_start3A_355 = arith.constant 0 : i32
      %dma_start3A_356 = arith.constant 2048 : i32
      %dma_start3A_357 = arith.constant 0 : i32
      %dma_start3A_358 = tpu.memref_slice %arg9[%dma_start3A_355, %dma_start3A_356, %dma_start3A_357] : memref<2x4096x8xf32, #tpu.memory_space<vmem>> -> memref<1x128x8xf32, #tpu.memory_space<vmem>>
      %dma_start3A_359 = tpu.memref_squeeze %dma_start3A_358 : memref<1x128x8xf32, #tpu.memory_space<vmem>> -> memref<128x8xf32, #tpu.memory_space<vmem>>
      %dma_start3A_360 = arith.constant 2048 : i32
      %dma_start3A_361 = tpu.memref_slice %arg8[%dma_start3A_360] : memref<8192xi32, #tpu.memory_space<vmem>> -> memref<128xi32, #tpu.memory_space<vmem>>
      %dma_start3A_362 = arith.constant 0 : i32
      %dma_start3A_363 = arith.constant 0 : i32
      %dma_start3A_364 = tpu.memref_slice %arg10[%dma_start3A_362, %dma_start3A_363] : memref<2048x8xf32, #tpu.memory_space<vmem_shared>> -> memref<2048x8xf32, #tpu.memory_space<vmem_shared>>
      tpu.enqueue_indirect_dma source(%dma_start3A_364 : memref<2048x8xf32, #tpu.memory_space<vmem_shared>>) target(%dma_start3A_359 : memref<128x8xf32, #tpu.memory_space<vmem>>) offsets(%dma_start3A_361 : memref<128xi32, #tpu.memory_space<vmem>>) semaphore(%arg12 : memref<!tpu.dma_semaphore, #tpu.memory_space<semaphore_mem>>)
      %dma_start3A_365 = arith.constant 0 : i32
      %dma_start3A_366 = arith.constant 2176 : i32
      %dma_start3A_367 = arith.constant 0 : i32
      %dma_start3A_368 = tpu.memref_slice %arg9[%dma_start3A_365, %dma_start3A_366, %dma_start3A_367] : memref<2x4096x8xf32, #tpu.memory_space<vmem>> -> memref<1x128x8xf32, #tpu.memory_space<vmem>>
      %dma_start3A_369 = tpu.memref_squeeze %dma_start3A_368 : memref<1x128x8xf32, #tpu.memory_space<vmem>> -> memref<128x8xf32, #tpu.memory_space<vmem>>
      %dma_start3A_370 = arith.constant 2176 : i32
      %dma_start3A_371 = tpu.memref_slice %arg8[%dma_start3A_370] : memref<8192xi32, #tpu.memory_space<vmem>> -> memref<128xi32, #tpu.memory_space<vmem>>
      %dma_start3A_372 = arith.constant 0 : i32
      %dma_start3A_373 = arith.constant 0 : i32
      %dma_start3A_374 = tpu.memref_slice %arg10[%dma_start3A_372, %dma_start3A_373] : memref<2048x8xf32, #tpu.memory_space<vmem_shared>> -> memref<2048x8xf32, #tpu.memory_space<vmem_shared>>
      tpu.enqueue_indirect_dma source(%dma_start3A_374 : memref<2048x8xf32, #tpu.memory_space<vmem_shared>>) target(%dma_start3A_369 : memref<128x8xf32, #tpu.memory_space<vmem>>) offsets(%dma_start3A_371 : memref<128xi32, #tpu.memory_space<vmem>>) semaphore(%arg12 : memref<!tpu.dma_semaphore, #tpu.memory_space<semaphore_mem>>)
      %dma_start3A_375 = arith.constant 0 : i32
      %dma_start3A_376 = arith.constant 2304 : i32
      %dma_start3A_377 = arith.constant 0 : i32
      %dma_start3A_378 = tpu.memref_slice %arg9[%dma_start3A_375, %dma_start3A_376, %dma_start3A_377] : memref<2x4096x8xf32, #tpu.memory_space<vmem>> -> memref<1x128x8xf32, #tpu.memory_space<vmem>>
      %dma_start3A_379 = tpu.memref_squeeze %dma_start3A_378 : memref<1x128x8xf32, #tpu.memory_space<vmem>> -> memref<128x8xf32, #tpu.memory_space<vmem>>
      %dma_start3A_380 = arith.constant 2304 : i32
      %dma_start3A_381 = tpu.memref_slice %arg8[%dma_start3A_380] : memref<8192xi32, #tpu.memory_space<vmem>> -> memref<128xi32, #tpu.memory_space<vmem>>
      %dma_start3A_382 = arith.constant 0 : i32
      %dma_start3A_383 = arith.constant 0 : i32
      %dma_start3A_384 = tpu.memref_slice %arg10[%dma_start3A_382, %dma_start3A_383] : memref<2048x8xf32, #tpu.memory_space<vmem_shared>> -> memref<2048x8xf32, #tpu.memory_space<vmem_shared>>
      tpu.enqueue_indirect_dma source(%dma_start3A_384 : memref<2048x8xf32, #tpu.memory_space<vmem_shared>>) target(%dma_start3A_379 : memref<128x8xf32, #tpu.memory_space<vmem>>) offsets(%dma_start3A_381 : memref<128xi32, #tpu.memory_space<vmem>>) semaphore(%arg12 : memref<!tpu.dma_semaphore, #tpu.memory_space<semaphore_mem>>)
      %dma_start3A_385 = arith.constant 0 : i32
      %dma_start3A_386 = arith.constant 2432 : i32
      %dma_start3A_387 = arith.constant 0 : i32
      %dma_start3A_388 = tpu.memref_slice %arg9[%dma_start3A_385, %dma_start3A_386, %dma_start3A_387] : memref<2x4096x8xf32, #tpu.memory_space<vmem>> -> memref<1x128x8xf32, #tpu.memory_space<vmem>>
      %dma_start3A_389 = tpu.memref_squeeze %dma_start3A_388 : memref<1x128x8xf32, #tpu.memory_space<vmem>> -> memref<128x8xf32, #tpu.memory_space<vmem>>
      %dma_start3A_390 = arith.constant 2432 : i32
      %dma_start3A_391 = tpu.memref_slice %arg8[%dma_start3A_390] : memref<8192xi32, #tpu.memory_space<vmem>> -> memref<128xi32, #tpu.memory_space<vmem>>
      %dma_start3A_392 = arith.constant 0 : i32
      %dma_start3A_393 = arith.constant 0 : i32
      %dma_start3A_394 = tpu.memref_slice %arg10[%dma_start3A_392, %dma_start3A_393] : memref<2048x8xf32, #tpu.memory_space<vmem_shared>> -> memref<2048x8xf32, #tpu.memory_space<vmem_shared>>
      tpu.enqueue_indirect_dma source(%dma_start3A_394 : memref<2048x8xf32, #tpu.memory_space<vmem_shared>>) target(%dma_start3A_389 : memref<128x8xf32, #tpu.memory_space<vmem>>) offsets(%dma_start3A_391 : memref<128xi32, #tpu.memory_space<vmem>>) semaphore(%arg12 : memref<!tpu.dma_semaphore, #tpu.memory_space<semaphore_mem>>)
      %dma_start3A_395 = arith.constant 0 : i32
      %dma_start3A_396 = arith.constant 2560 : i32
      %dma_start3A_397 = arith.constant 0 : i32
      %dma_start3A_398 = tpu.memref_slice %arg9[%dma_start3A_395, %dma_start3A_396, %dma_start3A_397] : memref<2x4096x8xf32, #tpu.memory_space<vmem>> -> memref<1x128x8xf32, #tpu.memory_space<vmem>>
      %dma_start3A_399 = tpu.memref_squeeze %dma_start3A_398 : memref<1x128x8xf32, #tpu.memory_space<vmem>> -> memref<128x8xf32, #tpu.memory_space<vmem>>
      %dma_start3A_400 = arith.constant 2560 : i32
      %dma_start3A_401 = tpu.memref_slice %arg8[%dma_start3A_400] : memref<8192xi32, #tpu.memory_space<vmem>> -> memref<128xi32, #tpu.memory_space<vmem>>
      %dma_start3A_402 = arith.constant 0 : i32
      %dma_start3A_403 = arith.constant 0 : i32
      %dma_start3A_404 = tpu.memref_slice %arg10[%dma_start3A_402, %dma_start3A_403] : memref<2048x8xf32, #tpu.memory_space<vmem_shared>> -> memref<2048x8xf32, #tpu.memory_space<vmem_shared>>
      tpu.enqueue_indirect_dma source(%dma_start3A_404 : memref<2048x8xf32, #tpu.memory_space<vmem_shared>>) target(%dma_start3A_399 : memref<128x8xf32, #tpu.memory_space<vmem>>) offsets(%dma_start3A_401 : memref<128xi32, #tpu.memory_space<vmem>>) semaphore(%arg12 : memref<!tpu.dma_semaphore, #tpu.memory_space<semaphore_mem>>)
      %dma_start3A_405 = arith.constant 0 : i32
      %dma_start3A_406 = arith.constant 2688 : i32
      %dma_start3A_407 = arith.constant 0 : i32
      %dma_start3A_408 = tpu.memref_slice %arg9[%dma_start3A_405, %dma_start3A_406, %dma_start3A_407] : memref<2x4096x8xf32, #tpu.memory_space<vmem>> -> memref<1x128x8xf32, #tpu.memory_space<vmem>>
      %dma_start3A_409 = tpu.memref_squeeze %dma_start3A_408 : memref<1x128x8xf32, #tpu.memory_space<vmem>> -> memref<128x8xf32, #tpu.memory_space<vmem>>
      %dma_start3A_410 = arith.constant 2688 : i32
      %dma_start3A_411 = tpu.memref_slice %arg8[%dma_start3A_410] : memref<8192xi32, #tpu.memory_space<vmem>> -> memref<128xi32, #tpu.memory_space<vmem>>
      %dma_start3A_412 = arith.constant 0 : i32
      %dma_start3A_413 = arith.constant 0 : i32
      %dma_start3A_414 = tpu.memref_slice %arg10[%dma_start3A_412, %dma_start3A_413] : memref<2048x8xf32, #tpu.memory_space<vmem_shared>> -> memref<2048x8xf32, #tpu.memory_space<vmem_shared>>
      tpu.enqueue_indirect_dma source(%dma_start3A_414 : memref<2048x8xf32, #tpu.memory_space<vmem_shared>>) target(%dma_start3A_409 : memref<128x8xf32, #tpu.memory_space<vmem>>) offsets(%dma_start3A_411 : memref<128xi32, #tpu.memory_space<vmem>>) semaphore(%arg12 : memref<!tpu.dma_semaphore, #tpu.memory_space<semaphore_mem>>)
      %dma_start3A_415 = arith.constant 0 : i32
      %dma_start3A_416 = arith.constant 2816 : i32
      %dma_start3A_417 = arith.constant 0 : i32
      %dma_start3A_418 = tpu.memref_slice %arg9[%dma_start3A_415, %dma_start3A_416, %dma_start3A_417] : memref<2x4096x8xf32, #tpu.memory_space<vmem>> -> memref<1x128x8xf32, #tpu.memory_space<vmem>>
      %dma_start3A_419 = tpu.memref_squeeze %dma_start3A_418 : memref<1x128x8xf32, #tpu.memory_space<vmem>> -> memref<128x8xf32, #tpu.memory_space<vmem>>
      %dma_start3A_420 = arith.constant 2816 : i32
      %dma_start3A_421 = tpu.memref_slice %arg8[%dma_start3A_420] : memref<8192xi32, #tpu.memory_space<vmem>> -> memref<128xi32, #tpu.memory_space<vmem>>
      %dma_start3A_422 = arith.constant 0 : i32
      %dma_start3A_423 = arith.constant 0 : i32
      %dma_start3A_424 = tpu.memref_slice %arg10[%dma_start3A_422, %dma_start3A_423] : memref<2048x8xf32, #tpu.memory_space<vmem_shared>> -> memref<2048x8xf32, #tpu.memory_space<vmem_shared>>
      tpu.enqueue_indirect_dma source(%dma_start3A_424 : memref<2048x8xf32, #tpu.memory_space<vmem_shared>>) target(%dma_start3A_419 : memref<128x8xf32, #tpu.memory_space<vmem>>) offsets(%dma_start3A_421 : memref<128xi32, #tpu.memory_space<vmem>>) semaphore(%arg12 : memref<!tpu.dma_semaphore, #tpu.memory_space<semaphore_mem>>)
      %dma_start3A_425 = arith.constant 0 : i32
      %dma_start3A_426 = arith.constant 2944 : i32
      %dma_start3A_427 = arith.constant 0 : i32
      %dma_start3A_428 = tpu.memref_slice %arg9[%dma_start3A_425, %dma_start3A_426, %dma_start3A_427] : memref<2x4096x8xf32, #tpu.memory_space<vmem>> -> memref<1x128x8xf32, #tpu.memory_space<vmem>>
      %dma_start3A_429 = tpu.memref_squeeze %dma_start3A_428 : memref<1x128x8xf32, #tpu.memory_space<vmem>> -> memref<128x8xf32, #tpu.memory_space<vmem>>
      %dma_start3A_430 = arith.constant 2944 : i32
      %dma_start3A_431 = tpu.memref_slice %arg8[%dma_start3A_430] : memref<8192xi32, #tpu.memory_space<vmem>> -> memref<128xi32, #tpu.memory_space<vmem>>
      %dma_start3A_432 = arith.constant 0 : i32
      %dma_start3A_433 = arith.constant 0 : i32
      %dma_start3A_434 = tpu.memref_slice %arg10[%dma_start3A_432, %dma_start3A_433] : memref<2048x8xf32, #tpu.memory_space<vmem_shared>> -> memref<2048x8xf32, #tpu.memory_space<vmem_shared>>
      tpu.enqueue_indirect_dma source(%dma_start3A_434 : memref<2048x8xf32, #tpu.memory_space<vmem_shared>>) target(%dma_start3A_429 : memref<128x8xf32, #tpu.memory_space<vmem>>) offsets(%dma_start3A_431 : memref<128xi32, #tpu.memory_space<vmem>>) semaphore(%arg12 : memref<!tpu.dma_semaphore, #tpu.memory_space<semaphore_mem>>)
      %dma_start3A_435 = arith.constant 0 : i32
      %dma_start3A_436 = arith.constant 3072 : i32
      %dma_start3A_437 = arith.constant 0 : i32
      %dma_start3A_438 = tpu.memref_slice %arg9[%dma_start3A_435, %dma_start3A_436, %dma_start3A_437] : memref<2x4096x8xf32, #tpu.memory_space<vmem>> -> memref<1x128x8xf32, #tpu.memory_space<vmem>>
      %dma_start3A_439 = tpu.memref_squeeze %dma_start3A_438 : memref<1x128x8xf32, #tpu.memory_space<vmem>> -> memref<128x8xf32, #tpu.memory_space<vmem>>
      %dma_start3A_440 = arith.constant 3072 : i32
      %dma_start3A_441 = tpu.memref_slice %arg8[%dma_start3A_440] : memref<8192xi32, #tpu.memory_space<vmem>> -> memref<128xi32, #tpu.memory_space<vmem>>
      %dma_start3A_442 = arith.constant 0 : i32
      %dma_start3A_443 = arith.constant 0 : i32
      %dma_start3A_444 = tpu.memref_slice %arg10[%dma_start3A_442, %dma_start3A_443] : memref<2048x8xf32, #tpu.memory_space<vmem_shared>> -> memref<2048x8xf32, #tpu.memory_space<vmem_shared>>
      tpu.enqueue_indirect_dma source(%dma_start3A_444 : memref<2048x8xf32, #tpu.memory_space<vmem_shared>>) target(%dma_start3A_439 : memref<128x8xf32, #tpu.memory_space<vmem>>) offsets(%dma_start3A_441 : memref<128xi32, #tpu.memory_space<vmem>>) semaphore(%arg12 : memref<!tpu.dma_semaphore, #tpu.memory_space<semaphore_mem>>)
      %dma_start3A_445 = arith.constant 0 : i32
      %dma_start3A_446 = arith.constant 3200 : i32
      %dma_start3A_447 = arith.constant 0 : i32
      %dma_start3A_448 = tpu.memref_slice %arg9[%dma_start3A_445, %dma_start3A_446, %dma_start3A_447] : memref<2x4096x8xf32, #tpu.memory_space<vmem>> -> memref<1x128x8xf32, #tpu.memory_space<vmem>>
      %dma_start3A_449 = tpu.memref_squeeze %dma_start3A_448 : memref<1x128x8xf32, #tpu.memory_space<vmem>> -> memref<128x8xf32, #tpu.memory_space<vmem>>
      %dma_start3A_450 = arith.constant 3200 : i32
      %dma_start3A_451 = tpu.memref_slice %arg8[%dma_start3A_450] : memref<8192xi32, #tpu.memory_space<vmem>> -> memref<128xi32, #tpu.memory_space<vmem>>
      %dma_start3A_452 = arith.constant 0 : i32
      %dma_start3A_453 = arith.constant 0 : i32
      %dma_start3A_454 = tpu.memref_slice %arg10[%dma_start3A_452, %dma_start3A_453] : memref<2048x8xf32, #tpu.memory_space<vmem_shared>> -> memref<2048x8xf32, #tpu.memory_space<vmem_shared>>
      tpu.enqueue_indirect_dma source(%dma_start3A_454 : memref<2048x8xf32, #tpu.memory_space<vmem_shared>>) target(%dma_start3A_449 : memref<128x8xf32, #tpu.memory_space<vmem>>) offsets(%dma_start3A_451 : memref<128xi32, #tpu.memory_space<vmem>>) semaphore(%arg12 : memref<!tpu.dma_semaphore, #tpu.memory_space<semaphore_mem>>)
      %dma_start3A_455 = arith.constant 0 : i32
      %dma_start3A_456 = arith.constant 3328 : i32
      %dma_start3A_457 = arith.constant 0 : i32
      %dma_start3A_458 = tpu.memref_slice %arg9[%dma_start3A_455, %dma_start3A_456, %dma_start3A_457] : memref<2x4096x8xf32, #tpu.memory_space<vmem>> -> memref<1x128x8xf32, #tpu.memory_space<vmem>>
      %dma_start3A_459 = tpu.memref_squeeze %dma_start3A_458 : memref<1x128x8xf32, #tpu.memory_space<vmem>> -> memref<128x8xf32, #tpu.memory_space<vmem>>
      %dma_start3A_460 = arith.constant 3328 : i32
      %dma_start3A_461 = tpu.memref_slice %arg8[%dma_start3A_460] : memref<8192xi32, #tpu.memory_space<vmem>> -> memref<128xi32, #tpu.memory_space<vmem>>
      %dma_start3A_462 = arith.constant 0 : i32
      %dma_start3A_463 = arith.constant 0 : i32
      %dma_start3A_464 = tpu.memref_slice %arg10[%dma_start3A_462, %dma_start3A_463] : memref<2048x8xf32, #tpu.memory_space<vmem_shared>> -> memref<2048x8xf32, #tpu.memory_space<vmem_shared>>
      tpu.enqueue_indirect_dma source(%dma_start3A_464 : memref<2048x8xf32, #tpu.memory_space<vmem_shared>>) target(%dma_start3A_459 : memref<128x8xf32, #tpu.memory_space<vmem>>) offsets(%dma_start3A_461 : memref<128xi32, #tpu.memory_space<vmem>>) semaphore(%arg12 : memref<!tpu.dma_semaphore, #tpu.memory_space<semaphore_mem>>)
      %dma_start3A_465 = arith.constant 0 : i32
      %dma_start3A_466 = arith.constant 3456 : i32
      %dma_start3A_467 = arith.constant 0 : i32
      %dma_start3A_468 = tpu.memref_slice %arg9[%dma_start3A_465, %dma_start3A_466, %dma_start3A_467] : memref<2x4096x8xf32, #tpu.memory_space<vmem>> -> memref<1x128x8xf32, #tpu.memory_space<vmem>>
      %dma_start3A_469 = tpu.memref_squeeze %dma_start3A_468 : memref<1x128x8xf32, #tpu.memory_space<vmem>> -> memref<128x8xf32, #tpu.memory_space<vmem>>
      %dma_start3A_470 = arith.constant 3456 : i32
      %dma_start3A_471 = tpu.memref_slice %arg8[%dma_start3A_470] : memref<8192xi32, #tpu.memory_space<vmem>> -> memref<128xi32, #tpu.memory_space<vmem>>
      %dma_start3A_472 = arith.constant 0 : i32
      %dma_start3A_473 = arith.constant 0 : i32
      %dma_start3A_474 = tpu.memref_slice %arg10[%dma_start3A_472, %dma_start3A_473] : memref<2048x8xf32, #tpu.memory_space<vmem_shared>> -> memref<2048x8xf32, #tpu.memory_space<vmem_shared>>
      tpu.enqueue_indirect_dma source(%dma_start3A_474 : memref<2048x8xf32, #tpu.memory_space<vmem_shared>>) target(%dma_start3A_469 : memref<128x8xf32, #tpu.memory_space<vmem>>) offsets(%dma_start3A_471 : memref<128xi32, #tpu.memory_space<vmem>>) semaphore(%arg12 : memref<!tpu.dma_semaphore, #tpu.memory_space<semaphore_mem>>)
      %dma_start3A_475 = arith.constant 0 : i32
      %dma_start3A_476 = arith.constant 3584 : i32
      %dma_start3A_477 = arith.constant 0 : i32
      %dma_start3A_478 = tpu.memref_slice %arg9[%dma_start3A_475, %dma_start3A_476, %dma_start3A_477] : memref<2x4096x8xf32, #tpu.memory_space<vmem>> -> memref<1x128x8xf32, #tpu.memory_space<vmem>>
      %dma_start3A_479 = tpu.memref_squeeze %dma_start3A_478 : memref<1x128x8xf32, #tpu.memory_space<vmem>> -> memref<128x8xf32, #tpu.memory_space<vmem>>
      %dma_start3A_480 = arith.constant 3584 : i32
      %dma_start3A_481 = tpu.memref_slice %arg8[%dma_start3A_480] : memref<8192xi32, #tpu.memory_space<vmem>> -> memref<128xi32, #tpu.memory_space<vmem>>
      %dma_start3A_482 = arith.constant 0 : i32
      %dma_start3A_483 = arith.constant 0 : i32
      %dma_start3A_484 = tpu.memref_slice %arg10[%dma_start3A_482, %dma_start3A_483] : memref<2048x8xf32, #tpu.memory_space<vmem_shared>> -> memref<2048x8xf32, #tpu.memory_space<vmem_shared>>
      tpu.enqueue_indirect_dma source(%dma_start3A_484 : memref<2048x8xf32, #tpu.memory_space<vmem_shared>>) target(%dma_start3A_479 : memref<128x8xf32, #tpu.memory_space<vmem>>) offsets(%dma_start3A_481 : memref<128xi32, #tpu.memory_space<vmem>>) semaphore(%arg12 : memref<!tpu.dma_semaphore, #tpu.memory_space<semaphore_mem>>)
      %dma_start3A_485 = arith.constant 0 : i32
      %dma_start3A_486 = arith.constant 3712 : i32
      %dma_start3A_487 = arith.constant 0 : i32
      %dma_start3A_488 = tpu.memref_slice %arg9[%dma_start3A_485, %dma_start3A_486, %dma_start3A_487] : memref<2x4096x8xf32, #tpu.memory_space<vmem>> -> memref<1x128x8xf32, #tpu.memory_space<vmem>>
      %dma_start3A_489 = tpu.memref_squeeze %dma_start3A_488 : memref<1x128x8xf32, #tpu.memory_space<vmem>> -> memref<128x8xf32, #tpu.memory_space<vmem>>
      %dma_start3A_490 = arith.constant 3712 : i32
      %dma_start3A_491 = tpu.memref_slice %arg8[%dma_start3A_490] : memref<8192xi32, #tpu.memory_space<vmem>> -> memref<128xi32, #tpu.memory_space<vmem>>
      %dma_start3A_492 = arith.constant 0 : i32
      %dma_start3A_493 = arith.constant 0 : i32
      %dma_start3A_494 = tpu.memref_slice %arg10[%dma_start3A_492, %dma_start3A_493] : memref<2048x8xf32, #tpu.memory_space<vmem_shared>> -> memref<2048x8xf32, #tpu.memory_space<vmem_shared>>
      tpu.enqueue_indirect_dma source(%dma_start3A_494 : memref<2048x8xf32, #tpu.memory_space<vmem_shared>>) target(%dma_start3A_489 : memref<128x8xf32, #tpu.memory_space<vmem>>) offsets(%dma_start3A_491 : memref<128xi32, #tpu.memory_space<vmem>>) semaphore(%arg12 : memref<!tpu.dma_semaphore, #tpu.memory_space<semaphore_mem>>)
      %dma_start3A_495 = arith.constant 0 : i32
      %dma_start3A_496 = arith.constant 3840 : i32
      %dma_start3A_497 = arith.constant 0 : i32
      %dma_start3A_498 = tpu.memref_slice %arg9[%dma_start3A_495, %dma_start3A_496, %dma_start3A_497] : memref<2x4096x8xf32, #tpu.memory_space<vmem>> -> memref<1x128x8xf32, #tpu.memory_space<vmem>>
      %dma_start3A_499 = tpu.memref_squeeze %dma_start3A_498 : memref<1x128x8xf32, #tpu.memory_space<vmem>> -> memref<128x8xf32, #tpu.memory_space<vmem>>
      %dma_start3A_500 = arith.constant 3840 : i32
      %dma_start3A_501 = tpu.memref_slice %arg8[%dma_start3A_500] : memref<8192xi32, #tpu.memory_space<vmem>> -> memref<128xi32, #tpu.memory_space<vmem>>
      %dma_start3A_502 = arith.constant 0 : i32
      %dma_start3A_503 = arith.constant 0 : i32
      %dma_start3A_504 = tpu.memref_slice %arg10[%dma_start3A_502, %dma_start3A_503] : memref<2048x8xf32, #tpu.memory_space<vmem_shared>> -> memref<2048x8xf32, #tpu.memory_space<vmem_shared>>
      tpu.enqueue_indirect_dma source(%dma_start3A_504 : memref<2048x8xf32, #tpu.memory_space<vmem_shared>>) target(%dma_start3A_499 : memref<128x8xf32, #tpu.memory_space<vmem>>) offsets(%dma_start3A_501 : memref<128xi32, #tpu.memory_space<vmem>>) semaphore(%arg12 : memref<!tpu.dma_semaphore, #tpu.memory_space<semaphore_mem>>)
      %dma_start3A_505 = arith.constant 0 : i32
      %dma_start3A_506 = arith.constant 3968 : i32
      %dma_start3A_507 = arith.constant 0 : i32
      %dma_start3A_508 = tpu.memref_slice %arg9[%dma_start3A_505, %dma_start3A_506, %dma_start3A_507] : memref<2x4096x8xf32, #tpu.memory_space<vmem>> -> memref<1x128x8xf32, #tpu.memory_space<vmem>>
      %dma_start3A_509 = tpu.memref_squeeze %dma_start3A_508 : memref<1x128x8xf32, #tpu.memory_space<vmem>> -> memref<128x8xf32, #tpu.memory_space<vmem>>
      %dma_start3A_510 = arith.constant 3968 : i32
      %dma_start3A_511 = tpu.memref_slice %arg8[%dma_start3A_510] : memref<8192xi32, #tpu.memory_space<vmem>> -> memref<128xi32, #tpu.memory_space<vmem>>
      %dma_start3A_512 = arith.constant 0 : i32
      %dma_start3A_513 = arith.constant 0 : i32
      %dma_start3A_514 = tpu.memref_slice %arg10[%dma_start3A_512, %dma_start3A_513] : memref<2048x8xf32, #tpu.memory_space<vmem_shared>> -> memref<2048x8xf32, #tpu.memory_space<vmem_shared>>
      tpu.enqueue_indirect_dma source(%dma_start3A_514 : memref<2048x8xf32, #tpu.memory_space<vmem_shared>>) target(%dma_start3A_509 : memref<128x8xf32, #tpu.memory_space<vmem>>) offsets(%dma_start3A_511 : memref<128xi32, #tpu.memory_space<vmem>>) semaphore(%arg12 : memref<!tpu.dma_semaphore, #tpu.memory_space<semaphore_mem>>)
      %gt3A_515 = arith.constant 0 : i32
      %gt3A_516 = arith.cmpi sgt, %add3A_163, %gt3A_515 : i32
      %convert_element_type3A_517 = arith.extui %gt3A_516 : i1 to i32
      %cond3A_518 = arith.constant 0 : i32
      %cond3A_519 = arith.cmpi ne, %convert_element_type3A_517, %cond3A_518 : i32
      scf.if %cond3A_519 {
        %dma_wait3A_917 = arith.constant 1 : i32
        %dma_wait3A_918 = arith.constant 0 : i32
        %dma_wait3A_919 = arith.constant 0 : i32
        %dma_wait3A_920 = tpu.memref_slice %arg9[%dma_wait3A_917, %dma_wait3A_918, %dma_wait3A_919] : memref<2x4096x8xf32, #tpu.memory_space<vmem>> -> memref<1x4096x8xf32, #tpu.memory_space<vmem>>
        %dma_wait3A_921 = tpu.memref_squeeze %dma_wait3A_920 : memref<1x4096x8xf32, #tpu.memory_space<vmem>> -> memref<4096x8xf32, #tpu.memory_space<vmem>>
        %dma_wait3A_922 = arith.constant 0 : i32
        %dma_wait3A_923 = arith.constant 0 : i32
        %dma_wait3A_924 = tpu.memref_slice %arg5[%dma_wait3A_922, %dma_wait3A_923] : memref<6553600x8xf32, #tpu.memory_space<hbm>> -> memref<4096x8xf32, #tpu.memory_space<hbm>>
        %dma_wait3A_925 = arith.constant 0 : i32
        %dma_wait3A_926 = arith.constant 0 : i32
        %dma_wait3A_927 = tpu.memref_slice %arg9[%dma_wait3A_917, %dma_wait3A_925, %dma_wait3A_926] : memref<2x4096x8xf32, #tpu.memory_space<vmem>> -> memref<1x4096x8xf32, #tpu.memory_space<vmem>>
        %dma_wait3A_928 = tpu.memref_squeeze %dma_wait3A_927 : memref<1x4096x8xf32, #tpu.memory_space<vmem>> -> memref<4096x8xf32, #tpu.memory_space<vmem>>
        %dma_wait3A_929 = arith.constant 0 : i32
        %dma_wait3A_930 = arith.constant 0 : i32
        %dma_wait3A_931 = tpu.memref_slice %arg5[%dma_wait3A_929, %dma_wait3A_930] : memref<6553600x8xf32, #tpu.memory_space<hbm>> -> memref<4096x8xf32, #tpu.memory_space<hbm>>
        tpu.wait_dma2 semaphore(%arg15 : memref<!tpu.dma_semaphore, #tpu.memory_space<semaphore_mem>>) src(%dma_wait3A_931 : memref<4096x8xf32, #tpu.memory_space<hbm>>) dst(%dma_wait3A_928 : memref<4096x8xf32, #tpu.memory_space<vmem>>)
      } else {
      }
      %scan3A_520 = arith.constant 0 : i32
      %scan3A_521 = arith.constant 32 : i32
      %scan3A_522 = arith.addi %scan3A_520, %scan3A_521 : i32
      %scan3A_523 = arith.constant 1 : i32
      scf.for %scan3A_917 = %scan3A_520 to %scan3A_522 step %scan3A_523  : i32 {
        %mul3A_918 = arith.constant 1 : i32
        %mul3A_919 = arith.muli %scan3A_917, %mul3A_918 : i32
        %add3A_920 = arith.constant 0 : i32
        %add3A_921 = arith.addi %add3A_920, %mul3A_919 : i32
        %mul3A_922 = arith.constant 16 : i32
        %mul3A_923 = arith.muli %add3A_921, %mul3A_922 : i32
        %add3A_924 = arith.constant 512 : i32
        %add3A_925 = arith.addi %add3A_924, %mul3A_923 : i32
        %add3A_926 = vector.broadcast %add3A_925 : i32 to vector<16xi32>
        %add3A_927 = arith.addi %add3A_926, %iota3A : vector<16xi32>
        %mul3A_928 = arith.constant 8 : i32
        %mul3A_929 = vector.broadcast %mul3A_928 : i32 to vector<16xi32>
        %mul3A_930 = arith.muli %add3A_927, %mul3A_929 : vector<16xi32>
        %broadcast_in_dim3A_931 = arith.constant 0 : i32
        %broadcast_in_dim3A_932 = vector.broadcast %broadcast_in_dim3A_931 : i32 to vector<16xi32>
        %gather3A = tpu.vector_load_idx %arg7[%broadcast_in_dim3A, %add3A_927, %broadcast_in_dim3A_932] : memref<2x1024x8xi32, #tpu.memory_space<vmem>>[vector<16xi32>, vector<16xi32>, vector<16xi32>], vector<16xi32>,
        %add3A_933 = arith.constant 0 : i32
        %add3A_934 = vector.broadcast %add3A_933 : i32 to vector<16xi32>
        %add3A_935 = arith.addi %gather3A, %add3A_934 : vector<16xi32>
        %broadcast_in_dim3A_936 = arith.constant 1 : i32
        %broadcast_in_dim3A_937 = vector.broadcast %broadcast_in_dim3A_936 : i32 to vector<16xi32>
        %gather3A_938 = tpu.vector_load_idx %arg7[%broadcast_in_dim3A, %add3A_927, %broadcast_in_dim3A_937] : memref<2x1024x8xi32, #tpu.memory_space<vmem>>[vector<16xi32>, vector<16xi32>, vector<16xi32>], vector<16xi32>,
        %add3A_939 = arith.constant 256 : i32
        %add3A_940 = vector.broadcast %add3A_939 : i32 to vector<16xi32>
        %add3A_941 = arith.addi %gather3A_938, %add3A_940 : vector<16xi32>
        %broadcast_in_dim3A_942 = arith.constant 2 : i32
        %broadcast_in_dim3A_943 = vector.broadcast %broadcast_in_dim3A_942 : i32 to vector<16xi32>
        %gather3A_944 = tpu.vector_load_idx %arg7[%broadcast_in_dim3A, %add3A_927, %broadcast_in_dim3A_943] : memref<2x1024x8xi32, #tpu.memory_space<vmem>>[vector<16xi32>, vector<16xi32>, vector<16xi32>], vector<16xi32>,
        %add3A_945 = arith.constant 512 : i32
        %add3A_946 = vector.broadcast %add3A_945 : i32 to vector<16xi32>
        %add3A_947 = arith.addi %gather3A_944, %add3A_946 : vector<16xi32>
        %broadcast_in_dim3A_948 = arith.constant 3 : i32
        %broadcast_in_dim3A_949 = vector.broadcast %broadcast_in_dim3A_948 : i32 to vector<16xi32>
        %gather3A_950 = tpu.vector_load_idx %arg7[%broadcast_in_dim3A, %add3A_927, %broadcast_in_dim3A_949] : memref<2x1024x8xi32, #tpu.memory_space<vmem>>[vector<16xi32>, vector<16xi32>, vector<16xi32>], vector<16xi32>,
        %add3A_951 = arith.constant 768 : i32
        %add3A_952 = vector.broadcast %add3A_951 : i32 to vector<16xi32>
        %add3A_953 = arith.addi %gather3A_950, %add3A_952 : vector<16xi32>
        %broadcast_in_dim3A_954 = arith.constant 4 : i32
        %broadcast_in_dim3A_955 = vector.broadcast %broadcast_in_dim3A_954 : i32 to vector<16xi32>
        %gather3A_956 = tpu.vector_load_idx %arg7[%broadcast_in_dim3A, %add3A_927, %broadcast_in_dim3A_955] : memref<2x1024x8xi32, #tpu.memory_space<vmem>>[vector<16xi32>, vector<16xi32>, vector<16xi32>], vector<16xi32>,
        %add3A_957 = arith.constant 1024 : i32
        %add3A_958 = vector.broadcast %add3A_957 : i32 to vector<16xi32>
        %add3A_959 = arith.addi %gather3A_956, %add3A_958 : vector<16xi32>
        %broadcast_in_dim3A_960 = arith.constant 5 : i32
        %broadcast_in_dim3A_961 = vector.broadcast %broadcast_in_dim3A_960 : i32 to vector<16xi32>
        %gather3A_962 = tpu.vector_load_idx %arg7[%broadcast_in_dim3A, %add3A_927, %broadcast_in_dim3A_961] : memref<2x1024x8xi32, #tpu.memory_space<vmem>>[vector<16xi32>, vector<16xi32>, vector<16xi32>], vector<16xi32>,
        %add3A_963 = arith.constant 1280 : i32
        %add3A_964 = vector.broadcast %add3A_963 : i32 to vector<16xi32>
        %add3A_965 = arith.addi %gather3A_962, %add3A_964 : vector<16xi32>
        %broadcast_in_dim3A_966 = arith.constant 6 : i32
        %broadcast_in_dim3A_967 = vector.broadcast %broadcast_in_dim3A_966 : i32 to vector<16xi32>
        %gather3A_968 = tpu.vector_load_idx %arg7[%broadcast_in_dim3A, %add3A_927, %broadcast_in_dim3A_967] : memref<2x1024x8xi32, #tpu.memory_space<vmem>>[vector<16xi32>, vector<16xi32>, vector<16xi32>], vector<16xi32>,
        %add3A_969 = arith.constant 1536 : i32
        %add3A_970 = vector.broadcast %add3A_969 : i32 to vector<16xi32>
        %add3A_971 = arith.addi %gather3A_968, %add3A_970 : vector<16xi32>
        %broadcast_in_dim3A_972 = arith.constant 7 : i32
        %broadcast_in_dim3A_973 = vector.broadcast %broadcast_in_dim3A_972 : i32 to vector<16xi32>
        %gather3A_974 = tpu.vector_load_idx %arg7[%broadcast_in_dim3A, %add3A_927, %broadcast_in_dim3A_973] : memref<2x1024x8xi32, #tpu.memory_space<vmem>>[vector<16xi32>, vector<16xi32>, vector<16xi32>], vector<16xi32>,
        %add3A_975 = arith.constant 1792 : i32
        %add3A_976 = vector.broadcast %add3A_975 : i32 to vector<16xi32>
        %add3A_977 = arith.addi %gather3A_974, %add3A_976 : vector<16xi32>
        %add3A_978 = arith.constant 0 : i32
        %add3A_979 = vector.broadcast %add3A_978 : i32 to vector<16xi32>
        %add3A_980 = arith.addi %mul3A_930, %add3A_979 : vector<16xi32>
        tpu.vector_store_idx %arg8[%add3A_980], %add3A_935 : memref<8192xi32, #tpu.memory_space<vmem>>[vector<16xi32>], vector<16xi32>,
        %add3A_981 = arith.constant 1 : i32
        %add3A_982 = vector.broadcast %add3A_981 : i32 to vector<16xi32>
        %add3A_983 = arith.addi %mul3A_930, %add3A_982 : vector<16xi32>
        tpu.vector_store_idx %arg8[%add3A_983], %add3A_941 : memref<8192xi32, #tpu.memory_space<vmem>>[vector<16xi32>], vector<16xi32>,
        %add3A_984 = arith.constant 2 : i32
        %add3A_985 = vector.broadcast %add3A_984 : i32 to vector<16xi32>
        %add3A_986 = arith.addi %mul3A_930, %add3A_985 : vector<16xi32>
        tpu.vector_store_idx %arg8[%add3A_986], %add3A_947 : memref<8192xi32, #tpu.memory_space<vmem>>[vector<16xi32>], vector<16xi32>,
        %add3A_987 = arith.constant 3 : i32
        %add3A_988 = vector.broadcast %add3A_987 : i32 to vector<16xi32>
        %add3A_989 = arith.addi %mul3A_930, %add3A_988 : vector<16xi32>
        tpu.vector_store_idx %arg8[%add3A_989], %add3A_953 : memref<8192xi32, #tpu.memory_space<vmem>>[vector<16xi32>], vector<16xi32>,
        %add3A_990 = arith.constant 4 : i32
        %add3A_991 = vector.broadcast %add3A_990 : i32 to vector<16xi32>
        %add3A_992 = arith.addi %mul3A_930, %add3A_991 : vector<16xi32>
        tpu.vector_store_idx %arg8[%add3A_992], %add3A_959 : memref<8192xi32, #tpu.memory_space<vmem>>[vector<16xi32>], vector<16xi32>,
        %add3A_993 = arith.constant 5 : i32
        %add3A_994 = vector.broadcast %add3A_993 : i32 to vector<16xi32>
        %add3A_995 = arith.addi %mul3A_930, %add3A_994 : vector<16xi32>
        tpu.vector_store_idx %arg8[%add3A_995], %add3A_965 : memref<8192xi32, #tpu.memory_space<vmem>>[vector<16xi32>], vector<16xi32>,
        %add3A_996 = arith.constant 6 : i32
        %add3A_997 = vector.broadcast %add3A_996 : i32 to vector<16xi32>
        %add3A_998 = arith.addi %mul3A_930, %add3A_997 : vector<16xi32>
        tpu.vector_store_idx %arg8[%add3A_998], %add3A_971 : memref<8192xi32, #tpu.memory_space<vmem>>[vector<16xi32>], vector<16xi32>,
        %add3A_999 = arith.constant 7 : i32
        %add3A_1000 = vector.broadcast %add3A_999 : i32 to vector<16xi32>
        %add3A_1001 = arith.addi %mul3A_930, %add3A_1000 : vector<16xi32>
        tpu.vector_store_idx %arg8[%add3A_1001], %add3A_977 : memref<8192xi32, #tpu.memory_space<vmem>>[vector<16xi32>], vector<16xi32>,
      }
      %scan3A_524 = arith.constant 32 : i32
      %dma_start3A_525 = arith.constant 1 : i32
      %dma_start3A_526 = arith.constant 0 : i32
      %dma_start3A_527 = arith.constant 0 : i32
      %dma_start3A_528 = tpu.memref_slice %arg9[%dma_start3A_525, %dma_start3A_526, %dma_start3A_527] : memref<2x4096x8xf32, #tpu.memory_space<vmem>> -> memref<1x128x8xf32, #tpu.memory_space<vmem>>
      %dma_start3A_529 = tpu.memref_squeeze %dma_start3A_528 : memref<1x128x8xf32, #tpu.memory_space<vmem>> -> memref<128x8xf32, #tpu.memory_space<vmem>>
      %dma_start3A_530 = arith.constant 4096 : i32
      %dma_start3A_531 = tpu.memref_slice %arg8[%dma_start3A_530] : memref<8192xi32, #tpu.memory_space<vmem>> -> memref<128xi32, #tpu.memory_space<vmem>>
      %dma_start3A_532 = arith.constant 0 : i32
      %dma_start3A_533 = arith.constant 0 : i32
      %dma_start3A_534 = tpu.memref_slice %arg10[%dma_start3A_532, %dma_start3A_533] : memref<2048x8xf32, #tpu.memory_space<vmem_shared>> -> memref<2048x8xf32, #tpu.memory_space<vmem_shared>>
      tpu.enqueue_indirect_dma source(%dma_start3A_534 : memref<2048x8xf32, #tpu.memory_space<vmem_shared>>) target(%dma_start3A_529 : memref<128x8xf32, #tpu.memory_space<vmem>>) offsets(%dma_start3A_531 : memref<128xi32, #tpu.memory_space<vmem>>) semaphore(%arg13 : memref<!tpu.dma_semaphore, #tpu.memory_space<semaphore_mem>>)
      %dma_start3A_535 = arith.constant 1 : i32
      %dma_start3A_536 = arith.constant 128 : i32
      %dma_start3A_537 = arith.constant 0 : i32
      %dma_start3A_538 = tpu.memref_slice %arg9[%dma_start3A_535, %dma_start3A_536, %dma_start3A_537] : memref<2x4096x8xf32, #tpu.memory_space<vmem>> -> memref<1x128x8xf32, #tpu.memory_space<vmem>>
      %dma_start3A_539 = tpu.memref_squeeze %dma_start3A_538 : memref<1x128x8xf32, #tpu.memory_space<vmem>> -> memref<128x8xf32, #tpu.memory_space<vmem>>
      %dma_start3A_540 = arith.constant 4224 : i32
      %dma_start3A_541 = tpu.memref_slice %arg8[%dma_start3A_540] : memref<8192xi32, #tpu.memory_space<vmem>> -> memref<128xi32, #tpu.memory_space<vmem>>
      %dma_start3A_542 = arith.constant 0 : i32
      %dma_start3A_543 = arith.constant 0 : i32
      %dma_start3A_544 = tpu.memref_slice %arg10[%dma_start3A_542, %dma_start3A_543] : memref<2048x8xf32, #tpu.memory_space<vmem_shared>> -> memref<2048x8xf32, #tpu.memory_space<vmem_shared>>
      tpu.enqueue_indirect_dma source(%dma_start3A_544 : memref<2048x8xf32, #tpu.memory_space<vmem_shared>>) target(%dma_start3A_539 : memref<128x8xf32, #tpu.memory_space<vmem>>) offsets(%dma_start3A_541 : memref<128xi32, #tpu.memory_space<vmem>>) semaphore(%arg13 : memref<!tpu.dma_semaphore, #tpu.memory_space<semaphore_mem>>)
      %dma_start3A_545 = arith.constant 1 : i32
      %dma_start3A_546 = arith.constant 256 : i32
      %dma_start3A_547 = arith.constant 0 : i32
      %dma_start3A_548 = tpu.memref_slice %arg9[%dma_start3A_545, %dma_start3A_546, %dma_start3A_547] : memref<2x4096x8xf32, #tpu.memory_space<vmem>> -> memref<1x128x8xf32, #tpu.memory_space<vmem>>
      %dma_start3A_549 = tpu.memref_squeeze %dma_start3A_548 : memref<1x128x8xf32, #tpu.memory_space<vmem>> -> memref<128x8xf32, #tpu.memory_space<vmem>>
      %dma_start3A_550 = arith.constant 4352 : i32
      %dma_start3A_551 = tpu.memref_slice %arg8[%dma_start3A_550] : memref<8192xi32, #tpu.memory_space<vmem>> -> memref<128xi32, #tpu.memory_space<vmem>>
      %dma_start3A_552 = arith.constant 0 : i32
      %dma_start3A_553 = arith.constant 0 : i32
      %dma_start3A_554 = tpu.memref_slice %arg10[%dma_start3A_552, %dma_start3A_553] : memref<2048x8xf32, #tpu.memory_space<vmem_shared>> -> memref<2048x8xf32, #tpu.memory_space<vmem_shared>>
      tpu.enqueue_indirect_dma source(%dma_start3A_554 : memref<2048x8xf32, #tpu.memory_space<vmem_shared>>) target(%dma_start3A_549 : memref<128x8xf32, #tpu.memory_space<vmem>>) offsets(%dma_start3A_551 : memref<128xi32, #tpu.memory_space<vmem>>) semaphore(%arg13 : memref<!tpu.dma_semaphore, #tpu.memory_space<semaphore_mem>>)
      %dma_start3A_555 = arith.constant 1 : i32
      %dma_start3A_556 = arith.constant 384 : i32
      %dma_start3A_557 = arith.constant 0 : i32
      %dma_start3A_558 = tpu.memref_slice %arg9[%dma_start3A_555, %dma_start3A_556, %dma_start3A_557] : memref<2x4096x8xf32, #tpu.memory_space<vmem>> -> memref<1x128x8xf32, #tpu.memory_space<vmem>>
      %dma_start3A_559 = tpu.memref_squeeze %dma_start3A_558 : memref<1x128x8xf32, #tpu.memory_space<vmem>> -> memref<128x8xf32, #tpu.memory_space<vmem>>
      %dma_start3A_560 = arith.constant 4480 : i32
      %dma_start3A_561 = tpu.memref_slice %arg8[%dma_start3A_560] : memref<8192xi32, #tpu.memory_space<vmem>> -> memref<128xi32, #tpu.memory_space<vmem>>
      %dma_start3A_562 = arith.constant 0 : i32
      %dma_start3A_563 = arith.constant 0 : i32
      %dma_start3A_564 = tpu.memref_slice %arg10[%dma_start3A_562, %dma_start3A_563] : memref<2048x8xf32, #tpu.memory_space<vmem_shared>> -> memref<2048x8xf32, #tpu.memory_space<vmem_shared>>
      tpu.enqueue_indirect_dma source(%dma_start3A_564 : memref<2048x8xf32, #tpu.memory_space<vmem_shared>>) target(%dma_start3A_559 : memref<128x8xf32, #tpu.memory_space<vmem>>) offsets(%dma_start3A_561 : memref<128xi32, #tpu.memory_space<vmem>>) semaphore(%arg13 : memref<!tpu.dma_semaphore, #tpu.memory_space<semaphore_mem>>)
      %dma_start3A_565 = arith.constant 1 : i32
      %dma_start3A_566 = arith.constant 512 : i32
      %dma_start3A_567 = arith.constant 0 : i32
      %dma_start3A_568 = tpu.memref_slice %arg9[%dma_start3A_565, %dma_start3A_566, %dma_start3A_567] : memref<2x4096x8xf32, #tpu.memory_space<vmem>> -> memref<1x128x8xf32, #tpu.memory_space<vmem>>
      %dma_start3A_569 = tpu.memref_squeeze %dma_start3A_568 : memref<1x128x8xf32, #tpu.memory_space<vmem>> -> memref<128x8xf32, #tpu.memory_space<vmem>>
      %dma_start3A_570 = arith.constant 4608 : i32
      %dma_start3A_571 = tpu.memref_slice %arg8[%dma_start3A_570] : memref<8192xi32, #tpu.memory_space<vmem>> -> memref<128xi32, #tpu.memory_space<vmem>>
      %dma_start3A_572 = arith.constant 0 : i32
      %dma_start3A_573 = arith.constant 0 : i32
      %dma_start3A_574 = tpu.memref_slice %arg10[%dma_start3A_572, %dma_start3A_573] : memref<2048x8xf32, #tpu.memory_space<vmem_shared>> -> memref<2048x8xf32, #tpu.memory_space<vmem_shared>>
      tpu.enqueue_indirect_dma source(%dma_start3A_574 : memref<2048x8xf32, #tpu.memory_space<vmem_shared>>) target(%dma_start3A_569 : memref<128x8xf32, #tpu.memory_space<vmem>>) offsets(%dma_start3A_571 : memref<128xi32, #tpu.memory_space<vmem>>) semaphore(%arg13 : memref<!tpu.dma_semaphore, #tpu.memory_space<semaphore_mem>>)
      %dma_start3A_575 = arith.constant 1 : i32
      %dma_start3A_576 = arith.constant 640 : i32
      %dma_start3A_577 = arith.constant 0 : i32
      %dma_start3A_578 = tpu.memref_slice %arg9[%dma_start3A_575, %dma_start3A_576, %dma_start3A_577] : memref<2x4096x8xf32, #tpu.memory_space<vmem>> -> memref<1x128x8xf32, #tpu.memory_space<vmem>>
      %dma_start3A_579 = tpu.memref_squeeze %dma_start3A_578 : memref<1x128x8xf32, #tpu.memory_space<vmem>> -> memref<128x8xf32, #tpu.memory_space<vmem>>
      %dma_start3A_580 = arith.constant 4736 : i32
      %dma_start3A_581 = tpu.memref_slice %arg8[%dma_start3A_580] : memref<8192xi32, #tpu.memory_space<vmem>> -> memref<128xi32, #tpu.memory_space<vmem>>
      %dma_start3A_582 = arith.constant 0 : i32
      %dma_start3A_583 = arith.constant 0 : i32
      %dma_start3A_584 = tpu.memref_slice %arg10[%dma_start3A_582, %dma_start3A_583] : memref<2048x8xf32, #tpu.memory_space<vmem_shared>> -> memref<2048x8xf32, #tpu.memory_space<vmem_shared>>
      tpu.enqueue_indirect_dma source(%dma_start3A_584 : memref<2048x8xf32, #tpu.memory_space<vmem_shared>>) target(%dma_start3A_579 : memref<128x8xf32, #tpu.memory_space<vmem>>) offsets(%dma_start3A_581 : memref<128xi32, #tpu.memory_space<vmem>>) semaphore(%arg13 : memref<!tpu.dma_semaphore, #tpu.memory_space<semaphore_mem>>)
      %dma_start3A_585 = arith.constant 1 : i32
      %dma_start3A_586 = arith.constant 768 : i32
      %dma_start3A_587 = arith.constant 0 : i32
      %dma_start3A_588 = tpu.memref_slice %arg9[%dma_start3A_585, %dma_start3A_586, %dma_start3A_587] : memref<2x4096x8xf32, #tpu.memory_space<vmem>> -> memref<1x128x8xf32, #tpu.memory_space<vmem>>
      %dma_start3A_589 = tpu.memref_squeeze %dma_start3A_588 : memref<1x128x8xf32, #tpu.memory_space<vmem>> -> memref<128x8xf32, #tpu.memory_space<vmem>>
      %dma_start3A_590 = arith.constant 4864 : i32
      %dma_start3A_591 = tpu.memref_slice %arg8[%dma_start3A_590] : memref<8192xi32, #tpu.memory_space<vmem>> -> memref<128xi32, #tpu.memory_space<vmem>>
      %dma_start3A_592 = arith.constant 0 : i32
      %dma_start3A_593 = arith.constant 0 : i32
      %dma_start3A_594 = tpu.memref_slice %arg10[%dma_start3A_592, %dma_start3A_593] : memref<2048x8xf32, #tpu.memory_space<vmem_shared>> -> memref<2048x8xf32, #tpu.memory_space<vmem_shared>>
      tpu.enqueue_indirect_dma source(%dma_start3A_594 : memref<2048x8xf32, #tpu.memory_space<vmem_shared>>) target(%dma_start3A_589 : memref<128x8xf32, #tpu.memory_space<vmem>>) offsets(%dma_start3A_591 : memref<128xi32, #tpu.memory_space<vmem>>) semaphore(%arg13 : memref<!tpu.dma_semaphore, #tpu.memory_space<semaphore_mem>>)
      %dma_start3A_595 = arith.constant 1 : i32
      %dma_start3A_596 = arith.constant 896 : i32
      %dma_start3A_597 = arith.constant 0 : i32
      %dma_start3A_598 = tpu.memref_slice %arg9[%dma_start3A_595, %dma_start3A_596, %dma_start3A_597] : memref<2x4096x8xf32, #tpu.memory_space<vmem>> -> memref<1x128x8xf32, #tpu.memory_space<vmem>>
      %dma_start3A_599 = tpu.memref_squeeze %dma_start3A_598 : memref<1x128x8xf32, #tpu.memory_space<vmem>> -> memref<128x8xf32, #tpu.memory_space<vmem>>
      %dma_start3A_600 = arith.constant 4992 : i32
      %dma_start3A_601 = tpu.memref_slice %arg8[%dma_start3A_600] : memref<8192xi32, #tpu.memory_space<vmem>> -> memref<128xi32, #tpu.memory_space<vmem>>
      %dma_start3A_602 = arith.constant 0 : i32
      %dma_start3A_603 = arith.constant 0 : i32
      %dma_start3A_604 = tpu.memref_slice %arg10[%dma_start3A_602, %dma_start3A_603] : memref<2048x8xf32, #tpu.memory_space<vmem_shared>> -> memref<2048x8xf32, #tpu.memory_space<vmem_shared>>
      tpu.enqueue_indirect_dma source(%dma_start3A_604 : memref<2048x8xf32, #tpu.memory_space<vmem_shared>>) target(%dma_start3A_599 : memref<128x8xf32, #tpu.memory_space<vmem>>) offsets(%dma_start3A_601 : memref<128xi32, #tpu.memory_space<vmem>>) semaphore(%arg13 : memref<!tpu.dma_semaphore, #tpu.memory_space<semaphore_mem>>)
      %dma_start3A_605 = arith.constant 1 : i32
      %dma_start3A_606 = arith.constant 1024 : i32
      %dma_start3A_607 = arith.constant 0 : i32
      %dma_start3A_608 = tpu.memref_slice %arg9[%dma_start3A_605, %dma_start3A_606, %dma_start3A_607] : memref<2x4096x8xf32, #tpu.memory_space<vmem>> -> memref<1x128x8xf32, #tpu.memory_space<vmem>>
      %dma_start3A_609 = tpu.memref_squeeze %dma_start3A_608 : memref<1x128x8xf32, #tpu.memory_space<vmem>> -> memref<128x8xf32, #tpu.memory_space<vmem>>
      %dma_start3A_610 = arith.constant 5120 : i32
      %dma_start3A_611 = tpu.memref_slice %arg8[%dma_start3A_610] : memref<8192xi32, #tpu.memory_space<vmem>> -> memref<128xi32, #tpu.memory_space<vmem>>
      %dma_start3A_612 = arith.constant 0 : i32
      %dma_start3A_613 = arith.constant 0 : i32
      %dma_start3A_614 = tpu.memref_slice %arg10[%dma_start3A_612, %dma_start3A_613] : memref<2048x8xf32, #tpu.memory_space<vmem_shared>> -> memref<2048x8xf32, #tpu.memory_space<vmem_shared>>
      tpu.enqueue_indirect_dma source(%dma_start3A_614 : memref<2048x8xf32, #tpu.memory_space<vmem_shared>>) target(%dma_start3A_609 : memref<128x8xf32, #tpu.memory_space<vmem>>) offsets(%dma_start3A_611 : memref<128xi32, #tpu.memory_space<vmem>>) semaphore(%arg13 : memref<!tpu.dma_semaphore, #tpu.memory_space<semaphore_mem>>)
      %dma_start3A_615 = arith.constant 1 : i32
      %dma_start3A_616 = arith.constant 1152 : i32
      %dma_start3A_617 = arith.constant 0 : i32
      %dma_start3A_618 = tpu.memref_slice %arg9[%dma_start3A_615, %dma_start3A_616, %dma_start3A_617] : memref<2x4096x8xf32, #tpu.memory_space<vmem>> -> memref<1x128x8xf32, #tpu.memory_space<vmem>>
      %dma_start3A_619 = tpu.memref_squeeze %dma_start3A_618 : memref<1x128x8xf32, #tpu.memory_space<vmem>> -> memref<128x8xf32, #tpu.memory_space<vmem>>
      %dma_start3A_620 = arith.constant 5248 : i32
      %dma_start3A_621 = tpu.memref_slice %arg8[%dma_start3A_620] : memref<8192xi32, #tpu.memory_space<vmem>> -> memref<128xi32, #tpu.memory_space<vmem>>
      %dma_start3A_622 = arith.constant 0 : i32
      %dma_start3A_623 = arith.constant 0 : i32
      %dma_start3A_624 = tpu.memref_slice %arg10[%dma_start3A_622, %dma_start3A_623] : memref<2048x8xf32, #tpu.memory_space<vmem_shared>> -> memref<2048x8xf32, #tpu.memory_space<vmem_shared>>
      tpu.enqueue_indirect_dma source(%dma_start3A_624 : memref<2048x8xf32, #tpu.memory_space<vmem_shared>>) target(%dma_start3A_619 : memref<128x8xf32, #tpu.memory_space<vmem>>) offsets(%dma_start3A_621 : memref<128xi32, #tpu.memory_space<vmem>>) semaphore(%arg13 : memref<!tpu.dma_semaphore, #tpu.memory_space<semaphore_mem>>)
      %dma_start3A_625 = arith.constant 1 : i32
      %dma_start3A_626 = arith.constant 1280 : i32
      %dma_start3A_627 = arith.constant 0 : i32
      %dma_start3A_628 = tpu.memref_slice %arg9[%dma_start3A_625, %dma_start3A_626, %dma_start3A_627] : memref<2x4096x8xf32, #tpu.memory_space<vmem>> -> memref<1x128x8xf32, #tpu.memory_space<vmem>>
      %dma_start3A_629 = tpu.memref_squeeze %dma_start3A_628 : memref<1x128x8xf32, #tpu.memory_space<vmem>> -> memref<128x8xf32, #tpu.memory_space<vmem>>
      %dma_start3A_630 = arith.constant 5376 : i32
      %dma_start3A_631 = tpu.memref_slice %arg8[%dma_start3A_630] : memref<8192xi32, #tpu.memory_space<vmem>> -> memref<128xi32, #tpu.memory_space<vmem>>
      %dma_start3A_632 = arith.constant 0 : i32
      %dma_start3A_633 = arith.constant 0 : i32
      %dma_start3A_634 = tpu.memref_slice %arg10[%dma_start3A_632, %dma_start3A_633] : memref<2048x8xf32, #tpu.memory_space<vmem_shared>> -> memref<2048x8xf32, #tpu.memory_space<vmem_shared>>
      tpu.enqueue_indirect_dma source(%dma_start3A_634 : memref<2048x8xf32, #tpu.memory_space<vmem_shared>>) target(%dma_start3A_629 : memref<128x8xf32, #tpu.memory_space<vmem>>) offsets(%dma_start3A_631 : memref<128xi32, #tpu.memory_space<vmem>>) semaphore(%arg13 : memref<!tpu.dma_semaphore, #tpu.memory_space<semaphore_mem>>)
      %dma_start3A_635 = arith.constant 1 : i32
      %dma_start3A_636 = arith.constant 1408 : i32
      %dma_start3A_637 = arith.constant 0 : i32
      %dma_start3A_638 = tpu.memref_slice %arg9[%dma_start3A_635, %dma_start3A_636, %dma_start3A_637] : memref<2x4096x8xf32, #tpu.memory_space<vmem>> -> memref<1x128x8xf32, #tpu.memory_space<vmem>>
      %dma_start3A_639 = tpu.memref_squeeze %dma_start3A_638 : memref<1x128x8xf32, #tpu.memory_space<vmem>> -> memref<128x8xf32, #tpu.memory_space<vmem>>
      %dma_start3A_640 = arith.constant 5504 : i32
      %dma_start3A_641 = tpu.memref_slice %arg8[%dma_start3A_640] : memref<8192xi32, #tpu.memory_space<vmem>> -> memref<128xi32, #tpu.memory_space<vmem>>
      %dma_start3A_642 = arith.constant 0 : i32
      %dma_start3A_643 = arith.constant 0 : i32
      %dma_start3A_644 = tpu.memref_slice %arg10[%dma_start3A_642, %dma_start3A_643] : memref<2048x8xf32, #tpu.memory_space<vmem_shared>> -> memref<2048x8xf32, #tpu.memory_space<vmem_shared>>
      tpu.enqueue_indirect_dma source(%dma_start3A_644 : memref<2048x8xf32, #tpu.memory_space<vmem_shared>>) target(%dma_start3A_639 : memref<128x8xf32, #tpu.memory_space<vmem>>) offsets(%dma_start3A_641 : memref<128xi32, #tpu.memory_space<vmem>>) semaphore(%arg13 : memref<!tpu.dma_semaphore, #tpu.memory_space<semaphore_mem>>)
      %dma_start3A_645 = arith.constant 1 : i32
      %dma_start3A_646 = arith.constant 1536 : i32
      %dma_start3A_647 = arith.constant 0 : i32
      %dma_start3A_648 = tpu.memref_slice %arg9[%dma_start3A_645, %dma_start3A_646, %dma_start3A_647] : memref<2x4096x8xf32, #tpu.memory_space<vmem>> -> memref<1x128x8xf32, #tpu.memory_space<vmem>>
      %dma_start3A_649 = tpu.memref_squeeze %dma_start3A_648 : memref<1x128x8xf32, #tpu.memory_space<vmem>> -> memref<128x8xf32, #tpu.memory_space<vmem>>
      %dma_start3A_650 = arith.constant 5632 : i32
      %dma_start3A_651 = tpu.memref_slice %arg8[%dma_start3A_650] : memref<8192xi32, #tpu.memory_space<vmem>> -> memref<128xi32, #tpu.memory_space<vmem>>
      %dma_start3A_652 = arith.constant 0 : i32
      %dma_start3A_653 = arith.constant 0 : i32
      %dma_start3A_654 = tpu.memref_slice %arg10[%dma_start3A_652, %dma_start3A_653] : memref<2048x8xf32, #tpu.memory_space<vmem_shared>> -> memref<2048x8xf32, #tpu.memory_space<vmem_shared>>
      tpu.enqueue_indirect_dma source(%dma_start3A_654 : memref<2048x8xf32, #tpu.memory_space<vmem_shared>>) target(%dma_start3A_649 : memref<128x8xf32, #tpu.memory_space<vmem>>) offsets(%dma_start3A_651 : memref<128xi32, #tpu.memory_space<vmem>>) semaphore(%arg13 : memref<!tpu.dma_semaphore, #tpu.memory_space<semaphore_mem>>)
      %dma_start3A_655 = arith.constant 1 : i32
      %dma_start3A_656 = arith.constant 1664 : i32
      %dma_start3A_657 = arith.constant 0 : i32
      %dma_start3A_658 = tpu.memref_slice %arg9[%dma_start3A_655, %dma_start3A_656, %dma_start3A_657] : memref<2x4096x8xf32, #tpu.memory_space<vmem>> -> memref<1x128x8xf32, #tpu.memory_space<vmem>>
      %dma_start3A_659 = tpu.memref_squeeze %dma_start3A_658 : memref<1x128x8xf32, #tpu.memory_space<vmem>> -> memref<128x8xf32, #tpu.memory_space<vmem>>
      %dma_start3A_660 = arith.constant 5760 : i32
      %dma_start3A_661 = tpu.memref_slice %arg8[%dma_start3A_660] : memref<8192xi32, #tpu.memory_space<vmem>> -> memref<128xi32, #tpu.memory_space<vmem>>
      %dma_start3A_662 = arith.constant 0 : i32
      %dma_start3A_663 = arith.constant 0 : i32
      %dma_start3A_664 = tpu.memref_slice %arg10[%dma_start3A_662, %dma_start3A_663] : memref<2048x8xf32, #tpu.memory_space<vmem_shared>> -> memref<2048x8xf32, #tpu.memory_space<vmem_shared>>
      tpu.enqueue_indirect_dma source(%dma_start3A_664 : memref<2048x8xf32, #tpu.memory_space<vmem_shared>>) target(%dma_start3A_659 : memref<128x8xf32, #tpu.memory_space<vmem>>) offsets(%dma_start3A_661 : memref<128xi32, #tpu.memory_space<vmem>>) semaphore(%arg13 : memref<!tpu.dma_semaphore, #tpu.memory_space<semaphore_mem>>)
      %dma_start3A_665 = arith.constant 1 : i32
      %dma_start3A_666 = arith.constant 1792 : i32
      %dma_start3A_667 = arith.constant 0 : i32
      %dma_start3A_668 = tpu.memref_slice %arg9[%dma_start3A_665, %dma_start3A_666, %dma_start3A_667] : memref<2x4096x8xf32, #tpu.memory_space<vmem>> -> memref<1x128x8xf32, #tpu.memory_space<vmem>>
      %dma_start3A_669 = tpu.memref_squeeze %dma_start3A_668 : memref<1x128x8xf32, #tpu.memory_space<vmem>> -> memref<128x8xf32, #tpu.memory_space<vmem>>
      %dma_start3A_670 = arith.constant 5888 : i32
      %dma_start3A_671 = tpu.memref_slice %arg8[%dma_start3A_670] : memref<8192xi32, #tpu.memory_space<vmem>> -> memref<128xi32, #tpu.memory_space<vmem>>
      %dma_start3A_672 = arith.constant 0 : i32
      %dma_start3A_673 = arith.constant 0 : i32
      %dma_start3A_674 = tpu.memref_slice %arg10[%dma_start3A_672, %dma_start3A_673] : memref<2048x8xf32, #tpu.memory_space<vmem_shared>> -> memref<2048x8xf32, #tpu.memory_space<vmem_shared>>
      tpu.enqueue_indirect_dma source(%dma_start3A_674 : memref<2048x8xf32, #tpu.memory_space<vmem_shared>>) target(%dma_start3A_669 : memref<128x8xf32, #tpu.memory_space<vmem>>) offsets(%dma_start3A_671 : memref<128xi32, #tpu.memory_space<vmem>>) semaphore(%arg13 : memref<!tpu.dma_semaphore, #tpu.memory_space<semaphore_mem>>)
      %dma_start3A_675 = arith.constant 1 : i32
      %dma_start3A_676 = arith.constant 1920 : i32
      %dma_start3A_677 = arith.constant 0 : i32
      %dma_start3A_678 = tpu.memref_slice %arg9[%dma_start3A_675, %dma_start3A_676, %dma_start3A_677] : memref<2x4096x8xf32, #tpu.memory_space<vmem>> -> memref<1x128x8xf32, #tpu.memory_space<vmem>>
      %dma_start3A_679 = tpu.memref_squeeze %dma_start3A_678 : memref<1x128x8xf32, #tpu.memory_space<vmem>> -> memref<128x8xf32, #tpu.memory_space<vmem>>
      %dma_start3A_680 = arith.constant 6016 : i32
      %dma_start3A_681 = tpu.memref_slice %arg8[%dma_start3A_680] : memref<8192xi32, #tpu.memory_space<vmem>> -> memref<128xi32, #tpu.memory_space<vmem>>
      %dma_start3A_682 = arith.constant 0 : i32
      %dma_start3A_683 = arith.constant 0 : i32
      %dma_start3A_684 = tpu.memref_slice %arg10[%dma_start3A_682, %dma_start3A_683] : memref<2048x8xf32, #tpu.memory_space<vmem_shared>> -> memref<2048x8xf32, #tpu.memory_space<vmem_shared>>
      tpu.enqueue_indirect_dma source(%dma_start3A_684 : memref<2048x8xf32, #tpu.memory_space<vmem_shared>>) target(%dma_start3A_679 : memref<128x8xf32, #tpu.memory_space<vmem>>) offsets(%dma_start3A_681 : memref<128xi32, #tpu.memory_space<vmem>>) semaphore(%arg13 : memref<!tpu.dma_semaphore, #tpu.memory_space<semaphore_mem>>)
      %dma_start3A_685 = arith.constant 1 : i32
      %dma_start3A_686 = arith.constant 2048 : i32
      %dma_start3A_687 = arith.constant 0 : i32
      %dma_start3A_688 = tpu.memref_slice %arg9[%dma_start3A_685, %dma_start3A_686, %dma_start3A_687] : memref<2x4096x8xf32, #tpu.memory_space<vmem>> -> memref<1x128x8xf32, #tpu.memory_space<vmem>>
      %dma_start3A_689 = tpu.memref_squeeze %dma_start3A_688 : memref<1x128x8xf32, #tpu.memory_space<vmem>> -> memref<128x8xf32, #tpu.memory_space<vmem>>
      %dma_start3A_690 = arith.constant 6144 : i32
      %dma_start3A_691 = tpu.memref_slice %arg8[%dma_start3A_690] : memref<8192xi32, #tpu.memory_space<vmem>> -> memref<128xi32, #tpu.memory_space<vmem>>
      %dma_start3A_692 = arith.constant 0 : i32
      %dma_start3A_693 = arith.constant 0 : i32
      %dma_start3A_694 = tpu.memref_slice %arg10[%dma_start3A_692, %dma_start3A_693] : memref<2048x8xf32, #tpu.memory_space<vmem_shared>> -> memref<2048x8xf32, #tpu.memory_space<vmem_shared>>
      tpu.enqueue_indirect_dma source(%dma_start3A_694 : memref<2048x8xf32, #tpu.memory_space<vmem_shared>>) target(%dma_start3A_689 : memref<128x8xf32, #tpu.memory_space<vmem>>) offsets(%dma_start3A_691 : memref<128xi32, #tpu.memory_space<vmem>>) semaphore(%arg13 : memref<!tpu.dma_semaphore, #tpu.memory_space<semaphore_mem>>)
      %dma_start3A_695 = arith.constant 1 : i32
      %dma_start3A_696 = arith.constant 2176 : i32
      %dma_start3A_697 = arith.constant 0 : i32
      %dma_start3A_698 = tpu.memref_slice %arg9[%dma_start3A_695, %dma_start3A_696, %dma_start3A_697] : memref<2x4096x8xf32, #tpu.memory_space<vmem>> -> memref<1x128x8xf32, #tpu.memory_space<vmem>>
      %dma_start3A_699 = tpu.memref_squeeze %dma_start3A_698 : memref<1x128x8xf32, #tpu.memory_space<vmem>> -> memref<128x8xf32, #tpu.memory_space<vmem>>
      %dma_start3A_700 = arith.constant 6272 : i32
      %dma_start3A_701 = tpu.memref_slice %arg8[%dma_start3A_700] : memref<8192xi32, #tpu.memory_space<vmem>> -> memref<128xi32, #tpu.memory_space<vmem>>
      %dma_start3A_702 = arith.constant 0 : i32
      %dma_start3A_703 = arith.constant 0 : i32
      %dma_start3A_704 = tpu.memref_slice %arg10[%dma_start3A_702, %dma_start3A_703] : memref<2048x8xf32, #tpu.memory_space<vmem_shared>> -> memref<2048x8xf32, #tpu.memory_space<vmem_shared>>
      tpu.enqueue_indirect_dma source(%dma_start3A_704 : memref<2048x8xf32, #tpu.memory_space<vmem_shared>>) target(%dma_start3A_699 : memref<128x8xf32, #tpu.memory_space<vmem>>) offsets(%dma_start3A_701 : memref<128xi32, #tpu.memory_space<vmem>>) semaphore(%arg13 : memref<!tpu.dma_semaphore, #tpu.memory_space<semaphore_mem>>)
      %dma_start3A_705 = arith.constant 1 : i32
      %dma_start3A_706 = arith.constant 2304 : i32
      %dma_start3A_707 = arith.constant 0 : i32
      %dma_start3A_708 = tpu.memref_slice %arg9[%dma_start3A_705, %dma_start3A_706, %dma_start3A_707] : memref<2x4096x8xf32, #tpu.memory_space<vmem>> -> memref<1x128x8xf32, #tpu.memory_space<vmem>>
      %dma_start3A_709 = tpu.memref_squeeze %dma_start3A_708 : memref<1x128x8xf32, #tpu.memory_space<vmem>> -> memref<128x8xf32, #tpu.memory_space<vmem>>
      %dma_start3A_710 = arith.constant 6400 : i32
      %dma_start3A_711 = tpu.memref_slice %arg8[%dma_start3A_710] : memref<8192xi32, #tpu.memory_space<vmem>> -> memref<128xi32, #tpu.memory_space<vmem>>
      %dma_start3A_712 = arith.constant 0 : i32
      %dma_start3A_713 = arith.constant 0 : i32
      %dma_start3A_714 = tpu.memref_slice %arg10[%dma_start3A_712, %dma_start3A_713] : memref<2048x8xf32, #tpu.memory_space<vmem_shared>> -> memref<2048x8xf32, #tpu.memory_space<vmem_shared>>
      tpu.enqueue_indirect_dma source(%dma_start3A_714 : memref<2048x8xf32, #tpu.memory_space<vmem_shared>>) target(%dma_start3A_709 : memref<128x8xf32, #tpu.memory_space<vmem>>) offsets(%dma_start3A_711 : memref<128xi32, #tpu.memory_space<vmem>>) semaphore(%arg13 : memref<!tpu.dma_semaphore, #tpu.memory_space<semaphore_mem>>)
      %dma_start3A_715 = arith.constant 1 : i32
      %dma_start3A_716 = arith.constant 2432 : i32
      %dma_start3A_717 = arith.constant 0 : i32
      %dma_start3A_718 = tpu.memref_slice %arg9[%dma_start3A_715, %dma_start3A_716, %dma_start3A_717] : memref<2x4096x8xf32, #tpu.memory_space<vmem>> -> memref<1x128x8xf32, #tpu.memory_space<vmem>>
      %dma_start3A_719 = tpu.memref_squeeze %dma_start3A_718 : memref<1x128x8xf32, #tpu.memory_space<vmem>> -> memref<128x8xf32, #tpu.memory_space<vmem>>
      %dma_start3A_720 = arith.constant 6528 : i32
      %dma_start3A_721 = tpu.memref_slice %arg8[%dma_start3A_720] : memref<8192xi32, #tpu.memory_space<vmem>> -> memref<128xi32, #tpu.memory_space<vmem>>
      %dma_start3A_722 = arith.constant 0 : i32
      %dma_start3A_723 = arith.constant 0 : i32
      %dma_start3A_724 = tpu.memref_slice %arg10[%dma_start3A_722, %dma_start3A_723] : memref<2048x8xf32, #tpu.memory_space<vmem_shared>> -> memref<2048x8xf32, #tpu.memory_space<vmem_shared>>
      tpu.enqueue_indirect_dma source(%dma_start3A_724 : memref<2048x8xf32, #tpu.memory_space<vmem_shared>>) target(%dma_start3A_719 : memref<128x8xf32, #tpu.memory_space<vmem>>) offsets(%dma_start3A_721 : memref<128xi32, #tpu.memory_space<vmem>>) semaphore(%arg13 : memref<!tpu.dma_semaphore, #tpu.memory_space<semaphore_mem>>)
      %dma_start3A_725 = arith.constant 1 : i32
      %dma_start3A_726 = arith.constant 2560 : i32
      %dma_start3A_727 = arith.constant 0 : i32
      %dma_start3A_728 = tpu.memref_slice %arg9[%dma_start3A_725, %dma_start3A_726, %dma_start3A_727] : memref<2x4096x8xf32, #tpu.memory_space<vmem>> -> memref<1x128x8xf32, #tpu.memory_space<vmem>>
      %dma_start3A_729 = tpu.memref_squeeze %dma_start3A_728 : memref<1x128x8xf32, #tpu.memory_space<vmem>> -> memref<128x8xf32, #tpu.memory_space<vmem>>
      %dma_start3A_730 = arith.constant 6656 : i32
      %dma_start3A_731 = tpu.memref_slice %arg8[%dma_start3A_730] : memref<8192xi32, #tpu.memory_space<vmem>> -> memref<128xi32, #tpu.memory_space<vmem>>
      %dma_start3A_732 = arith.constant 0 : i32
      %dma_start3A_733 = arith.constant 0 : i32
      %dma_start3A_734 = tpu.memref_slice %arg10[%dma_start3A_732, %dma_start3A_733] : memref<2048x8xf32, #tpu.memory_space<vmem_shared>> -> memref<2048x8xf32, #tpu.memory_space<vmem_shared>>
      tpu.enqueue_indirect_dma source(%dma_start3A_734 : memref<2048x8xf32, #tpu.memory_space<vmem_shared>>) target(%dma_start3A_729 : memref<128x8xf32, #tpu.memory_space<vmem>>) offsets(%dma_start3A_731 : memref<128xi32, #tpu.memory_space<vmem>>) semaphore(%arg13 : memref<!tpu.dma_semaphore, #tpu.memory_space<semaphore_mem>>)
      %dma_start3A_735 = arith.constant 1 : i32
      %dma_start3A_736 = arith.constant 2688 : i32
      %dma_start3A_737 = arith.constant 0 : i32
      %dma_start3A_738 = tpu.memref_slice %arg9[%dma_start3A_735, %dma_start3A_736, %dma_start3A_737] : memref<2x4096x8xf32, #tpu.memory_space<vmem>> -> memref<1x128x8xf32, #tpu.memory_space<vmem>>
      %dma_start3A_739 = tpu.memref_squeeze %dma_start3A_738 : memref<1x128x8xf32, #tpu.memory_space<vmem>> -> memref<128x8xf32, #tpu.memory_space<vmem>>
      %dma_start3A_740 = arith.constant 6784 : i32
      %dma_start3A_741 = tpu.memref_slice %arg8[%dma_start3A_740] : memref<8192xi32, #tpu.memory_space<vmem>> -> memref<128xi32, #tpu.memory_space<vmem>>
      %dma_start3A_742 = arith.constant 0 : i32
      %dma_start3A_743 = arith.constant 0 : i32
      %dma_start3A_744 = tpu.memref_slice %arg10[%dma_start3A_742, %dma_start3A_743] : memref<2048x8xf32, #tpu.memory_space<vmem_shared>> -> memref<2048x8xf32, #tpu.memory_space<vmem_shared>>
      tpu.enqueue_indirect_dma source(%dma_start3A_744 : memref<2048x8xf32, #tpu.memory_space<vmem_shared>>) target(%dma_start3A_739 : memref<128x8xf32, #tpu.memory_space<vmem>>) offsets(%dma_start3A_741 : memref<128xi32, #tpu.memory_space<vmem>>) semaphore(%arg13 : memref<!tpu.dma_semaphore, #tpu.memory_space<semaphore_mem>>)
      %dma_start3A_745 = arith.constant 1 : i32
      %dma_start3A_746 = arith.constant 2816 : i32
      %dma_start3A_747 = arith.constant 0 : i32
      %dma_start3A_748 = tpu.memref_slice %arg9[%dma_start3A_745, %dma_start3A_746, %dma_start3A_747] : memref<2x4096x8xf32, #tpu.memory_space<vmem>> -> memref<1x128x8xf32, #tpu.memory_space<vmem>>
      %dma_start3A_749 = tpu.memref_squeeze %dma_start3A_748 : memref<1x128x8xf32, #tpu.memory_space<vmem>> -> memref<128x8xf32, #tpu.memory_space<vmem>>
      %dma_start3A_750 = arith.constant 6912 : i32
      %dma_start3A_751 = tpu.memref_slice %arg8[%dma_start3A_750] : memref<8192xi32, #tpu.memory_space<vmem>> -> memref<128xi32, #tpu.memory_space<vmem>>
      %dma_start3A_752 = arith.constant 0 : i32
      %dma_start3A_753 = arith.constant 0 : i32
      %dma_start3A_754 = tpu.memref_slice %arg10[%dma_start3A_752, %dma_start3A_753] : memref<2048x8xf32, #tpu.memory_space<vmem_shared>> -> memref<2048x8xf32, #tpu.memory_space<vmem_shared>>
      tpu.enqueue_indirect_dma source(%dma_start3A_754 : memref<2048x8xf32, #tpu.memory_space<vmem_shared>>) target(%dma_start3A_749 : memref<128x8xf32, #tpu.memory_space<vmem>>) offsets(%dma_start3A_751 : memref<128xi32, #tpu.memory_space<vmem>>) semaphore(%arg13 : memref<!tpu.dma_semaphore, #tpu.memory_space<semaphore_mem>>)
      %dma_start3A_755 = arith.constant 1 : i32
      %dma_start3A_756 = arith.constant 2944 : i32
      %dma_start3A_757 = arith.constant 0 : i32
      %dma_start3A_758 = tpu.memref_slice %arg9[%dma_start3A_755, %dma_start3A_756, %dma_start3A_757] : memref<2x4096x8xf32, #tpu.memory_space<vmem>> -> memref<1x128x8xf32, #tpu.memory_space<vmem>>
      %dma_start3A_759 = tpu.memref_squeeze %dma_start3A_758 : memref<1x128x8xf32, #tpu.memory_space<vmem>> -> memref<128x8xf32, #tpu.memory_space<vmem>>
      %dma_start3A_760 = arith.constant 7040 : i32
      %dma_start3A_761 = tpu.memref_slice %arg8[%dma_start3A_760] : memref<8192xi32, #tpu.memory_space<vmem>> -> memref<128xi32, #tpu.memory_space<vmem>>
      %dma_start3A_762 = arith.constant 0 : i32
      %dma_start3A_763 = arith.constant 0 : i32
      %dma_start3A_764 = tpu.memref_slice %arg10[%dma_start3A_762, %dma_start3A_763] : memref<2048x8xf32, #tpu.memory_space<vmem_shared>> -> memref<2048x8xf32, #tpu.memory_space<vmem_shared>>
      tpu.enqueue_indirect_dma source(%dma_start3A_764 : memref<2048x8xf32, #tpu.memory_space<vmem_shared>>) target(%dma_start3A_759 : memref<128x8xf32, #tpu.memory_space<vmem>>) offsets(%dma_start3A_761 : memref<128xi32, #tpu.memory_space<vmem>>) semaphore(%arg13 : memref<!tpu.dma_semaphore, #tpu.memory_space<semaphore_mem>>)
      %dma_start3A_765 = arith.constant 1 : i32
      %dma_start3A_766 = arith.constant 3072 : i32
      %dma_start3A_767 = arith.constant 0 : i32
      %dma_start3A_768 = tpu.memref_slice %arg9[%dma_start3A_765, %dma_start3A_766, %dma_start3A_767] : memref<2x4096x8xf32, #tpu.memory_space<vmem>> -> memref<1x128x8xf32, #tpu.memory_space<vmem>>
      %dma_start3A_769 = tpu.memref_squeeze %dma_start3A_768 : memref<1x128x8xf32, #tpu.memory_space<vmem>> -> memref<128x8xf32, #tpu.memory_space<vmem>>
      %dma_start3A_770 = arith.constant 7168 : i32
      %dma_start3A_771 = tpu.memref_slice %arg8[%dma_start3A_770] : memref<8192xi32, #tpu.memory_space<vmem>> -> memref<128xi32, #tpu.memory_space<vmem>>
      %dma_start3A_772 = arith.constant 0 : i32
      %dma_start3A_773 = arith.constant 0 : i32
      %dma_start3A_774 = tpu.memref_slice %arg10[%dma_start3A_772, %dma_start3A_773] : memref<2048x8xf32, #tpu.memory_space<vmem_shared>> -> memref<2048x8xf32, #tpu.memory_space<vmem_shared>>
      tpu.enqueue_indirect_dma source(%dma_start3A_774 : memref<2048x8xf32, #tpu.memory_space<vmem_shared>>) target(%dma_start3A_769 : memref<128x8xf32, #tpu.memory_space<vmem>>) offsets(%dma_start3A_771 : memref<128xi32, #tpu.memory_space<vmem>>) semaphore(%arg13 : memref<!tpu.dma_semaphore, #tpu.memory_space<semaphore_mem>>)
      %dma_start3A_775 = arith.constant 1 : i32
      %dma_start3A_776 = arith.constant 3200 : i32
      %dma_start3A_777 = arith.constant 0 : i32
      %dma_start3A_778 = tpu.memref_slice %arg9[%dma_start3A_775, %dma_start3A_776, %dma_start3A_777] : memref<2x4096x8xf32, #tpu.memory_space<vmem>> -> memref<1x128x8xf32, #tpu.memory_space<vmem>>
      %dma_start3A_779 = tpu.memref_squeeze %dma_start3A_778 : memref<1x128x8xf32, #tpu.memory_space<vmem>> -> memref<128x8xf32, #tpu.memory_space<vmem>>
      %dma_start3A_780 = arith.constant 7296 : i32
      %dma_start3A_781 = tpu.memref_slice %arg8[%dma_start3A_780] : memref<8192xi32, #tpu.memory_space<vmem>> -> memref<128xi32, #tpu.memory_space<vmem>>
      %dma_start3A_782 = arith.constant 0 : i32
      %dma_start3A_783 = arith.constant 0 : i32
      %dma_start3A_784 = tpu.memref_slice %arg10[%dma_start3A_782, %dma_start3A_783] : memref<2048x8xf32, #tpu.memory_space<vmem_shared>> -> memref<2048x8xf32, #tpu.memory_space<vmem_shared>>
      tpu.enqueue_indirect_dma source(%dma_start3A_784 : memref<2048x8xf32, #tpu.memory_space<vmem_shared>>) target(%dma_start3A_779 : memref<128x8xf32, #tpu.memory_space<vmem>>) offsets(%dma_start3A_781 : memref<128xi32, #tpu.memory_space<vmem>>) semaphore(%arg13 : memref<!tpu.dma_semaphore, #tpu.memory_space<semaphore_mem>>)
      %dma_start3A_785 = arith.constant 1 : i32
      %dma_start3A_786 = arith.constant 3328 : i32
      %dma_start3A_787 = arith.constant 0 : i32
      %dma_start3A_788 = tpu.memref_slice %arg9[%dma_start3A_785, %dma_start3A_786, %dma_start3A_787] : memref<2x4096x8xf32, #tpu.memory_space<vmem>> -> memref<1x128x8xf32, #tpu.memory_space<vmem>>
      %dma_start3A_789 = tpu.memref_squeeze %dma_start3A_788 : memref<1x128x8xf32, #tpu.memory_space<vmem>> -> memref<128x8xf32, #tpu.memory_space<vmem>>
      %dma_start3A_790 = arith.constant 7424 : i32
      %dma_start3A_791 = tpu.memref_slice %arg8[%dma_start3A_790] : memref<8192xi32, #tpu.memory_space<vmem>> -> memref<128xi32, #tpu.memory_space<vmem>>
      %dma_start3A_792 = arith.constant 0 : i32
      %dma_start3A_793 = arith.constant 0 : i32
      %dma_start3A_794 = tpu.memref_slice %arg10[%dma_start3A_792, %dma_start3A_793] : memref<2048x8xf32, #tpu.memory_space<vmem_shared>> -> memref<2048x8xf32, #tpu.memory_space<vmem_shared>>
      tpu.enqueue_indirect_dma source(%dma_start3A_794 : memref<2048x8xf32, #tpu.memory_space<vmem_shared>>) target(%dma_start3A_789 : memref<128x8xf32, #tpu.memory_space<vmem>>) offsets(%dma_start3A_791 : memref<128xi32, #tpu.memory_space<vmem>>) semaphore(%arg13 : memref<!tpu.dma_semaphore, #tpu.memory_space<semaphore_mem>>)
      %dma_start3A_795 = arith.constant 1 : i32
      %dma_start3A_796 = arith.constant 3456 : i32
      %dma_start3A_797 = arith.constant 0 : i32
      %dma_start3A_798 = tpu.memref_slice %arg9[%dma_start3A_795, %dma_start3A_796, %dma_start3A_797] : memref<2x4096x8xf32, #tpu.memory_space<vmem>> -> memref<1x128x8xf32, #tpu.memory_space<vmem>>
      %dma_start3A_799 = tpu.memref_squeeze %dma_start3A_798 : memref<1x128x8xf32, #tpu.memory_space<vmem>> -> memref<128x8xf32, #tpu.memory_space<vmem>>
      %dma_start3A_800 = arith.constant 7552 : i32
      %dma_start3A_801 = tpu.memref_slice %arg8[%dma_start3A_800] : memref<8192xi32, #tpu.memory_space<vmem>> -> memref<128xi32, #tpu.memory_space<vmem>>
      %dma_start3A_802 = arith.constant 0 : i32
      %dma_start3A_803 = arith.constant 0 : i32
      %dma_start3A_804 = tpu.memref_slice %arg10[%dma_start3A_802, %dma_start3A_803] : memref<2048x8xf32, #tpu.memory_space<vmem_shared>> -> memref<2048x8xf32, #tpu.memory_space<vmem_shared>>
      tpu.enqueue_indirect_dma source(%dma_start3A_804 : memref<2048x8xf32, #tpu.memory_space<vmem_shared>>) target(%dma_start3A_799 : memref<128x8xf32, #tpu.memory_space<vmem>>) offsets(%dma_start3A_801 : memref<128xi32, #tpu.memory_space<vmem>>) semaphore(%arg13 : memref<!tpu.dma_semaphore, #tpu.memory_space<semaphore_mem>>)
      %dma_start3A_805 = arith.constant 1 : i32
      %dma_start3A_806 = arith.constant 3584 : i32
      %dma_start3A_807 = arith.constant 0 : i32
      %dma_start3A_808 = tpu.memref_slice %arg9[%dma_start3A_805, %dma_start3A_806, %dma_start3A_807] : memref<2x4096x8xf32, #tpu.memory_space<vmem>> -> memref<1x128x8xf32, #tpu.memory_space<vmem>>
      %dma_start3A_809 = tpu.memref_squeeze %dma_start3A_808 : memref<1x128x8xf32, #tpu.memory_space<vmem>> -> memref<128x8xf32, #tpu.memory_space<vmem>>
      %dma_start3A_810 = arith.constant 7680 : i32
      %dma_start3A_811 = tpu.memref_slice %arg8[%dma_start3A_810] : memref<8192xi32, #tpu.memory_space<vmem>> -> memref<128xi32, #tpu.memory_space<vmem>>
      %dma_start3A_812 = arith.constant 0 : i32
      %dma_start3A_813 = arith.constant 0 : i32
      %dma_start3A_814 = tpu.memref_slice %arg10[%dma_start3A_812, %dma_start3A_813] : memref<2048x8xf32, #tpu.memory_space<vmem_shared>> -> memref<2048x8xf32, #tpu.memory_space<vmem_shared>>
      tpu.enqueue_indirect_dma source(%dma_start3A_814 : memref<2048x8xf32, #tpu.memory_space<vmem_shared>>) target(%dma_start3A_809 : memref<128x8xf32, #tpu.memory_space<vmem>>) offsets(%dma_start3A_811 : memref<128xi32, #tpu.memory_space<vmem>>) semaphore(%arg13 : memref<!tpu.dma_semaphore, #tpu.memory_space<semaphore_mem>>)
      %dma_start3A_815 = arith.constant 1 : i32
      %dma_start3A_816 = arith.constant 3712 : i32
      %dma_start3A_817 = arith.constant 0 : i32
      %dma_start3A_818 = tpu.memref_slice %arg9[%dma_start3A_815, %dma_start3A_816, %dma_start3A_817] : memref<2x4096x8xf32, #tpu.memory_space<vmem>> -> memref<1x128x8xf32, #tpu.memory_space<vmem>>
      %dma_start3A_819 = tpu.memref_squeeze %dma_start3A_818 : memref<1x128x8xf32, #tpu.memory_space<vmem>> -> memref<128x8xf32, #tpu.memory_space<vmem>>
      %dma_start3A_820 = arith.constant 7808 : i32
      %dma_start3A_821 = tpu.memref_slice %arg8[%dma_start3A_820] : memref<8192xi32, #tpu.memory_space<vmem>> -> memref<128xi32, #tpu.memory_space<vmem>>
      %dma_start3A_822 = arith.constant 0 : i32
      %dma_start3A_823 = arith.constant 0 : i32
      %dma_start3A_824 = tpu.memref_slice %arg10[%dma_start3A_822, %dma_start3A_823] : memref<2048x8xf32, #tpu.memory_space<vmem_shared>> -> memref<2048x8xf32, #tpu.memory_space<vmem_shared>>
      tpu.enqueue_indirect_dma source(%dma_start3A_824 : memref<2048x8xf32, #tpu.memory_space<vmem_shared>>) target(%dma_start3A_819 : memref<128x8xf32, #tpu.memory_space<vmem>>) offsets(%dma_start3A_821 : memref<128xi32, #tpu.memory_space<vmem>>) semaphore(%arg13 : memref<!tpu.dma_semaphore, #tpu.memory_space<semaphore_mem>>)
      %dma_start3A_825 = arith.constant 1 : i32
      %dma_start3A_826 = arith.constant 3840 : i32
      %dma_start3A_827 = arith.constant 0 : i32
      %dma_start3A_828 = tpu.memref_slice %arg9[%dma_start3A_825, %dma_start3A_826, %dma_start3A_827] : memref<2x4096x8xf32, #tpu.memory_space<vmem>> -> memref<1x128x8xf32, #tpu.memory_space<vmem>>
      %dma_start3A_829 = tpu.memref_squeeze %dma_start3A_828 : memref<1x128x8xf32, #tpu.memory_space<vmem>> -> memref<128x8xf32, #tpu.memory_space<vmem>>
      %dma_start3A_830 = arith.constant 7936 : i32
      %dma_start3A_831 = tpu.memref_slice %arg8[%dma_start3A_830] : memref<8192xi32, #tpu.memory_space<vmem>> -> memref<128xi32, #tpu.memory_space<vmem>>
      %dma_start3A_832 = arith.constant 0 : i32
      %dma_start3A_833 = arith.constant 0 : i32
      %dma_start3A_834 = tpu.memref_slice %arg10[%dma_start3A_832, %dma_start3A_833] : memref<2048x8xf32, #tpu.memory_space<vmem_shared>> -> memref<2048x8xf32, #tpu.memory_space<vmem_shared>>
      tpu.enqueue_indirect_dma source(%dma_start3A_834 : memref<2048x8xf32, #tpu.memory_space<vmem_shared>>) target(%dma_start3A_829 : memref<128x8xf32, #tpu.memory_space<vmem>>) offsets(%dma_start3A_831 : memref<128xi32, #tpu.memory_space<vmem>>) semaphore(%arg13 : memref<!tpu.dma_semaphore, #tpu.memory_space<semaphore_mem>>)
      %dma_start3A_835 = arith.constant 1 : i32
      %dma_start3A_836 = arith.constant 3968 : i32
      %dma_start3A_837 = arith.constant 0 : i32
      %dma_start3A_838 = tpu.memref_slice %arg9[%dma_start3A_835, %dma_start3A_836, %dma_start3A_837] : memref<2x4096x8xf32, #tpu.memory_space<vmem>> -> memref<1x128x8xf32, #tpu.memory_space<vmem>>
      %dma_start3A_839 = tpu.memref_squeeze %dma_start3A_838 : memref<1x128x8xf32, #tpu.memory_space<vmem>> -> memref<128x8xf32, #tpu.memory_space<vmem>>
      %dma_start3A_840 = arith.constant 8064 : i32
      %dma_start3A_841 = tpu.memref_slice %arg8[%dma_start3A_840] : memref<8192xi32, #tpu.memory_space<vmem>> -> memref<128xi32, #tpu.memory_space<vmem>>
      %dma_start3A_842 = arith.constant 0 : i32
      %dma_start3A_843 = arith.constant 0 : i32
      %dma_start3A_844 = tpu.memref_slice %arg10[%dma_start3A_842, %dma_start3A_843] : memref<2048x8xf32, #tpu.memory_space<vmem_shared>> -> memref<2048x8xf32, #tpu.memory_space<vmem_shared>>
      tpu.enqueue_indirect_dma source(%dma_start3A_844 : memref<2048x8xf32, #tpu.memory_space<vmem_shared>>) target(%dma_start3A_839 : memref<128x8xf32, #tpu.memory_space<vmem>>) offsets(%dma_start3A_841 : memref<128xi32, #tpu.memory_space<vmem>>) semaphore(%arg13 : memref<!tpu.dma_semaphore, #tpu.memory_space<semaphore_mem>>)
      %dma_wait3A_845 = arith.constant 0 : i32
      %dma_wait3A_846 = arith.constant 0 : i32
      %dma_wait3A_847 = arith.constant 0 : i32
      %dma_wait3A_848 = tpu.memref_slice %arg9[%dma_wait3A_845, %dma_wait3A_846, %dma_wait3A_847] : memref<2x4096x8xf32, #tpu.memory_space<vmem>> -> memref<1x4096x8xf32, #tpu.memory_space<vmem>>
      %dma_wait3A_849 = tpu.memref_squeeze %dma_wait3A_848 : memref<1x4096x8xf32, #tpu.memory_space<vmem>> -> memref<4096x8xf32, #tpu.memory_space<vmem>>
      %dma_wait3A_850 = arith.constant 0 : i32
      %dma_wait3A_851 = arith.constant 0 : i32
      %dma_wait3A_852 = tpu.memref_slice %arg5[%dma_wait3A_850, %dma_wait3A_851] : memref<6553600x8xf32, #tpu.memory_space<hbm>> -> memref<4096x8xf32, #tpu.memory_space<hbm>>
      %dma_wait3A_853 = arith.constant 0 : i32
      %dma_wait3A_854 = arith.constant 0 : i32
      %dma_wait3A_855 = tpu.memref_slice %arg9[%dma_wait3A_845, %dma_wait3A_853, %dma_wait3A_854] : memref<2x4096x8xf32, #tpu.memory_space<vmem>> -> memref<1x4096x8xf32, #tpu.memory_space<vmem>>
      %dma_wait3A_856 = tpu.memref_squeeze %dma_wait3A_855 : memref<1x4096x8xf32, #tpu.memory_space<vmem>> -> memref<4096x8xf32, #tpu.memory_space<vmem>>
      %dma_wait3A_857 = arith.constant 0 : i32
      %dma_wait3A_858 = arith.constant 0 : i32
      %dma_wait3A_859 = tpu.memref_slice %arg5[%dma_wait3A_857, %dma_wait3A_858] : memref<6553600x8xf32, #tpu.memory_space<hbm>> -> memref<4096x8xf32, #tpu.memory_space<hbm>>
      tpu.wait_dma2 semaphore(%arg12 : memref<!tpu.dma_semaphore, #tpu.memory_space<semaphore_mem>>) src(%dma_wait3A_859 : memref<4096x8xf32, #tpu.memory_space<hbm>>) dst(%dma_wait3A_856 : memref<4096x8xf32, #tpu.memory_space<vmem>>)
      %mul3A_860 = arith.constant 1024 : i32
      %mul3A_861 = arith.muli %add3A_163, %mul3A_860 : i32
      %add3A_862 = arith.addi %mul3A_2, %mul3A_861 : i32
      %add3A_863 = arith.constant 0 : i32
      %add3A_864 = arith.addi %add3A_862, %add3A_863 : i32
      %mul3A_865 = arith.constant 8 : i32
      %mul3A_866 = arith.muli %add3A_864, %mul3A_865 : i32
      %multiple_of3A_867 = tpu.assume_multiple %mul3A_866, 8 : i32
      %dma_start3A_868 = arith.constant 0 : i32
      %dma_start3A_869 = arith.constant 0 : i32
      %dma_start3A_870 = arith.constant 0 : i32
      %dma_start3A_871 = tpu.memref_slice %arg9[%dma_start3A_868, %dma_start3A_869, %dma_start3A_870] : memref<2x4096x8xf32, #tpu.memory_space<vmem>> -> memref<1x4096x8xf32, #tpu.memory_space<vmem>>
      %dma_start3A_872 = tpu.memref_squeeze %dma_start3A_871 : memref<1x4096x8xf32, #tpu.memory_space<vmem>> -> memref<4096x8xf32, #tpu.memory_space<vmem>>
      %dma_start3A_873 = arith.constant 0 : i32
      %dma_start3A_874 = tpu.memref_slice %arg5[%multiple_of3A_867, %dma_start3A_873] : memref<6553600x8xf32, #tpu.memory_space<hbm>> -> memref<4096x8xf32, #tpu.memory_space<hbm>>
      %dma_start3A_875 = arith.constant 0 : i32
      %dma_start3A_876 = tpu.memref_slice %arg5[%multiple_of3A_867, %dma_start3A_875] : memref<6553600x8xf32, #tpu.memory_space<hbm>> -> memref<4096x8xf32, #tpu.memory_space<hbm>>
      %dma_start3A_877 = arith.constant 0 : i32
      %dma_start3A_878 = arith.constant 0 : i32
      %dma_start3A_879 = tpu.memref_slice %arg9[%dma_start3A_868, %dma_start3A_877, %dma_start3A_878] : memref<2x4096x8xf32, #tpu.memory_space<vmem>> -> memref<1x4096x8xf32, #tpu.memory_space<vmem>>
      %dma_start3A_880 = tpu.memref_squeeze %dma_start3A_879 : memref<1x4096x8xf32, #tpu.memory_space<vmem>> -> memref<4096x8xf32, #tpu.memory_space<vmem>>
      tpu.enqueue_dma source(%dma_start3A_880 : memref<4096x8xf32, #tpu.memory_space<vmem>>) target(%dma_start3A_876 : memref<4096x8xf32, #tpu.memory_space<hbm>>) target_semaphore(%arg14 : memref<!tpu.dma_semaphore, #tpu.memory_space<semaphore_mem>>)
      %dma_wait3A_881 = arith.constant 1 : i32
      %dma_wait3A_882 = arith.constant 0 : i32
      %dma_wait3A_883 = arith.constant 0 : i32
      %dma_wait3A_884 = tpu.memref_slice %arg9[%dma_wait3A_881, %dma_wait3A_882, %dma_wait3A_883] : memref<2x4096x8xf32, #tpu.memory_space<vmem>> -> memref<1x4096x8xf32, #tpu.memory_space<vmem>>
      %dma_wait3A_885 = tpu.memref_squeeze %dma_wait3A_884 : memref<1x4096x8xf32, #tpu.memory_space<vmem>> -> memref<4096x8xf32, #tpu.memory_space<vmem>>
      %dma_wait3A_886 = arith.constant 0 : i32
      %dma_wait3A_887 = arith.constant 0 : i32
      %dma_wait3A_888 = tpu.memref_slice %arg5[%dma_wait3A_886, %dma_wait3A_887] : memref<6553600x8xf32, #tpu.memory_space<hbm>> -> memref<4096x8xf32, #tpu.memory_space<hbm>>
      %dma_wait3A_889 = arith.constant 0 : i32
      %dma_wait3A_890 = arith.constant 0 : i32
      %dma_wait3A_891 = tpu.memref_slice %arg9[%dma_wait3A_881, %dma_wait3A_889, %dma_wait3A_890] : memref<2x4096x8xf32, #tpu.memory_space<vmem>> -> memref<1x4096x8xf32, #tpu.memory_space<vmem>>
      %dma_wait3A_892 = tpu.memref_squeeze %dma_wait3A_891 : memref<1x4096x8xf32, #tpu.memory_space<vmem>> -> memref<4096x8xf32, #tpu.memory_space<vmem>>
      %dma_wait3A_893 = arith.constant 0 : i32
      %dma_wait3A_894 = arith.constant 0 : i32
      %dma_wait3A_895 = tpu.memref_slice %arg5[%dma_wait3A_893, %dma_wait3A_894] : memref<6553600x8xf32, #tpu.memory_space<hbm>> -> memref<4096x8xf32, #tpu.memory_space<hbm>>
      tpu.wait_dma2 semaphore(%arg13 : memref<!tpu.dma_semaphore, #tpu.memory_space<semaphore_mem>>) src(%dma_wait3A_895 : memref<4096x8xf32, #tpu.memory_space<hbm>>) dst(%dma_wait3A_892 : memref<4096x8xf32, #tpu.memory_space<vmem>>)
      %mul3A_896 = arith.constant 1024 : i32
      %mul3A_897 = arith.muli %add3A_163, %mul3A_896 : i32
      %add3A_898 = arith.addi %mul3A_2, %mul3A_897 : i32
      %add3A_899 = arith.constant 512 : i32
      %add3A_900 = arith.addi %add3A_898, %add3A_899 : i32
      %mul3A_901 = arith.constant 8 : i32
      %mul3A_902 = arith.muli %add3A_900, %mul3A_901 : i32
      %multiple_of3A_903 = tpu.assume_multiple %mul3A_902, 8 : i32
      %dma_start3A_904 = arith.constant 1 : i32
      %dma_start3A_905 = arith.constant 0 : i32
      %dma_start3A_906 = arith.constant 0 : i32
      %dma_start3A_907 = tpu.memref_slice %arg9[%dma_start3A_904, %dma_start3A_905, %dma_start3A_906] : memref<2x4096x8xf32, #tpu.memory_space<vmem>> -> memref<1x4096x8xf32, #tpu.memory_space<vmem>>
      %dma_start3A_908 = tpu.memref_squeeze %dma_start3A_907 : memref<1x4096x8xf32, #tpu.memory_space<vmem>> -> memref<4096x8xf32, #tpu.memory_space<vmem>>
      %dma_start3A_909 = arith.constant 0 : i32
      %dma_start3A_910 = tpu.memref_slice %arg5[%multiple_of3A_903, %dma_start3A_909] : memref<6553600x8xf32, #tpu.memory_space<hbm>> -> memref<4096x8xf32, #tpu.memory_space<hbm>>
      %dma_start3A_911 = arith.constant 0 : i32
      %dma_start3A_912 = tpu.memref_slice %arg5[%multiple_of3A_903, %dma_start3A_911] : memref<6553600x8xf32, #tpu.memory_space<hbm>> -> memref<4096x8xf32, #tpu.memory_space<hbm>>
      %dma_start3A_913 = arith.constant 0 : i32
      %dma_start3A_914 = arith.constant 0 : i32
      %dma_start3A_915 = tpu.memref_slice %arg9[%dma_start3A_904, %dma_start3A_913, %dma_start3A_914] : memref<2x4096x8xf32, #tpu.memory_space<vmem>> -> memref<1x4096x8xf32, #tpu.memory_space<vmem>>
      %dma_start3A_916 = tpu.memref_squeeze %dma_start3A_915 : memref<1x4096x8xf32, #tpu.memory_space<vmem>> -> memref<4096x8xf32, #tpu.memory_space<vmem>>
      tpu.enqueue_dma source(%dma_start3A_916 : memref<4096x8xf32, #tpu.memory_space<vmem>>) target(%dma_start3A_912 : memref<4096x8xf32, #tpu.memory_space<hbm>>) target_semaphore(%arg15 : memref<!tpu.dma_semaphore, #tpu.memory_space<semaphore_mem>>)
    }
    %scan3A_129 = arith.constant 25 : i32
    %dma_wait3A = arith.constant 0 : i32
    %dma_wait3A_130 = arith.constant 0 : i32
    %dma_wait3A_131 = arith.constant 0 : i32
    %dma_wait3A_132 = tpu.memref_slice %arg9[%dma_wait3A, %dma_wait3A_130, %dma_wait3A_131] : memref<2x4096x8xf32, #tpu.memory_space<vmem>> -> memref<1x4096x8xf32, #tpu.memory_space<vmem>>
    %dma_wait3A_133 = tpu.memref_squeeze %dma_wait3A_132 : memref<1x4096x8xf32, #tpu.memory_space<vmem>> -> memref<4096x8xf32, #tpu.memory_space<vmem>>
    %dma_wait3A_134 = arith.constant 0 : i32
    %dma_wait3A_135 = arith.constant 0 : i32
    %dma_wait3A_136 = tpu.memref_slice %arg5[%dma_wait3A_134, %dma_wait3A_135] : memref<6553600x8xf32, #tpu.memory_space<hbm>> -> memref<4096x8xf32, #tpu.memory_space<hbm>>
    %dma_wait3A_137 = arith.constant 0 : i32
    %dma_wait3A_138 = arith.constant 0 : i32
    %dma_wait3A_139 = tpu.memref_slice %arg9[%dma_wait3A, %dma_wait3A_137, %dma_wait3A_138] : memref<2x4096x8xf32, #tpu.memory_space<vmem>> -> memref<1x4096x8xf32, #tpu.memory_space<vmem>>
    %dma_wait3A_140 = tpu.memref_squeeze %dma_wait3A_139 : memref<1x4096x8xf32, #tpu.memory_space<vmem>> -> memref<4096x8xf32, #tpu.memory_space<vmem>>
    %dma_wait3A_141 = arith.constant 0 : i32
    %dma_wait3A_142 = arith.constant 0 : i32
    %dma_wait3A_143 = tpu.memref_slice %arg5[%dma_wait3A_141, %dma_wait3A_142] : memref<6553600x8xf32, #tpu.memory_space<hbm>> -> memref<4096x8xf32, #tpu.memory_space<hbm>>
    tpu.wait_dma2 semaphore(%arg14 : memref<!tpu.dma_semaphore, #tpu.memory_space<semaphore_mem>>) src(%dma_wait3A_143 : memref<4096x8xf32, #tpu.memory_space<hbm>>) dst(%dma_wait3A_140 : memref<4096x8xf32, #tpu.memory_space<vmem>>)
    %dma_wait3A_144 = arith.constant 1 : i32
    %dma_wait3A_145 = arith.constant 0 : i32
    %dma_wait3A_146 = arith.constant 0 : i32
    %dma_wait3A_147 = tpu.memref_slice %arg9[%dma_wait3A_144, %dma_wait3A_145, %dma_wait3A_146] : memref<2x4096x8xf32, #tpu.memory_space<vmem>> -> memref<1x4096x8xf32, #tpu.memory_space<vmem>>
    %dma_wait3A_148 = tpu.memref_squeeze %dma_wait3A_147 : memref<1x4096x8xf32, #tpu.memory_space<vmem>> -> memref<4096x8xf32, #tpu.memory_space<vmem>>
    %dma_wait3A_149 = arith.constant 0 : i32
    %dma_wait3A_150 = arith.constant 0 : i32
    %dma_wait3A_151 = tpu.memref_slice %arg5[%dma_wait3A_149, %dma_wait3A_150] : memref<6553600x8xf32, #tpu.memory_space<hbm>> -> memref<4096x8xf32, #tpu.memory_space<hbm>>
    %dma_wait3A_152 = arith.constant 0 : i32
    %dma_wait3A_153 = arith.constant 0 : i32
    %dma_wait3A_154 = tpu.memref_slice %arg9[%dma_wait3A_144, %dma_wait3A_152, %dma_wait3A_153] : memref<2x4096x8xf32, #tpu.memory_space<vmem>> -> memref<1x4096x8xf32, #tpu.memory_space<vmem>>
    %dma_wait3A_155 = tpu.memref_squeeze %dma_wait3A_154 : memref<1x4096x8xf32, #tpu.memory_space<vmem>> -> memref<4096x8xf32, #tpu.memory_space<vmem>>
    %dma_wait3A_156 = arith.constant 0 : i32
    %dma_wait3A_157 = arith.constant 0 : i32
    %dma_wait3A_158 = tpu.memref_slice %arg5[%dma_wait3A_156, %dma_wait3A_157] : memref<6553600x8xf32, #tpu.memory_space<hbm>> -> memref<4096x8xf32, #tpu.memory_space<hbm>>
    tpu.wait_dma2 semaphore(%arg15 : memref<!tpu.dma_semaphore, #tpu.memory_space<semaphore_mem>>) src(%dma_wait3A_158 : memref<4096x8xf32, #tpu.memory_space<hbm>>) dst(%dma_wait3A_155 : memref<4096x8xf32, #tpu.memory_space<vmem>>)
    return
  }
}

</mosaic_0001>

<sc_bundles>
// kernel: kernel.3.cloned.1.call-start
scs
__scs_entry_jumppad:
0x0: {  	(pc) =	sbr.rel $0x88, $3  }
0x1: {  	(tag) =	ssettag $0x0;
	lr =	simm.s32 $0x1  }
0x2: {  	[smem:$0x3F9E] =	sst lr;
	_ =	strace $0xD0000000  }
0x3: {  	_ = 	snop  }
0x4: {  	_ = 	snop  }
0x5: {  	_ = 	snop  }
0x6: {  	_ = 	snop  }
0x7: {  	_ = 	snop  }
__scs_overlays_trampoline_lowered:
0x8: {  	[smem:$0x3FAD] =	sst s0  }
0x9: {  	[smem:$0x3FAE] =	sst s1  }
0xa: {  	[smem:$0x3FAF] =	sst s2  }
0xb: {  	[smem:$0x3FB0] =	sst s3  }
0xc: {  	[smem:$0x3FB1] =	sst s4  }
0xd: {  	[smem:$0x3FB2] =	sst s5  }
0xe: {  	[smem:$0x3FB3] =	sst s6  }
0xf: {  	[smem:$0x3FB4] =	sst s7  }
0x10: {  	[smem:$0x3FB5] =	sst s8  }
0x11: {  	[smem:$0x3FB6] =	sst s9;
	s0 =	simm.s32 @!p0 $0x0  }
0x12: {  	s1 =	sld [smem:$0x3F9C];
	s0 =	simm.s32 @p0 $0x1  }
0x13: {  	[smem:$0x3FB7] =	sst s0;
	s0 =	simm.s32 @!p1 $0x0  }
0x14: {  	s2 =	sld [smem:$0x3F9B];
	s0 =	simm.s32 @p1 $0x1  }
0x15: {  	[smem:$0x3FB8] =	sst s0;
	s0 =	simm.s32 @!p2 $0x0  }
0x16: {  	s3 =	sld [smem:$0x3FDB];
	s0 =	simm.s32 @p2 $0x1  }
0x17: {  	s4 =	simm.s32 $0x1BF5;
	[smem:$0x3FBA] =	sst s0  }
0x18: {  	s0 =	sld [smem:$0x3F9D];
	_ =	swait.ge [sflag:s4], $0x0  }
0x19: {  	s7 =	sld [smem:$0x3F9E]  }
0x1a: {  	s8 =	sadd.s32 $0xFFFFE003, lr  }
0x1b: {  	s9 =	sadd.s32 $0xFFFFFEF7, lr;
	s5 =	simm.s32 $0xFFFFFFFF;
	p2 =	slt.u32 s8, $0xFFFFF086  }
0x1c: {  	p1 =	slt.u32 s9, $0xF7A;
	s5 =	simm.s32 @!p2 $0x0  }
0x1d: {  	s5 =	simm.s32 @p1 $0x1;
	p0 =	seq.s32 s7, s2  }
0x1e: {  	s7 =	smul.u32 @!p0 $0xF7A, s2;
	p2 =	seq.s32 @!p0 s5, $0x0  }
0x1f: {  	s9 =	smul.u32 $0xF7A, s1;
	s8 =	simm.s32 @!p0 $0x1BF5;
	p2 =	por !p2, p0  }
0x20: {  	[sflag:s8] =	ssyncset.s32 @!p0 $0xFFFFF086;
	s6 =	sadd.s32 @!p0 s3, s7;
	s7 =	simm.s32 @!p0 $0x108  }
0x21: {  	s3 =	sadd.s32 s3, s9;
	s6 =	sadd.s32 @!p0 $0x88, s6;
	s7 =	simm.s32 @p2 $0x1082  }
0x22: {  	[simem:s7], [sflag:s8] =	dma.local @!p0 [hbm:s6], $0xF7A  }
0x23: {  	s9 =	sor.u32 $0xD0000000, s2;
	s6 =	simm.s32 $0x108;
	_ =	swait.ge @!p0 [sflag:s8], $0x0  }
0x24: {  	s3 =	sadd.s32 $0x88, s3;
	s6 =	simm.s32 @!p1 $0x1082;
	[sflag:s4] =	ssyncset.s32 $0xFFFFF086  }
0x25: {  	[simem:s6], [sflag:s4] =	dma.local [hbm:s3], $0xF7A  }
0x26: {  	[smem:$0x3F9E] =	sst s1;
	(tag) =	ssettag s2;
	_ =	strace s9  }
0x27: {  	s1 =	sld [smem:$0x3FAE]  }
0x28: {  	s2 =	sld [smem:$0x3FAF]  }
0x29: {  	s4 =	sld [smem:$0x3FB1]  }
0x2a: {  	p0 =	seq.s32 s5, $0x0;
	s5 =	sld [smem:$0x3FB2]  }
0x2b: {  	s6 =	sld [smem:$0x3FB3]  }
0x2c: {  	s7 =	sld [smem:$0x3FB4]  }
0x2d: {  	s3 =	simm.s32 $0x108;
	s8 =	sld [smem:$0x3FB5]  }
0x2e: {  	s3 =	simm.s32 @!p0 $0x1082;
	s9 =	sld [smem:$0x3FB6]  }
0x2f: {  	lr =	sadd.s32 s0, s3;
	s0 =	sld [smem:$0x3FAD]  }
0x30: {  	s3 =	sld [smem:$0x3FB0]  }
0x31: {  	[smem:$0x3FB9] =	sst s10  }
0x32: {  	s10 =	sld [smem:$0x3FB7];
	_ =	sdelay $0x3  }
0x33: {  	p0 =	seq.s32 s10, $0x1;
	s10 =	sld [smem:$0x3FB9];
	_ =	sdelay $0x3  }
0x34: {  	[smem:$0x3FB9] =	sst s10  }
0x35: {  	s10 =	sld [smem:$0x3FB8];
	_ =	sdelay $0x3  }
0x36: {  	p1 =	seq.s32 s10, $0x1;
	s10 =	sld [smem:$0x3FB9];
	_ =	sdelay $0x3  }
0x37: {  	[smem:$0x3FB9] =	sst s10  }
0x38: {  	s10 =	sld [smem:$0x3FBA]  }
0x39: {  	_ = 	snop;
	(pc) =	sbr.ind lr, $3  }
0x3a: {  	_ = 	snop  }
0x3b: {  	_ = 	snop  }
0x3c: {  	p2 =	seq.s32 s10, $0x1;
	s10 =	sld [smem:$0x3FB9]  }
0x3d: {  	_ =	shalt  }
0x3e: {  	_ =	shalt  }
0x3f: {  	_ =	shalt  }
0x40: {  	_ =	shalt  }
0x41: {  	_ =	shalt  }
0x42: {  	_ =	shalt  }
0x43: {  	_ =	shalt  }
0x44: {  	_ =	shalt  }
0x45: {  	_ =	shalt  }
0x46: {  	_ =	shalt  }
0x47: {  	_ =	shalt  }
0x48: {  	_ =	shalt  }
0x49: {  	_ =	shalt  }
0x4a: {  	_ =	shalt  }
0x4b: {  	_ =	shalt  }
0x4c: {  	_ =	shalt  }
0x4d: {  	_ =	shalt  }
0x4e: {  	_ =	shalt  }
0x4f: {  	_ =	shalt  }
0x50: {  	_ =	shalt  }
0x51: {  	_ =	shalt  }
0x52: {  	_ =	shalt  }
0x53: {  	_ =	shalt  }
0x54: {  	_ =	shalt  }
0x55: {  	_ =	shalt  }
0x56: {  	_ =	shalt  }
0x57: {  	_ =	shalt  }
0x58: {  	_ =	shalt  }
0x59: {  	_ =	shalt  }
0x5a: {  	_ =	shalt  }
0x5b: {  	_ =	shalt  }
0x5c: {  	_ =	shalt  }
0x5d: {  	_ =	shalt  }
0x5e: {  	_ =	shalt  }
0x5f: {  	_ =	shalt  }
0x60: {  	_ =	shalt  }
0x61: {  	_ =	shalt  }
0x62: {  	_ =	shalt  }
0x63: {  	_ =	shalt  }
0x64: {  	_ =	shalt  }
0x65: {  	_ =	shalt  }
0x66: {  	_ =	shalt  }
0x67: {  	_ =	shalt  }
0x68: {  	_ =	shalt  }
0x69: {  	_ =	shalt  }
0x6a: {  	_ =	shalt  }
0x6b: {  	_ =	shalt  }
0x6c: {  	_ =	shalt  }
0x6d: {  	_ =	shalt  }
0x6e: {  	_ =	shalt  }
0x6f: {  	_ =	shalt  }
0x70: {  	_ =	shalt  }
0x71: {  	_ =	shalt  }
0x72: {  	_ =	shalt  }
0x73: {  	_ =	shalt  }
0x74: {  	_ =	shalt  }
0x75: {  	_ =	shalt  }
0x76: {  	_ =	shalt  }
0x77: {  	_ =	shalt  }
0x78: {  	_ =	shalt  }
0x79: {  	_ =	shalt  }
0x7a: {  	_ =	shalt  }
0x7b: {  	_ =	shalt  }
0x7c: {  	_ =	shalt  }
0x7d: {  	_ =	shalt  }
0x7e: {  	_ =	shalt  }
0x7f: {  	_ =	shalt  }
0x80: {  	_ =	shalt  }
0x81: {  	_ =	shalt  }
0x82: {  	_ =	shalt  }
0x83: {  	_ =	shalt  }
0x84: {  	_ =	shalt  }
0x85: {  	_ =	shalt  }
0x86: {  	_ =	shalt  }
0x87: {  	_ =	shalt  }
.Lfunc_end0:
.L_simem_size_0:
called_computation.1_lowered:
.L_overlay_start_0:
0x88: {  	s2 =	sld [smem:$0x3FD9]  }
0x89: {  	s3 =	sld [smem:$0x3FFE];
	_ =	sdelay $0x1  }
0x8a: {  	s1 =	srdreg.scid  }
0x8b: {  	s0 =	sand.u32 $0x1, s1  }
0x8c: {  	s17 =	sshll.u32 s0, $0xA;
	s2 =	sadd.s32 s3, s2  }
0x8d: {  	s2 =	sadd.s32 s2, s17  }
0x8e: {  	[smem:$0x3FC5] =	sst s2  }
0x8f: {  	_ = 	snop  }
0x90: {  	s2 =	sld [smem:$0x3FD0];
	(tm) =	ssettm $0x1  }
0x91: {  	s18 =	sld [smem:$0x3FFB];
	_ =	sdelay $0x3  }
0x92: {  	_ =	strace s18  }
0x93: {  	s3 =	sld [smem:$0x3FFC];
	_ =	sdelay $0x3  }
0x94: {  	_ =	strace s3  }
0x95: {  	s3 =	sld [smem:$0x3FFD];
	_ =	sdelay $0x3  }
0x96: {  	_ =	strace s3  }
0x97: {  	_ =	strace $0x8FFFFFFF  }
0x98: {  	s19 =	sld [smem:$0x3FDB];
	_ =	sdelay $0x1  }
0x99: {  	s4 =	simm.s32 $_scs_section_size  }
0x9a: {  	s5 =	simm.s32 $_size__tile_overlayer_lowered;
	s6 =	simm.s32 $_tile_overlayer_lowered  }
0x9b: {  	s22 =	simm.s32 $0x1BFF;
	s21 =	sshll.u32 s6, $0x1;
	s3 =	sadd.s32 s4, s19  }
0x9c: {  	s7 =	simm.s32 $0x0;
	s20 =	sshll.u32 s5, $0x1;
	s5 =	sadd.s32 s21, s3  }
0x9d: {  	[timem:s7], [sflag:s22] =	dma.local [hbm:s5], s20  }
0x9e: {  	_ =	swait.ge [sflag:s22], s20  }
0x9f: {  	s4 =	ssub.s32 $0x0, s20;
	[sflag:s22] =	ssyncset.done $0x0  }
0xa0: {  	[sflag:s22] =	ssyncadd.s32 s4;
	_ =	sdelay $0x1  }
0xa1: {  	s23 =	simm.s32 $0x1B8B  }
0xa2: {  	_ =	swait.ge [sflag:s23], $0x1  }
0xa3: {  	[sflag:s23] =	ssyncset.done $0x0  }
0xa4: {  	s25 =	simm.s32 $0x1B8E;
	s24 =	sld [smem:$0x3FFE];
	[sflag:s23] =	ssyncadd.s32 $0xFFFFFFFF  }
0xa5: {  	s26 =	simm.s32 $execute0_lowered;
	[smem:$0x3FD2] =	sst s25  }
0xa6: {  	s5 =	sshll.u32 s26, $0x1;
	_ =	strace $0x80000046;
	[dreg:$0x1] =	wrdreg $0xFFFFFFFF  }
0xa7: {  	s28 =	simm.s32 $_size_execute0_lowered;
	s3 =	sadd.s32 s3, s5;
	[dreg:$0x0] =	wrdreg $0x0  }
0xa8: {  	s5 =	sshll.u32 s28, $0x1;
	[dreg:$0x2] =	wrdreg s3  }
0xa9: {  	[dreg:$0x3] =	wrdreg s5  }
0xaa: {  	[dreg:$0x4] =	wrdreg $0xC0  }
0xab: {  	_ =	task [dreg:s7], $0x5FFFF  }
0xac: {  	[dreg:$0x1] =	wrdreg $0xFFFFFFFF  }
0xad: {  	[dreg:$0x0] =	wrdreg $0x60  }
0xae: {  	[dreg:$0x2] =	wrdreg s24  }
0xaf: {  	[dreg:$0x3] =	wrdreg s2  }
0xb0: {  	[dreg:$0x4] =	wrdreg $0x168000  }
0xb1: {  	[dreg:$0x5] =	wrdreg $0x9  }
0xb2: {  	_ =	task.clear_ibuf [dreg:s7], $0x6FFFF;
	_ =	strace $0x90000046  }
0xb3: {  	s29 =	simm.s32 $0x9;
	_ =	strace $0x80000048  }
0xb4: {  	_ =	swait.ge [sflag:s29], $0x1  }
0xb5: {  	[sflag:s29] =	ssyncadd.s32 $0xFFFFFFFF  }
0xb6: {  	_ =	strace $0x90000048  }
0xb7: {  	_ =	sfence  }
0xb8: {  	s30 =	sld [smem:$0x0];
	_ =	sdelay $0x2  }
0xb9: {  	s31 =	sshll.u32 s1, $0xD;
	s1 =	sshrl.u32 s1, $0x2  }
0xba: {  	s3 =	sand.u32 $0x4000, s31;
	s1 =	sadd.s32 s1, s30  }
0xbb: {  	s0 =	sor.u32 s3, s0;
	s1 =	sshll.u32 s1, $0x11  }
0xbc: {  	s0 =	sor.u32 s1, s0  }
0xbd: {  	s0 =	sadd.s32 $0x8F2B, s0  }
0xbe: {  	[sflag:s0] =	ssyncadd.remote.s32 $0x1  }
0xbf: {  	_ =	sfence.sel $0xFFFF  }
0xc0: {  	[dreg:$0x0] =	wrdreg $0xFFFFFFFF;
	(pc) =	sbr.abs _section_cstart, $3  }
0xc1: {  	[dreg:$0x1] =	wrdreg $0xFFFFFFFF  }
0xc2: {  	_ =	task.clear_ibuf [dreg:s7], $0x2FFFF;
	_ =	strace $0x9FFFFFFF  }
0xc3: {  	(tm) =	ssettm $0x7FFFFFFF  }
tec
execute0_lowered:
.L_overlay_start_1:
0x0: {  	(tag) =	ssettag $0x1  }
0x1: {  	s0 =	rddreg [dreg:$0x0]  }
0x2: {  	s19 =	rddreg [dreg:$0x1]  }
0x3: {  	s2 =	rddreg [dreg:$0x2]  }
0x4: {  	s1 =	srdreg.scid;
	s3 =	simm.s32 $0x0;
	s4 =	stileid.u32  }
0x5: {  	s13 =	simm.s32 $0x6;
	s14 =	simm.s32 $0x80;
	s15 =	simm.s32 $0x800  }
0x6: {  	s30 =	simm.s32 $0x1;
	s31 =	simm.s32 $0x4;
	s16 =	simm.s32 $0x6800  }
0x7: {  	s20 =	simm.s32 $0x4880;
	s21 =	simm.s32 $0x6C00;
	s23 =	simm.s32 $0xE800  }
0x8: {  	s22 =	simm.s32 $0x15400;
	s24 =	simm.s32 $0x6600;
	s28 =	simm.s32 $0x15C00  }
0x9: {  	s29 =	simm.s32 $0x6700;
	s11 =	simm.s32 $0x16400;
	s12 =	simm.s32 $0x2  }
0xa: {  	s17 =	simm.s32 $0x0;
	s1 =	sand.u32 $0x1, s1;
	[smem:$0x7FF] =	sst s3  }
0xb: {  	s9 =	sadd.s32 $0x1000, s0;
	s6 =	sadd.s32 $0xF5C400, s0;
	s0 =	sadd.s32 $0x800, s0  }
0xc: {  	p0 =	sne.s32 s4, $0x0;
	s10 =	sadd.s32 $0x1000, s19;
	s5 =	sshll.u32 s1, $0x4  }
0xd: {  	_ =	strace $0x80000047;
	s1 =	ssub.s32 $0x2, s1;
	s5 =	sor.u32 s4, s5  }
0xe: {  	[dreg:$0x6] =	wrdreg s0;
	s7 =	sshrl.u32 s1, $0x1;
	s8 =	smul.u32 $0x6400, s5  }
0xf: {  	[dreg:$0x5] =	wrdreg s9;
	s25 =	ssub.s32 s1, s7;
	s7 =	simm.s32 $0x16000  }
.Ltmp0:
0x10: {  	s0 =	smax.u32 s25, $0x1;
	[dreg:$0x4] =	wrdreg s8;
	(pc) =	sbr.rel .LBB2_1-.Ltmp0, $4  }
0x11: {  	s25 =	simm.s32 $0x15800;
	s26 =	sshrl.u32 s8, $0x3;
	[dreg:$0x8] =	wrdreg s0  }
0x12: {  	s0 =	sshrl.u32 @!p0 s2, $0x3;
	s8 =	simm.s32 $0x6780;
	s1 =	sadd.s32 s9, s26  }
0x13: {  	v0 =	vlaneseq.u32;
	s9 =	smul.u32 $0x32000, s5;
	[dreg:$0x9] =	wrdreg s0;
	s0 =	simm.s32 $0x4800  }
0x14: {  	v0 =	vmul.u32 $0x8, v0;
	s26 =	simm.s32 $0x6680;
	[dreg:$0x7] =	wrdreg s1;
	s1 =	simm.s32 $0x3  }
.LBB2_11:
0x15: {  	_ =	swait.ge [sflag:s31], $0x8000  }
0x16: {  	[sflag:s31] =	ssyncset.done $0x0  }
0x17: {  	s5 =	simm.s32 $0x5;
	[sflag:s31] =	ssyncadd.s32 $0xFFFF8000  }
0x18: {  	_ =	swait.ge [sflag:s5], $0x8000  }
0x19: {  	s17 =	rddreg [dreg:$0xa]  }
0x1a: {  	s4 =	rddreg [dreg:$0x8];
	s17 =	sadd.s32 $0x1, s17  }
0x1b: {  	p1 =	sne.s32 s17, s4  }
.Ltmp1:
0x1c: {  	_ = 	snop;
	(pc) =	sbr.rel @!p1 .LBB2_12-.Ltmp1, $3  }
0x1d: {  	_ =	sdelay $0x1  }
0x1e: {  	[sflag:s5] =	ssyncset.done $0x0  }
0x1f: {  	[sflag:s5] =	ssyncadd.s32 $0xFFFF8000  }
.LBB2_1:
0x20: {  	[dreg:$0xa] =	wrdreg s17  }
0x21: {  	s5 =	rddreg [dreg:$0x6]  }
0x22: {  	s4 =	simm.s32 @!p0 $0x1C06;
	s17 =	rddreg [dreg:$0x9]  }
0x23: {  	[spmem:s17], [sflag:s4] =	dma.local @!p0 [hbm:s5], $0x800  }
0x24: {  	s4 =	simm.s32 @!p0 $0x6  }
0x25: {  	_ =	swait.ge @!p0 [sflag:s4], $0x800  }
0x26: {  	[sflag:s4] =	ssyncset.done @!p0 $0x0  }
0x27: {  	[sflag:s4] =	ssyncadd.s32 @!p0 $0xFFFFF800  }
0x28: {  	[bflag:$0x0] =	sbarrier.arrive $0xFFFF  }
0x29: {  	s18 =	rddreg [dreg:$0x7]  }
0x2a: {  	[tilespmem:s3], [sflag:$0x6] =	stream.linear.gather [hbm4b:s18+s3], $0x400, $0x38;
	[tilespmem:$0x16C00] =	vst v63  }
0x2b: {  	_ =	swait.ge [sflag:s13], $0x400  }
0x2c: {  	[sflag:s13] =	ssyncset.done $0x0  }
0x2d: {  	[sflag:s13] =	ssyncadd.s32 $0xFFFFFC00  }
0x2e: {  	[tilespmem:s15], [sflag:$0x1] =	stream.indirect.gather [hbm4b:s6+s14], $0x8, s3, s14, $0xb8;
	[tilespmem:$0x16C00] =	vst v63  }
0x2f: {  	s5 =	simm.s32 $0xC00  }
0x30: {  	[tilespmem:s5], [sflag:$0x1] =	stream.indirect.gather [hbm4b:s6+s14], $0x8, s14, s14, $0xb8;
	[tilespmem:$0x16C00] =	vst v63  }
0x31: {  	s17 =	simm.s32 $0x100;
	s18 =	simm.s32 $0x1000  }
0x32: {  	[tilespmem:s18], [sflag:$0x1] =	stream.indirect.gather [hbm4b:s6+s14], $0x8, s17, s14, $0xb8;
	[tilespmem:$0x16C00] =	vst v63  }
0x33: {  	s17 =	simm.s32 $0x180;
	s18 =	simm.s32 $0x1400  }
0x34: {  	[tilespmem:s18], [sflag:$0x1] =	stream.indirect.gather [hbm4b:s6+s14], $0x8, s17, s14, $0xb8;
	[tilespmem:$0x16C00] =	vst v63  }
0x35: {  	s17 =	simm.s32 $0x200;
	s18 =	simm.s32 $0x1800  }
0x36: {  	[tilespmem:s18], [sflag:$0x1] =	stream.indirect.gather [hbm4b:s6+s14], $0x8, s17, s14, $0xb8;
	[tilespmem:$0x16C00] =	vst v63  }
0x37: {  	s17 =	simm.s32 $0x280;
	s18 =	simm.s32 $0x1C00  }
0x38: {  	[tilespmem:s18], [sflag:$0x1] =	stream.indirect.gather [hbm4b:s6+s14], $0x8, s17, s14, $0xb8;
	[tilespmem:$0x16C00] =	vst v63  }
0x39: {  	s17 =	simm.s32 $0x300;
	s18 =	simm.s32 $0x2000  }
0x3a: {  	[tilespmem:s18], [sflag:$0x1] =	stream.indirect.gather [hbm4b:s6+s14], $0x8, s17, s14, $0xb8;
	[tilespmem:$0x16C00] =	vst v63  }
0x3b: {  	s4 =	simm.s32 $0x0;
	s17 =	simm.s32 $0x380;
	s18 =	simm.s32 $0x2400  }
0x3c: {  	[tilespmem:s18], [sflag:$0x1] =	stream.indirect.gather [hbm4b:s6+s14], $0x8, s17, s14, $0xb8;
	[tilespmem:$0x16C00] =	vst v63  }
.LBB2_2:
0x3d: {  	p1 =	sne.s32 s4, $0x18  }
.Ltmp2:
0x3e: {  	_ = 	snop;
	(pc) =	sbr.rel @!p1 .LBB2_5-.Ltmp2, $4  }
0x3f: {  	_ = 	snop  }
0x40: {  	_ =	swait.ge [sflag:s30], $0x2000  }
0x41: {  	s17 =	sand.u32 $0x1, s4;
	[sflag:s30] =	ssyncset.done $0x0  }
0x42: {  	s5 =	sadd.s32 $0x1, s4;
	v1 =	vmov s17;
	[sflag:s30] =	ssyncadd.s32 $0xFFFFE000  }
0x43: {  	s18 =	sshll.u32 s5, $0xA;
	s20 =	rddreg [dreg:$0x4]  }
0x44: {  	s18 =	sadd.s32 s20, s18  }
0x45: {  	s17 =	sxor.u32 $0x1, s17;
	s20 =	rddreg [dreg:$0x5];
	s18 =	sshrl.u32 s18, $0x3  }
0x46: {  	s21 =	smov.u32 s19;
	s19 =	sshll.u32 s17, $0xA;
	s18 =	sadd.s32 s20, s18  }
0x47: {  	[tilespmem:s19], [sflag:$0x6] =	stream.linear.gather [hbm4b:s18+s3], $0x400, $0x38;
	[tilespmem:$0x16C00] =	vst v63  }
0x48: {  	_ =	swait.ge [sflag:s13], $0x400  }
0x49: {  	s17 =	sshll.u32 s17, $0xD;
	[sflag:s13] =	ssyncset.done $0x0  }
0x4a: {  	s20 =	sor.u32 $0x800, s17;
	[sflag:s13] =	ssyncadd.s32 $0xFFFFFC00  }
0x4b: {  	[tilespmem:s20], [sflag:$0x1] =	stream.indirect.gather [hbm4b:s6+s14], $0x8, s19, s14, $0xb8;
	[tilespmem:$0x16C00] =	vst v63  }
0x4c: {  	s18 =	sor.u32 $0xC00, s17;
	s20 =	sor.u32 $0x80, s19  }
0x4d: {  	[tilespmem:s18], [sflag:$0x1] =	stream.indirect.gather [hbm4b:s6+s14], $0x8, s20, s14, $0xb8;
	[tilespmem:$0x16C00] =	vst v63  }
0x4e: {  	s18 =	sor.u32 $0x1000, s17;
	s20 =	sor.u32 $0x100, s19  }
0x4f: {  	[tilespmem:s18], [sflag:$0x1] =	stream.indirect.gather [hbm4b:s6+s14], $0x8, s20, s14, $0xb8;
	[tilespmem:$0x16C00] =	vst v63  }
0x50: {  	s18 =	sor.u32 $0x1400, s17;
	s20 =	sor.u32 $0x180, s19  }
0x51: {  	[tilespmem:s18], [sflag:$0x1] =	stream.indirect.gather [hbm4b:s6+s14], $0x8, s20, s14, $0xb8;
	[tilespmem:$0x16C00] =	vst v63  }
0x52: {  	s18 =	sor.u32 $0x1800, s17;
	s20 =	sor.u32 $0x200, s19  }
0x53: {  	[tilespmem:s18], [sflag:$0x1] =	stream.indirect.gather [hbm4b:s6+s14], $0x8, s20, s14, $0xb8;
	[tilespmem:$0x16C00] =	vst v63  }
0x54: {  	p1 =	seq.s32 s4, $0x0;
	s18 =	sor.u32 $0x1C00, s17;
	s20 =	sor.u32 $0x280, s19  }
0x55: {  	[tilespmem:s18], [sflag:$0x1] =	stream.indirect.gather [hbm4b:s6+s14], $0x8, s20, s14, $0xb8;
	[tilespmem:$0x16C00] =	vst v63  }
.Ltmp3:
0x56: {  	_ = 	snop;
	(pc) =	sbr.rel @p1 .LBB2_13-.Ltmp3, $4  }
0x57: {  	s18 =	sadd.s32 $0x2000, s17;
	s20 =	sor.u32 $0x300, s19  }
0x58: {  	[tilespmem:s18], [sflag:$0x1] =	stream.indirect.gather [hbm4b:s6+s14], $0x8, s20, s14, $0xb8;
	[tilespmem:$0x16C00] =	vst v63  }
0x59: {  	s17 =	sadd.s32 $0x2400, s17;
	s20 =	sor.u32 $0x380, s19  }
0x5a: {  	[tilespmem:s17], [sflag:$0x1] =	stream.indirect.gather [hbm4b:s6+s14], $0x8, s20, s14, $0xb8;
	[tilespmem:$0x16C00] =	vst v63  }
0x5b: {  	s19 =	smov.u32 s21;
	s20 =	simm.s32 $0x4880;
	s21 =	simm.s32 $0x6C00  }
.LBB2_5:
0x5c: {  	_ =	swait.ge [sflag:s31], $0x8000  }
0x5d: {  	[sflag:s31] =	ssyncset.done $0x0  }
0x5e: {  	p1 =	por $0x0, $0x0;
	[sflag:s31] =	ssyncadd.s32 $0xFFFF8000  }
.LBB2_6:
0x5f: {  	s17 =	simm.s32 $0x0  }
0x60: {  	v2 =	vmov s17  }
0x61: {  	v2 =	vshll.u32 v2, $0x3  }
0x62: {  	v1 =	vshll.u32 v1, $0xD;
	v6 =	vor.u32 v0, v2  }
0x63: {  	v2 =	vadd.s32 v1, v6  }
0x64: {  	v3 =	vor.u32 $0x1, v2  }
0x65: {  	v4 =	vor.u32 $0x4, v2  }
0x66: {  	v7 =	vor.u32 $0x2, v2  }
0x67: {  	v8 =	vor.u32 $0x3, v2  }
0x68: {  	v10 =	vor.u32 $0x5, v2;
	v13 =	vld.idx.msk [tilespmem:v2+s15+$0x0], $0xffff  }
0x69: {  	v17 =	vor.u32 $0x6, v2;
	v16 =	vld.idx.msk [tilespmem:v3+s15+$0x0], $0xffff  }
0x6a: {  	s18 =	simm.s32 $0x10;
	v9 =	vor.u32 $0x7, v2;
	v5 =	vld.idx.msk [tilespmem:v4+s15+$0x0], $0xffff  }
0x6b: {  	v20 =	vor.u32 $0x1, v6;
	v2 =	vmov s18;
	v19 =	vld.idx.msk [tilespmem:v7+s15+$0x0], $0xffff  }
0x6c: {  	v15 =	vor.u32 $0x2, v6;
	v14 =	vor.u32 $0x3, v6;
	v11 =	vld.idx.msk [tilespmem:v8+s15+$0x0], $0xffff;
	v2 =	vshll.u32 v2, $0x3  }
0x6d: {  	v18 =	vor.u32 $0x5, v6;
	v3 =	vor.u32 $0x7, v6;
	v12 =	vld.idx.msk [tilespmem:v10+s15+$0x0], $0xffff;
	v2 =	vor.u32 v0, v2  }
0x6e: {  	v4 =	vadd.s32 v1, v2;
	v21 =	vadd.s32 $0x100, v16;
	v16 =	vld.idx.msk [tilespmem:v17+s15+$0x0], $0xffff;
	v17 =	vor.u32 $0x4, v6  }
0x6f: {  	v7 =	vld.idx.msk [tilespmem:v9+s15+$0x0], $0xffff;
	v9 =	vor.u32 $0x6, v6;
	v10 =	vor.u32 $0x1, v4;
	v8 =	vor.u32 $0x2, v4;
	[tilespmem:v6+s0+$0x0] =	vst.idx.msk $0xffff, v13  }
0x70: {  	s17 =	simm.s32 $0x20;
	v13 =	vor.u32 $0x4, v4;
	v6 =	vor.u32 $0x5, v4;
	v19 =	vadd.s32 $0x200, v19;
	[tilespmem:v20+s0+$0x0] =	vst.idx.msk $0xffff, v21  }
.LBB2_7:
0x71: {  	p2 =	sne.s32 s17, $0x1F0;
	v20 =	vor.u32 $0x3, v4;
	v21 =	vor.u32 $0x7, v4;
	v11 =	vadd.s32 $0x300, v11;
	[tilespmem:v15+s0+$0x0] =	vst.idx.msk $0xffff, v19;
	s18 =	smov.u32 s17;
	s17 =	sadd.s32 $0x10, s17  }
0x72: {  	v15 =	vor.u32 $0x7, v2;
	v5 =	vadd.s32 $0x400, v5;
	[tilespmem:v14+s0+$0x0] =	vst.idx.msk $0xffff, v11  }
0x73: {  	v11 =	vadd.s32 $0x500, v12;
	[tilespmem:v17+s0+$0x0] =	vst.idx.msk $0xffff, v5  }
0x74: {  	v5 =	vadd.s32 $0x600, v16;
	[tilespmem:v18+s0+$0x0] =	vst.idx.msk $0xffff, v11  }
0x75: {  	v7 =	vadd.s32 $0x700, v7;
	[tilespmem:v9+s0+$0x0] =	vst.idx.msk $0xffff, v5  }
0x76: {  	[tilespmem:v3+s0+$0x0] =	vst.idx.msk $0xffff, v7;
	v3 =	vmov v15  }
0x77: {  	v18 =	vld.idx.msk [tilespmem:v4+s15+$0x0], $0xffff  }
0x78: {  	v10 =	vld.idx.msk [tilespmem:v10+s15+$0x0], $0xffff  }
0x79: {  	v5 =	vld.idx.msk [tilespmem:v13+s15+$0x0], $0xffff;
	v13 =	vor.u32 $0x6, v4  }
0x7a: {  	v19 =	vld.idx.msk [tilespmem:v8+s15+$0x0], $0xffff  }
0x7b: {  	v4 =	vmov s18;
	v11 =	vld.idx.msk [tilespmem:v20+s15+$0x0], $0xffff;
	v20 =	vor.u32 $0x1, v2  }
.Ltmp4:
0x7c: {  	v15 =	vor.u32 $0x2, v2;
	v4 =	vshll.u32 v4, $0x3;
	v7 =	vld.idx.msk [tilespmem:v21+s15+$0x0], $0xffff;
	(pc) =	sbr.rel @p2 .LBB2_7-.Ltmp4, $4  }
0x7d: {  	v14 =	vor.u32 $0x3, v2;
	v9 =	vor.u32 $0x6, v2;
	v21 =	vor.u32 v0, v4;
	v12 =	vld.idx.msk [tilespmem:v6+s15+$0x0], $0xffff  }
0x7e: {  	v17 =	vor.u32 $0x4, v2;
	v4 =	vadd.s32 v1, v21;
	v22 =	vadd.s32 $0x100, v10;
	v16 =	vld.idx.msk [tilespmem:v13+s15+$0x0], $0xffff  }
0x7f: {  	v10 =	vor.u32 $0x1, v4;
	v8 =	vor.u32 $0x2, v4;
	[tilespmem:v2+s0+$0x0] =	vst.idx.msk $0xffff, v18;
	v18 =	vor.u32 $0x5, v2;
	v2 =	vmovc v21  }
0x80: {  	v13 =	vor.u32 $0x4, v4;
	v6 =	vor.u32 $0x5, v4;
	v19 =	vadd.s32 $0x200, v19;
	[tilespmem:v20+s0+$0x0] =	vst.idx.msk $0xffff, v22  }
0x81: {  	_ =	sdelay $0x3  }
0x82: {  	v11 =	vadd.s32 $0x300, v11;
	[tilespmem:v15+s0+$0x0] =	vst.idx.msk $0xffff, v19  }
0x83: {  	v5 =	vadd.s32 $0x400, v5;
	[tilespmem:v14+s0+$0x0] =	vst.idx.msk $0xffff, v11  }
0x84: {  	v11 =	vadd.s32 $0x500, v12;
	[tilespmem:v17+s0+$0x0] =	vst.idx.msk $0xffff, v5  }
0x85: {  	v5 =	vadd.s32 $0x600, v16;
	[tilespmem:v18+s0+$0x0] =	vst.idx.msk $0xffff, v11  }
0x86: {  	v7 =	vadd.s32 $0x700, v7;
	[tilespmem:v9+s0+$0x0] =	vst.idx.msk $0xffff, v5  }
0x87: {  	v5 =	vor.u32 $0x3, v4;
	[tilespmem:v3+s0+$0x0] =	vst.idx.msk $0xffff, v7  }
0x88: {  	v7 =	vld.idx.msk [tilespmem:v4+s15+$0x0], $0xffff  }
0x89: {  	v3 =	vor.u32 $0x7, v4;
	v9 =	vld.idx.msk [tilespmem:v10+s15+$0x0], $0xffff  }
0x8a: {  	v10 =	vld.idx.msk [tilespmem:v13+s15+$0x0], $0xffff;
	v4 =	vor.u32 $0x6, v4  }
0x8b: {  	v11 =	vor.u32 $0x1, v2;
	v8 =	vld.idx.msk [tilespmem:v8+s15+$0x0], $0xffff  }
0x8c: {  	v12 =	vor.u32 $0x2, v2;
	v5 =	vld.idx.msk [tilespmem:v5+s15+$0x0], $0xffff  }
0x8d: {  	v6 =	vld.idx.msk [tilespmem:v6+s15+$0x0], $0xffff;
	v13 =	vor.u32 $0x3, v2  }
0x8e: {  	v14 =	vor.u32 $0x4, v2;
	v3 =	vld.idx.msk [tilespmem:v3+s15+$0x0], $0xffff  }
0x8f: {  	v4 =	vld.idx.msk [tilespmem:v4+s15+$0x0], $0xffff;
	v9 =	vadd.s32 $0x100, v9;
	[tilespmem:v2+s0+$0x0] =	vst.idx.msk $0xffff, v7;
	v7 =	vor.u32 $0x5, v2  }
0x90: {  	v15 =	vor.u32 $0x6, v2;
	v8 =	vadd.s32 $0x200, v8;
	[tilespmem:v11+s0+$0x0] =	vst.idx.msk $0xffff, v9  }
0x91: {  	v2 =	vor.u32 $0x7, v2;
	[tilespmem:v12+s0+$0x0] =	vst.idx.msk $0xffff, v8;
	v5 =	vadd.s32 $0x300, v5  }
0x92: {  	v8 =	vadd.s32 $0x400, v10;
	[tilespmem:v13+s0+$0x0] =	vst.idx.msk $0xffff, v5  }
0x93: {  	v5 =	vadd.s32 $0x500, v6;
	[tilespmem:v14+s0+$0x0] =	vst.idx.msk $0xffff, v8  }
0x94: {  	v4 =	vadd.s32 $0x600, v4;
	[tilespmem:v7+s0+$0x0] =	vst.idx.msk $0xffff, v5  }
0x95: {  	v3 =	vadd.s32 $0x700, v3;
	[tilespmem:v15+s0+$0x0] =	vst.idx.msk $0xffff, v4  }
0x96: {  	[tilespmem:v2+s0+$0x0] =	vst.idx.msk $0xffff, v3  }
0x97: {  	[tilespmem:s16], [sflag:$0x2] =	stream.indirect.gather [spmem:s2], $0x8, s0, s14, $0xb8;
	[tilespmem:$0x16C00] =	vst v63  }
0x98: {  	_ = 	snop  }
0x99: {  	[tilespmem:s21], [sflag:$0x2] =	stream.indirect.gather [spmem:s2], $0x8, s20, s14, $0xb8;
	[tilespmem:$0x16C00] =	vst v63  }
0x9a: {  	s17 =	simm.s32 $0x4900;
	s18 =	simm.s32 $0x7000  }
0x9b: {  	[tilespmem:s18], [sflag:$0x2] =	stream.indirect.gather [spmem:s2], $0x8, s17, s14, $0xb8;
	[tilespmem:$0x16C00] =	vst v63  }
0x9c: {  	s17 =	simm.s32 $0x4980;
	s18 =	simm.s32 $0x7400  }
0x9d: {  	[tilespmem:s18], [sflag:$0x2] =	stream.indirect.gather [spmem:s2], $0x8, s17, s14, $0xb8;
	[tilespmem:$0x16C00] =	vst v63  }
0x9e: {  	s17 =	simm.s32 $0x4A00;
	s18 =	simm.s32 $0x7800  }
0x9f: {  	[tilespmem:s18], [sflag:$0x2] =	stream.indirect.gather [spmem:s2], $0x8, s17, s14, $0xb8;
	[tilespmem:$0x16C00] =	vst v63  }
0xa0: {  	s17 =	simm.s32 $0x4A80;
	s18 =	simm.s32 $0x7C00  }
0xa1: {  	[tilespmem:s18], [sflag:$0x2] =	stream.indirect.gather [spmem:s2], $0x8, s17, s14, $0xb8;
	[tilespmem:$0x16C00] =	vst v63  }
0xa2: {  	s17 =	simm.s32 $0x4B00;
	s18 =	simm.s32 $0x8000  }
0xa3: {  	[tilespmem:s18], [sflag:$0x2] =	stream.indirect.gather [spmem:s2], $0x8, s17, s14, $0xb8;
	[tilespmem:$0x16C00] =	vst v63  }
0xa4: {  	s17 =	simm.s32 $0x4B80;
	s18 =	simm.s32 $0x8400  }
0xa5: {  	[tilespmem:s18], [sflag:$0x2] =	stream.indirect.gather [spmem:s2], $0x8, s17, s14, $0xb8;
	[tilespmem:$0x16C00] =	vst v63  }
0xa6: {  	s17 =	simm.s32 $0x4C00;
	s18 =	simm.s32 $0x8800  }
0xa7: {  	[tilespmem:s18], [sflag:$0x2] =	stream.indirect.gather [spmem:s2], $0x8, s17, s14, $0xb8;
	[tilespmem:$0x16C00] =	vst v63  }
0xa8: {  	s17 =	simm.s32 $0x4C80;
	s18 =	simm.s32 $0x8C00  }
0xa9: {  	[tilespmem:s18], [sflag:$0x2] =	stream.indirect.gather [spmem:s2], $0x8, s17, s14, $0xb8;
	[tilespmem:$0x16C00] =	vst v63  }
0xaa: {  	s17 =	simm.s32 $0x4D00;
	s18 =	simm.s32 $0x9000  }
0xab: {  	[tilespmem:s18], [sflag:$0x2] =	stream.indirect.gather [spmem:s2], $0x8, s17, s14, $0xb8;
	[tilespmem:$0x16C00] =	vst v63  }
0xac: {  	s17 =	simm.s32 $0x4D80;
	s18 =	simm.s32 $0x9400  }
0xad: {  	[tilespmem:s18], [sflag:$0x2] =	stream.indirect.gather [spmem:s2], $0x8, s17, s14, $0xb8;
	[tilespmem:$0x16C00] =	vst v63  }
0xae: {  	s17 =	simm.s32 $0x4E00;
	s18 =	simm.s32 $0x9800  }
0xaf: {  	[tilespmem:s18], [sflag:$0x2] =	stream.indirect.gather [spmem:s2], $0x8, s17, s14, $0xb8;
	[tilespmem:$0x16C00] =	vst v63  }
0xb0: {  	s17 =	simm.s32 $0x4E80;
	s18 =	simm.s32 $0x9C00  }
0xb1: {  	[tilespmem:s18], [sflag:$0x2] =	stream.indirect.gather [spmem:s2], $0x8, s17, s14, $0xb8;
	[tilespmem:$0x16C00] =	vst v63  }
0xb2: {  	s17 =	simm.s32 $0x4F00;
	s18 =	simm.s32 $0xA000  }
0xb3: {  	[tilespmem:s18], [sflag:$0x2] =	stream.indirect.gather [spmem:s2], $0x8, s17, s14, $0xb8;
	[tilespmem:$0x16C00] =	vst v63  }
0xb4: {  	s17 =	simm.s32 $0x4F80;
	s18 =	simm.s32 $0xA400  }
0xb5: {  	[tilespmem:s18], [sflag:$0x2] =	stream.indirect.gather [spmem:s2], $0x8, s17, s14, $0xb8;
	[tilespmem:$0x16C00] =	vst v63  }
0xb6: {  	s17 =	simm.s32 $0x5000;
	s18 =	simm.s32 $0xA800  }
0xb7: {  	[tilespmem:s18], [sflag:$0x2] =	stream.indirect.gather [spmem:s2], $0x8, s17, s14, $0xb8;
	[tilespmem:$0x16C00] =	vst v63  }
0xb8: {  	s17 =	simm.s32 $0x5080;
	s18 =	simm.s32 $0xAC00  }
0xb9: {  	[tilespmem:s18], [sflag:$0x2] =	stream.indirect.gather [spmem:s2], $0x8, s17, s14, $0xb8;
	[tilespmem:$0x16C00] =	vst v63  }
0xba: {  	s17 =	simm.s32 $0x5100;
	s18 =	simm.s32 $0xB000  }
0xbb: {  	[tilespmem:s18], [sflag:$0x2] =	stream.indirect.gather [spmem:s2], $0x8, s17, s14, $0xb8;
	[tilespmem:$0x16C00] =	vst v63  }
0xbc: {  	s17 =	simm.s32 $0x5180;
	s18 =	simm.s32 $0xB400  }
0xbd: {  	[tilespmem:s18], [sflag:$0x2] =	stream.indirect.gather [spmem:s2], $0x8, s17, s14, $0xb8;
	[tilespmem:$0x16C00] =	vst v63  }
0xbe: {  	s17 =	simm.s32 $0x5200;
	s18 =	simm.s32 $0xB800  }
0xbf: {  	[tilespmem:s18], [sflag:$0x2] =	stream.indirect.gather [spmem:s2], $0x8, s17, s14, $0xb8;
	[tilespmem:$0x16C00] =	vst v63  }
0xc0: {  	s17 =	simm.s32 $0x5280;
	s18 =	simm.s32 $0xBC00  }
0xc1: {  	[tilespmem:s18], [sflag:$0x2] =	stream.indirect.gather [spmem:s2], $0x8, s17, s14, $0xb8;
	[tilespmem:$0x16C00] =	vst v63  }
0xc2: {  	s17 =	simm.s32 $0x5300;
	s18 =	simm.s32 $0xC000  }
0xc3: {  	[tilespmem:s18], [sflag:$0x2] =	stream.indirect.gather [spmem:s2], $0x8, s17, s14, $0xb8;
	[tilespmem:$0x16C00] =	vst v63  }
0xc4: {  	s17 =	simm.s32 $0x5380;
	s18 =	simm.s32 $0xC400  }
0xc5: {  	[tilespmem:s18], [sflag:$0x2] =	stream.indirect.gather [spmem:s2], $0x8, s17, s14, $0xb8;
	[tilespmem:$0x16C00] =	vst v63  }
0xc6: {  	s17 =	simm.s32 $0x5400;
	s18 =	simm.s32 $0xC800  }
0xc7: {  	[tilespmem:s18], [sflag:$0x2] =	stream.indirect.gather [spmem:s2], $0x8, s17, s14, $0xb8;
	[tilespmem:$0x16C00] =	vst v63  }
0xc8: {  	s17 =	simm.s32 $0x5480;
	s18 =	simm.s32 $0xCC00  }
0xc9: {  	[tilespmem:s18], [sflag:$0x2] =	stream.indirect.gather [spmem:s2], $0x8, s17, s14, $0xb8;
	[tilespmem:$0x16C00] =	vst v63  }
0xca: {  	s17 =	simm.s32 $0x5500;
	s18 =	simm.s32 $0xD000  }
0xcb: {  	[tilespmem:s18], [sflag:$0x2] =	stream.indirect.gather [spmem:s2], $0x8, s17, s14, $0xb8;
	[tilespmem:$0x16C00] =	vst v63  }
0xcc: {  	s17 =	simm.s32 $0x5580;
	s18 =	simm.s32 $0xD400  }
0xcd: {  	[tilespmem:s18], [sflag:$0x2] =	stream.indirect.gather [spmem:s2], $0x8, s17, s14, $0xb8;
	[tilespmem:$0x16C00] =	vst v63  }
0xce: {  	s17 =	simm.s32 $0x5600;
	s18 =	simm.s32 $0xD800  }
0xcf: {  	[tilespmem:s18], [sflag:$0x2] =	stream.indirect.gather [spmem:s2], $0x8, s17, s14, $0xb8;
	[tilespmem:$0x16C00] =	vst v63  }
0xd0: {  	s17 =	simm.s32 $0x5680;
	s18 =	simm.s32 $0xDC00  }
0xd1: {  	[tilespmem:s18], [sflag:$0x2] =	stream.indirect.gather [spmem:s2], $0x8, s17, s14, $0xb8;
	[tilespmem:$0x16C00] =	vst v63  }
0xd2: {  	s18 =	simm.s32 $0x200  }
0xd3: {  	s17 =	simm.s32 $0x5700;
	v2 =	vmov s18;
	s18 =	simm.s32 $0xE000  }
0xd4: {  	[tilespmem:s18], [sflag:$0x2] =	stream.indirect.gather [spmem:s2], $0x8, s17, s14, $0xb8;
	v2 =	vshll.u32 v2, $0x3;
	[tilespmem:$0x16C00] =	vst v63  }
0xd5: {  	s17 =	simm.s32 $0x5780;
	s18 =	simm.s32 $0xE400;
	v6 =	vor.u32 v0, v2  }
0xd6: {  	[tilespmem:s18], [sflag:$0x2] =	stream.indirect.gather [spmem:s2], $0x8, s17, s14, $0xb8;
	v2 =	vadd.s32 v1, v6;
	[tilespmem:$0x16C00] =	vst v63  }
0xd7: {  	s17 =	simm.s32 @!p1 $0x5;
	v3 =	vor.u32 $0x1, v2  }
0xd8: {  	_ =	swait.ge @!p1 [sflag:s17], $0x8000;
	v4 =	vor.u32 $0x4, v2  }
0xd9: {  	v7 =	vor.u32 $0x2, v2;
	[sflag:s17] =	ssyncset.done @!p1 $0x0  }
0xda: {  	v8 =	vor.u32 $0x3, v2;
	[sflag:s17] =	ssyncadd.s32 @!p1 $0xFFFF8000  }
0xdb: {  	v10 =	vor.u32 $0x5, v2;
	v13 =	vld.idx.msk [tilespmem:v2+s15+$0x0], $0xffff  }
0xdc: {  	v17 =	vor.u32 $0x6, v2;
	v16 =	vld.idx.msk [tilespmem:v3+s15+$0x0], $0xffff  }
0xdd: {  	s18 =	simm.s32 $0x210;
	v9 =	vor.u32 $0x7, v2;
	v5 =	vld.idx.msk [tilespmem:v4+s15+$0x0], $0xffff  }
0xde: {  	v20 =	vor.u32 $0x1, v6;
	v2 =	vmov s18;
	v19 =	vld.idx.msk [tilespmem:v7+s15+$0x0], $0xffff  }
0xdf: {  	v15 =	vor.u32 $0x2, v6;
	v14 =	vor.u32 $0x3, v6;
	v11 =	vld.idx.msk [tilespmem:v8+s15+$0x0], $0xffff;
	v2 =	vshll.u32 v2, $0x3  }
0xe0: {  	v18 =	vor.u32 $0x5, v6;
	v3 =	vor.u32 $0x7, v6;
	v12 =	vld.idx.msk [tilespmem:v10+s15+$0x0], $0xffff;
	v2 =	vor.u32 v0, v2  }
0xe1: {  	v4 =	vadd.s32 v1, v2;
	v21 =	vadd.s32 $0x100, v16;
	v16 =	vld.idx.msk [tilespmem:v17+s15+$0x0], $0xffff;
	v17 =	vor.u32 $0x4, v6  }
0xe2: {  	v7 =	vld.idx.msk [tilespmem:v9+s15+$0x0], $0xffff;
	v9 =	vor.u32 $0x6, v6;
	v10 =	vor.u32 $0x1, v4;
	v8 =	vor.u32 $0x2, v4;
	[tilespmem:v6+s0+$0x0] =	vst.idx.msk $0xffff, v13  }
0xe3: {  	s17 =	simm.s32 $0x220;
	v13 =	vor.u32 $0x4, v4;
	v6 =	vor.u32 $0x5, v4;
	v19 =	vadd.s32 $0x200, v19;
	[tilespmem:v20+s0+$0x0] =	vst.idx.msk $0xffff, v21  }
.LBB2_9:
0xe4: {  	p1 =	sne.s32 s17, $0x3F0;
	v20 =	vor.u32 $0x3, v4;
	v21 =	vor.u32 $0x7, v4;
	v11 =	vadd.s32 $0x300, v11;
	[tilespmem:v15+s0+$0x0] =	vst.idx.msk $0xffff, v19;
	s18 =	smov.u32 s17;
	s17 =	sadd.s32 $0x10, s17  }
0xe5: {  	v15 =	vor.u32 $0x7, v2;
	v5 =	vadd.s32 $0x400, v5;
	[tilespmem:v14+s0+$0x0] =	vst.idx.msk $0xffff, v11  }
0xe6: {  	v11 =	vadd.s32 $0x500, v12;
	[tilespmem:v17+s0+$0x0] =	vst.idx.msk $0xffff, v5  }
0xe7: {  	v5 =	vadd.s32 $0x600, v16;
	[tilespmem:v18+s0+$0x0] =	vst.idx.msk $0xffff, v11  }
0xe8: {  	v7 =	vadd.s32 $0x700, v7;
	[tilespmem:v9+s0+$0x0] =	vst.idx.msk $0xffff, v5  }
0xe9: {  	[tilespmem:v3+s0+$0x0] =	vst.idx.msk $0xffff, v7;
	v3 =	vmov v15  }
0xea: {  	v18 =	vld.idx.msk [tilespmem:v4+s15+$0x0], $0xffff  }
0xeb: {  	v10 =	vld.idx.msk [tilespmem:v10+s15+$0x0], $0xffff  }
0xec: {  	v5 =	vld.idx.msk [tilespmem:v13+s15+$0x0], $0xffff;
	v13 =	vor.u32 $0x6, v4  }
0xed: {  	v19 =	vld.idx.msk [tilespmem:v8+s15+$0x0], $0xffff  }
0xee: {  	v4 =	vmov s18;
	v11 =	vld.idx.msk [tilespmem:v20+s15+$0x0], $0xffff;
	v20 =	vor.u32 $0x1, v2  }
.Ltmp5:
0xef: {  	v15 =	vor.u32 $0x2, v2;
	v4 =	vshll.u32 v4, $0x3;
	v7 =	vld.idx.msk [tilespmem:v21+s15+$0x0], $0xffff;
	(pc) =	sbr.rel @p1 .LBB2_9-.Ltmp5, $4  }
0xf0: {  	v14 =	vor.u32 $0x3, v2;
	v9 =	vor.u32 $0x6, v2;
	v21 =	vor.u32 v0, v4;
	v12 =	vld.idx.msk [tilespmem:v6+s15+$0x0], $0xffff  }
0xf1: {  	v17 =	vor.u32 $0x4, v2;
	v4 =	vadd.s32 v1, v21;
	v22 =	vadd.s32 $0x100, v10;
	v16 =	vld.idx.msk [tilespmem:v13+s15+$0x0], $0xffff  }
0xf2: {  	v10 =	vor.u32 $0x1, v4;
	v8 =	vor.u32 $0x2, v4;
	[tilespmem:v2+s0+$0x0] =	vst.idx.msk $0xffff, v18;
	v18 =	vor.u32 $0x5, v2;
	v2 =	vmovc v21  }
0xf3: {  	v13 =	vor.u32 $0x4, v4;
	v6 =	vor.u32 $0x5, v4;
	v19 =	vadd.s32 $0x200, v19;
	[tilespmem:v20+s0+$0x0] =	vst.idx.msk $0xffff, v22  }
0xf4: {  	_ =	sdelay $0x3  }
0xf5: {  	v1 =	vadd.s32 $0x300, v11;
	[tilespmem:v15+s0+$0x0] =	vst.idx.msk $0xffff, v19  }
0xf6: {  	v5 =	vadd.s32 $0x400, v5;
	[tilespmem:v14+s0+$0x0] =	vst.idx.msk $0xffff, v1  }
0xf7: {  	v1 =	vadd.s32 $0x500, v12;
	[tilespmem:v17+s0+$0x0] =	vst.idx.msk $0xffff, v5  }
0xf8: {  	v53 =	vadd.s32 $0x600, v16;
	[tilespmem:v18+s0+$0x0] =	vst.idx.msk $0xffff, v1  }
0xf9: {  	v1 =	vadd.s32 $0x700, v7;
	[tilespmem:v9+s0+$0x0] =	vst.idx.msk $0xffff, v53  }
0xfa: {  	v54 =	vor.u32 $0x3, v4;
	[tilespmem:v3+s0+$0x0] =	vst.idx.msk $0xffff, v1  }
0xfb: {  	v3 =	vld.idx.msk [tilespmem:v4+s15+$0x0], $0xffff  }
0xfc: {  	v56 =	vor.u32 $0x6, v4;
	v55 =	vld.idx.msk [tilespmem:v10+s15+$0x0], $0xffff  }
0xfd: {  	v1 =	vor.u32 $0x7, v4;
	v9 =	vld.idx.msk [tilespmem:v13+s15+$0x0], $0xffff  }
0xfe: {  	v57 =	vor.u32 $0x1, v2;
	v8 =	vld.idx.msk [tilespmem:v8+s15+$0x0], $0xffff  }
0xff: {  	v58 =	vor.u32 $0x2, v2;
	v5 =	vld.idx.msk [tilespmem:v54+s15+$0x0], $0xffff  }
0x100: {  	v59 =	vor.u32 $0x3, v2;
	v6 =	vld.idx.msk [tilespmem:v6+s15+$0x0], $0xffff  }
0x101: {  	v60 =	vor.u32 $0x4, v2;
	v4 =	vld.idx.msk [tilespmem:v56+s15+$0x0], $0xffff  }
0x102: {  	v1 =	vld.idx.msk [tilespmem:v1+s15+$0x0], $0xffff;
	v7 =	vadd.s32 $0x100, v55;
	[tilespmem:v2+s0+$0x0] =	vst.idx.msk $0xffff, v3;
	v3 =	vor.u32 $0x5, v2  }
0x103: {  	v61 =	vor.u32 $0x6, v2;
	v8 =	vadd.s32 $0x200, v8;
	[tilespmem:v57+s0+$0x0] =	vst.idx.msk $0xffff, v7  }
0x104: {  	v2 =	vor.u32 $0x7, v2;
	v5 =	vadd.s32 $0x300, v5;
	[tilespmem:v58+s0+$0x0] =	vst.idx.msk $0xffff, v8  }
0x105: {  	v62 =	vadd.s32 $0x400, v9;
	[tilespmem:v59+s0+$0x0] =	vst.idx.msk $0xffff, v5  }
0x106: {  	v63 =	vadd.s32 $0x500, v6;
	[tilespmem:v60+s0+$0x0] =	vst.idx.msk $0xffff, v62  }
0x107: {  	v4 =	vadd.s32 $0x600, v4;
	[tilespmem:v3+s0+$0x0] =	vst.idx.msk $0xffff, v63  }
0x108: {  	v1 =	vadd.s32 $0x700, v1;
	[tilespmem:v61+s0+$0x0] =	vst.idx.msk $0xffff, v4  }
0x109: {  	s17 =	simm.s32 $0x5800;
	[tilespmem:v2+s0+$0x0] =	vst.idx.msk $0xffff, v1  }
0x10a: {  	[tilespmem:s23], [sflag:$0x3] =	stream.indirect.gather [spmem:s2], $0x8, s17, s14, $0xb8;
	[tilespmem:$0x16C00] =	vst v63  }
0x10b: {  	s18 =	simm.s32 $0xEC00;
	s17 =	simm.s32 $0x5880  }
0x10c: {  	[tilespmem:s18], [sflag:$0x3] =	stream.indirect.gather [spmem:s2], $0x8, s17, s14, $0xb8;
	[tilespmem:$0x16C00] =	vst v63  }
0x10d: {  	s17 =	simm.s32 $0x5900;
	s18 =	simm.s32 $0xF000  }
0x10e: {  	[tilespmem:s18], [sflag:$0x3] =	stream.indirect.gather [spmem:s2], $0x8, s17, s14, $0xb8;
	[tilespmem:$0x16C00] =	vst v63  }
0x10f: {  	s17 =	simm.s32 $0x5980;
	s18 =	simm.s32 $0xF400  }
0x110: {  	[tilespmem:s18], [sflag:$0x3] =	stream.indirect.gather [spmem:s2], $0x8, s17, s14, $0xb8;
	[tilespmem:$0x16C00] =	vst v63  }
0x111: {  	s17 =	simm.s32 $0x5A00;
	s18 =	simm.s32 $0xF800  }
0x112: {  	[tilespmem:s18], [sflag:$0x3] =	stream.indirect.gather [spmem:s2], $0x8, s17, s14, $0xb8;
	[tilespmem:$0x16C00] =	vst v63  }
0x113: {  	s17 =	simm.s32 $0x5A80;
	s18 =	simm.s32 $0xFC00  }
0x114: {  	[tilespmem:s18], [sflag:$0x3] =	stream.indirect.gather [spmem:s2], $0x8, s17, s14, $0xb8;
	[tilespmem:$0x16C00] =	vst v63  }
0x115: {  	s17 =	simm.s32 $0x5B00;
	s18 =	simm.s32 $0x10000  }
0x116: {  	[tilespmem:s18], [sflag:$0x3] =	stream.indirect.gather [spmem:s2], $0x8, s17, s14, $0xb8;
	[tilespmem:$0x16C00] =	vst v63  }
0x117: {  	s17 =	simm.s32 $0x5B80;
	s18 =	simm.s32 $0x10400  }
0x118: {  	[tilespmem:s18], [sflag:$0x3] =	stream.indirect.gather [spmem:s2], $0x8, s17, s14, $0xb8;
	[tilespmem:$0x16C00] =	vst v63  }
0x119: {  	s17 =	simm.s32 $0x5C00;
	s18 =	simm.s32 $0x10800  }
0x11a: {  	[tilespmem:s18], [sflag:$0x3] =	stream.indirect.gather [spmem:s2], $0x8, s17, s14, $0xb8;
	[tilespmem:$0x16C00] =	vst v63  }
0x11b: {  	s17 =	simm.s32 $0x5C80;
	s18 =	simm.s32 $0x10C00  }
0x11c: {  	[tilespmem:s18], [sflag:$0x3] =	stream.indirect.gather [spmem:s2], $0x8, s17, s14, $0xb8;
	[tilespmem:$0x16C00] =	vst v63  }
0x11d: {  	s17 =	simm.s32 $0x5D00;
	s18 =	simm.s32 $0x11000  }
0x11e: {  	[tilespmem:s18], [sflag:$0x3] =	stream.indirect.gather [spmem:s2], $0x8, s17, s14, $0xb8;
	[tilespmem:$0x16C00] =	vst v63  }
0x11f: {  	s17 =	simm.s32 $0x5D80;
	s18 =	simm.s32 $0x11400  }
0x120: {  	[tilespmem:s18], [sflag:$0x3] =	stream.indirect.gather [spmem:s2], $0x8, s17, s14, $0xb8;
	[tilespmem:$0x16C00] =	vst v63  }
0x121: {  	s17 =	simm.s32 $0x5E00;
	s18 =	simm.s32 $0x11800  }
0x122: {  	[tilespmem:s18], [sflag:$0x3] =	stream.indirect.gather [spmem:s2], $0x8, s17, s14, $0xb8;
	[tilespmem:$0x16C00] =	vst v63  }
0x123: {  	s17 =	simm.s32 $0x5E80;
	s18 =	simm.s32 $0x11C00  }
0x124: {  	[tilespmem:s18], [sflag:$0x3] =	stream.indirect.gather [spmem:s2], $0x8, s17, s14, $0xb8;
	[tilespmem:$0x16C00] =	vst v63  }
0x125: {  	s17 =	simm.s32 $0x5F00;
	s18 =	simm.s32 $0x12000  }
0x126: {  	[tilespmem:s18], [sflag:$0x3] =	stream.indirect.gather [spmem:s2], $0x8, s17, s14, $0xb8;
	[tilespmem:$0x16C00] =	vst v63  }
0x127: {  	s17 =	simm.s32 $0x5F80;
	s18 =	simm.s32 $0x12400  }
0x128: {  	[tilespmem:s18], [sflag:$0x3] =	stream.indirect.gather [spmem:s2], $0x8, s17, s14, $0xb8;
	[tilespmem:$0x16C00] =	vst v63  }
0x129: {  	s17 =	simm.s32 $0x6000;
	s18 =	simm.s32 $0x12800  }
0x12a: {  	[tilespmem:s18], [sflag:$0x3] =	stream.indirect.gather [spmem:s2], $0x8, s17, s14, $0xb8;
	[tilespmem:$0x16C00] =	vst v63  }
0x12b: {  	s17 =	simm.s32 $0x6080;
	s18 =	simm.s32 $0x12C00  }
0x12c: {  	[tilespmem:s18], [sflag:$0x3] =	stream.indirect.gather [spmem:s2], $0x8, s17, s14, $0xb8;
	[tilespmem:$0x16C00] =	vst v63  }
0x12d: {  	s17 =	simm.s32 $0x6100;
	s18 =	simm.s32 $0x13000  }
0x12e: {  	[tilespmem:s18], [sflag:$0x3] =	stream.indirect.gather [spmem:s2], $0x8, s17, s14, $0xb8;
	[tilespmem:$0x16C00] =	vst v63  }
0x12f: {  	s17 =	simm.s32 $0x6180;
	s18 =	simm.s32 $0x13400  }
0x130: {  	[tilespmem:s18], [sflag:$0x3] =	stream.indirect.gather [spmem:s2], $0x8, s17, s14, $0xb8;
	[tilespmem:$0x16C00] =	vst v63  }
0x131: {  	s17 =	simm.s32 $0x6200;
	s18 =	simm.s32 $0x13800  }
0x132: {  	[tilespmem:s18], [sflag:$0x3] =	stream.indirect.gather [spmem:s2], $0x8, s17, s14, $0xb8;
	[tilespmem:$0x16C00] =	vst v63  }
0x133: {  	s17 =	simm.s32 $0x6280;
	s18 =	simm.s32 $0x13C00  }
0x134: {  	[tilespmem:s18], [sflag:$0x3] =	stream.indirect.gather [spmem:s2], $0x8, s17, s14, $0xb8;
	[tilespmem:$0x16C00] =	vst v63  }
0x135: {  	s17 =	simm.s32 $0x6300;
	s18 =	simm.s32 $0x14000  }
0x136: {  	[tilespmem:s18], [sflag:$0x3] =	stream.indirect.gather [spmem:s2], $0x8, s17, s14, $0xb8;
	[tilespmem:$0x16C00] =	vst v63  }
0x137: {  	s17 =	simm.s32 $0x6380;
	s18 =	simm.s32 $0x14400  }
0x138: {  	[tilespmem:s18], [sflag:$0x3] =	stream.indirect.gather [spmem:s2], $0x8, s17, s14, $0xb8;
	[tilespmem:$0x16C00] =	vst v63  }
0x139: {  	s17 =	simm.s32 $0x6400;
	s18 =	simm.s32 $0x14800  }
0x13a: {  	[tilespmem:s18], [sflag:$0x3] =	stream.indirect.gather [spmem:s2], $0x8, s17, s14, $0xb8;
	[tilespmem:$0x16C00] =	vst v63  }
0x13b: {  	s17 =	simm.s32 $0x6480;
	s18 =	simm.s32 $0x14C00  }
0x13c: {  	[tilespmem:s18], [sflag:$0x3] =	stream.indirect.gather [spmem:s2], $0x8, s17, s14, $0xb8;
	[tilespmem:$0x16C00] =	vst v63  }
0x13d: {  	s17 =	simm.s32 $0x6500;
	s18 =	simm.s32 $0x15000  }
0x13e: {  	[tilespmem:s18], [sflag:$0x3] =	stream.indirect.gather [spmem:s2], $0x8, s17, s14, $0xb8;
	[tilespmem:$0x16C00] =	vst v63  }
0x13f: {  	s18 =	simm.s32 $0x6580  }
0x140: {  	[tilespmem:s22], [sflag:$0x3] =	stream.indirect.gather [spmem:s2], $0x8, s18, s14, $0xb8;
	[tilespmem:$0x16C00] =	vst v63  }
0x141: {  	_ = 	snop  }
0x142: {  	[tilespmem:s25], [sflag:$0x3] =	stream.indirect.gather [spmem:s2], $0x8, s24, s14, $0xb8;
	[tilespmem:$0x16C00] =	vst v63  }
0x143: {  	_ = 	snop  }
0x144: {  	[tilespmem:s28], [sflag:$0x3] =	stream.indirect.gather [spmem:s2], $0x8, s26, s14, $0xb8;
	[tilespmem:$0x16C00] =	vst v63  }
0x145: {  	_ = 	snop  }
0x146: {  	[tilespmem:s7], [sflag:$0x3] =	stream.indirect.gather [spmem:s2], $0x8, s29, s14, $0xb8;
	[tilespmem:$0x16C00] =	vst v63  }
0x147: {  	_ = 	snop  }
0x148: {  	[tilespmem:s11], [sflag:$0x3] =	stream.indirect.gather [spmem:s2], $0x8, s8, s14, $0xb8;
	[tilespmem:$0x16C00] =	vst v63  }
0x149: {  	s4 =	sshll.u32 s4, $0xD;
	_ =	swait.ge [sflag:s12], $0x8000  }
0x14a: {  	s4 =	sadd.s32 s9, s4;
	[sflag:s12] =	ssyncset.done $0x0  }
0x14b: {  	p1 =	sne.s32 s5, $0x19;
	s18 =	sadd.s32 s19, s4;
	[sflag:s12] =	ssyncadd.s32 $0xFFFF8000  }
0x14c: {  	[hbm4b:s18+s3] =	stream.linear.scatter [tilespmem:s16], [sflag:$0x4], $0x8000, $0x38;
	[tilespmem:$0x16C00] =	vst v63  }
.Ltmp6:
0x14d: {  	_ =	swait.ge [sflag:s1], $0x8000;
	(pc) =	sbr.rel @p1 .LBB2_2-.Ltmp6, $4  }
.Ltmp7:
0x14e: {  	[sflag:s1] =	ssyncset.done $0x0;
	(pc) =	sbr.rel @!p1 .LBB2_11-.Ltmp7, $4  }
0x14f: {  	s4 =	sadd.s32 s4, s10;
	[sflag:s1] =	ssyncadd.s32 $0xFFFF8000  }
0x150: {  	[hbm4b:s4+s3] =	stream.linear.scatter [tilespmem:s23], [sflag:$0x5], $0x8000, $0x38;
	[tilespmem:$0x16C00] =	vst v63  }
0x151: {  	s4 =	smov.u32 s5  }
0x152: {  	_ = 	snop  }
.LBB2_13:
.Ltmp8:
0x153: {  	(pc) =	sbr.rel .LBB2_6-.Ltmp8, $3  }
0x154: {  	_ =	sdelay $0x1  }
0x155: {  	p1 =	por $0x1, $0x1  }
0x156: {  	s19 =	smov.u32 s21;
	s20 =	simm.s32 $0x4880;
	s21 =	simm.s32 $0x6C00  }
.LBB2_12:
0x157: {  	_ =	sfence.sel $0x180000  }
0x158: {  	[bflag:$0x0] =	sbarrier.arrive $0xFFFF  }
0x159: {  	_ =	strace $0x90000047  }
0x15a: {  	[bflag:$0x2] =	sbarrier.arrive $0xFFFF  }
0x15b: {  	s0 =	rddreg [dreg:$0x3]  }
0x15c: {  	s0 =	sadd.s32 @!p0 $0x100000, s0  }
0x15d: {  	[sflag:s0] =	ssyncadd.tile.s32 @!p0 $0x1;
	_ =	shalt  }
.Lfunc_end2:
_tile_overlayer_lowered:
.L_overlay_start_2:
0x15e: {  	(tag) =	ssettag $0x2  }
0x15f: {  	s0 =	rddreg [dreg:$0x0];
	s2 =	stileid.u32  }
0x160: {  	s1 =	rddreg [dreg:$0x1];
	p0 =	sne.s32 s2, $0x0  }
0x161: {  	s3 =	rddreg [dreg:$0x2];
	[bflag:$0x3] =	sbarrier.arrive $0xFFFF;
	s2 =	simm.s32 @!p0 $0x1C06  }
0x162: {  	[timem:s3], [sflag:s2] =	dma.local @!p0 [hbm:s0], s1  }
0x163: {  	s0 =	simm.s32 @!p0 $0x6  }
0x164: {  	_ =	swait.ge @!p0 [sflag:s0], s1  }
0x165: {  	s1 =	ssub.s32 @!p0 $0x0, s1;
	[sflag:s0] =	ssyncset.done @!p0 $0x0  }
0x166: {  	[sflag:s0] =	ssyncadd.s32 @!p0 s1  }
0x167: {  	[bflag:$0x3] =	sbarrier.arrive $0xFFFF  }
0x168: {  	_ =	shalt  }

// kernel: sparse-core-data-format-call.cloned.1.call-start
scs
called_computation_lowered:
.L_overlay_start_0:
0x0: {  	s2 =	sld [smem:$0x3FD9]  }
0x1: {  	s3 =	sld [smem:$0x3FFE];
	_ =	sdelay $0x1  }
0x2: {  	s1 =	srdreg.scid  }
0x3: {  	s0 =	sand.u32 $0x1, s1  }
0x4: {  	s18 =	sshll.u32 s0, $0xA;
	s2 =	sadd.s32 s3, s2  }
0x5: {  	s2 =	sadd.s32 s2, s18  }
0x6: {  	[smem:$0x3FC5] =	sst s2  }
0x7: {  	_ = 	snop  }
0x8: {  	s2 =	sld [smem:$0x3FD0];
	(tm) =	ssettm $0x1  }
0x9: {  	s19 =	sld [smem:$0x3FFB];
	_ =	sdelay $0x3  }
0xa: {  	_ =	strace s19  }
0xb: {  	s3 =	sld [smem:$0x3FFC];
	_ =	sdelay $0x3  }
0xc: {  	_ =	strace s3  }
0xd: {  	s3 =	sld [smem:$0x3FFD];
	_ =	sdelay $0x3  }
0xe: {  	_ =	strace s3  }
0xf: {  	_ =	strace $0x8FFFFFFF  }
0x10: {  	s20 =	sld [smem:$0x3FDB];
	_ =	sdelay $0x1  }
0x11: {  	s4 =	simm.s32 $_scs_section_size  }
0x12: {  	s5 =	simm.s32 $_size__tile_overlayer_lowered;
	s6 =	simm.s32 $_tile_overlayer_lowered  }
0x13: {  	s23 =	simm.s32 $0x1BFF;
	s22 =	sshll.u32 s6, $0x1;
	s3 =	sadd.s32 s4, s20  }
0x14: {  	s7 =	simm.s32 $0x0;
	s21 =	sshll.u32 s5, $0x1;
	s5 =	sadd.s32 s22, s3  }
0x15: {  	[timem:s7], [sflag:s23] =	dma.local [hbm:s5], s21  }
0x16: {  	_ =	swait.ge [sflag:s23], s21  }
0x17: {  	s4 =	ssub.s32 $0x0, s21;
	[sflag:s23] =	ssyncset.done $0x0  }
0x18: {  	[sflag:s23] =	ssyncadd.s32 s4;
	_ =	sdelay $0x1  }
0x19: {  	s24 =	simm.s32 $0x1B8B  }
0x1a: {  	_ =	swait.ge [sflag:s24], $0x1  }
0x1b: {  	[sflag:s24] =	ssyncset.done $0x0  }
0x1c: {  	s26 =	simm.s32 $0x1B8E;
	s25 =	sld [smem:$0x3FFE];
	[sflag:s24] =	ssyncadd.s32 $0xFFFFFFFF  }
0x1d: {  	s27 =	simm.s32 $execute0_lowered;
	[smem:$0x3FD2] =	sst s26  }
0x1e: {  	s5 =	sshll.u32 s27, $0x1;
	_ =	strace $0x80000049;
	[dreg:$0x1] =	wrdreg $0xFFFFFFFF  }
0x1f: {  	s28 =	simm.s32 $_size_execute0_lowered;
	s3 =	sadd.s32 s3, s5;
	[dreg:$0x0] =	wrdreg $0x0  }
0x20: {  	s5 =	sshll.u32 s28, $0x1;
	[dreg:$0x2] =	wrdreg s3  }
0x21: {  	[dreg:$0x3] =	wrdreg s5  }
0x22: {  	[dreg:$0x4] =	wrdreg $0xC0  }
0x23: {  	_ =	task [dreg:s7], $0x5FFFF  }
0x24: {  	[dreg:$0x1] =	wrdreg $0xFFFFFFFF  }
0x25: {  	[dreg:$0x0] =	wrdreg $0x60  }
0x26: {  	[dreg:$0x2] =	wrdreg s25  }
0x27: {  	[dreg:$0x3] =	wrdreg s2  }
0x28: {  	[dreg:$0x4] =	wrdreg $0x9  }
0x29: {  	_ =	task.clear_ibuf [dreg:s7], $0x5FFFF;
	_ =	strace $0x90000049  }
0x2a: {  	s29 =	simm.s32 $0x9;
	_ =	strace $0x8000004B  }
0x2b: {  	_ =	swait.ge [sflag:s29], $0x1  }
0x2c: {  	[sflag:s29] =	ssyncadd.s32 $0xFFFFFFFF  }
0x2d: {  	_ =	strace $0x9000004B  }
0x2e: {  	_ =	sfence  }
0x2f: {  	s30 =	sld [smem:$0x0];
	_ =	sdelay $0x2  }
0x30: {  	s31 =	sshll.u32 s1, $0xD;
	s1 =	sshrl.u32 s1, $0x2  }
0x31: {  	s3 =	sand.u32 $0x4000, s31;
	s1 =	sadd.s32 s1, s30  }
0x32: {  	s0 =	sor.u32 s3, s0;
	s1 =	sshll.u32 s1, $0x11  }
0x33: {  	s0 =	sor.u32 s1, s0  }
0x34: {  	s0 =	sadd.s32 $0x8F2B, s0  }
0x35: {  	[sflag:s0] =	ssyncadd.remote.s32 $0x1  }
0x36: {  	_ =	sfence.sel $0xFFFF  }
0x37: {  	[dreg:$0x0] =	wrdreg $0xFFFFFFFF;
	(pc) =	sbr.abs _section_cstart, $3  }
0x38: {  	[dreg:$0x1] =	wrdreg $0xFFFFFFFF  }
0x39: {  	_ =	task.clear_ibuf [dreg:s7], $0x2FFFF;
	_ =	strace $0x9FFFFFFF  }
0x3a: {  	(tm) =	ssettm $0x7FFFFFFF  }
0x3b: {  	_ =	shalt  }
tec
execute0_lowered:
.L_overlay_start_1:
0x0: {  	(tag) =	ssettag $0x1  }
0x1: {  	s0 =	srdreg.scid  }
0x2: {  	s1 =	sshll.u32 s0, $0x4  }
0x3: {  	s0 =	stileid.u32;
	s1 =	sand.u32 $0x10, s1  }
0x4: {  	s1 =	sor.u32 s0, s1  }
0x5: {  	s6 =	rddreg [dreg:$0x0];
	s4 =	simm.s32 $0x1;
	s2 =	sshll.u32 s1, $0x7  }
0x6: {  	s7 =	simm.s32 $0x2;
	s12 =	simm.s32 $0x0;
	s1 =	ssub.s32 $0x1000, s2  }
0x7: {  	s8 =	simm.s32 $0x8000;
	s13 =	simm.s32 $0x0;
	s3 =	sand.u32 $0xF80, s1  }
0x8: {  	s9 =	simm.s32 $0x0;
	s5 =	sshrl.u32 s1, $0xC;
	p0 =	sne.s32 s3, $0x0  }
.Ltmp0:
0x9: {  	s1 =	rddreg [dreg:$0x2];
	s4 =	simm.s32 @!p0 $0x0;
	(pc) =	sbr.rel .LBB1_1-.Ltmp0, $4  }
0xa: {  	s11 =	simm.s32 $0x0;
	s3 =	rddreg [dreg:$0x1];
	s5 =	sadd.s32 s4, s5  }
0xb: {  	_ =	strace $0x8000004A;
	s4 =	simm.s32 $0x1;
	s5 =	smul.u32 $0xC8, s5  }
0xc: {  	s6 =	sadd.s32 $0x800, s6;
	s10 =	smov.u32 s2;
	[sflag:s4] =	ssyncpa.u1 $0x0  }
0xd: {  	p0 =	por $0x0, $0x0;
	[sflag:s7] =	ssyncpa.u1 $0x0;
	s7 =	sor.u32 $0x1, s5  }
.LBB1_4:
0xe: {  	s16 =	sshll.u32 s13, $0x3;
	s17 =	sand.u32 $0x78, s13  }
0xf: {  	s30 =	sand.u32 $0x7E00, s13;
	s12 =	sshll.u32 s12, $0xF;
	s16 =	sand.u32 $0xC00, s16  }
0x10: {  	[tilespmem:s15+$0x810 ss:$0x81] =	vst.msk $0xffff, v2;
	s31 =	sand.u32 $0x7, s13;
	s16 =	sor.u32 s17, s16;
	s17 =	sadd.s32 s3, s30  }
0x11: {  	[tilespmem:s15+$0x1020 ss:$0x81] =	vst.msk $0xffff, v0;
	s13 =	sshll.u32 s31, $0x12;
	s12 =	sadd.s32 s12, s17;
	s16 =	sshrl.u32 s16, $0x3  }
0x12: {  	[tilespmem:s15+$0x0 ss:$0x81] =	vst.msk $0xffff, v1;
	s13 =	sor.u32 $0x400, s13;
	s12 =	sadd.s32 s16, s12  }
0x13: {  	[hbm4b:s12+s13] =	stream.strided.scatter [tilespmem:s14], [sflag:$0x2], $0x2000, s8, s13, $0x20;
	[tilespmem:$0x8080] =	vst v63  }
.LBB1_5:
0x14: {  	s14 =	sadd.s32 $0x1, s9  }
0x15: {  	s12 =	sadd.s32 $0x1000, s10;
	s16 =	smov.u32 s10;
	p2 =	sgt.s32 s14, $0xC7  }
0x16: {  	s16 =	smov.u32 @p2 s12  }
0x17: {  	s14 =	simm.s32 @p2 $0x0;
	p2 =	sgt.s32 s16, $0xFFF  }
0x18: {  	s16 =	smov.u32 @p2 s2;
	p2 =	sne.s32 s11, s7  }
.Ltmp1:
0x19: {  	p1 =	slt.u32 s11, $0x2;
	(pc) =	sbr.rel @!p2 .LBB1_6-.Ltmp1, $4  }
0x1a: {  	s15 =	simm.s32 @!p1 $0x2  }
0x1b: {  	s13 =	smov.u32 s10;
	p0 =	por !p0, !p0;
	_ =	swait.ge @!p1 [sflag:s15], $0x2000  }
0x1c: {  	s12 =	smov.u32 s9;
	[sflag:s15] =	ssyncset.done @!p1 $0x0;
	s9 =	smov.u32 s14  }
0x1d: {  	s11 =	sadd.s32 $0x1, s11;
	[sflag:s15] =	ssyncadd.s32 @!p1 $0xFFFFE000;
	s10 =	smov.u32 s16  }
.LBB1_1:
0x1e: {  	p1 =	sge.u32 s11, s5  }
0x1f: {  	s14 =	sand.u32 @!p1 $0x1FFFFFF, s9  }
0x20: {  	s15 =	smulhi.u32 @!p1 $0x147AE15, s14;
	_ =	sdelay $0x1  }
0x21: {  	s15 =	smul.u32 @!p1 $0xC8, s15  }
0x22: {  	s16 =	sxor.u32 @!p1 $0xFFFFFFFF, s11;
	s17 =	smul.u32 @!p1 $0xC80, s10  }
0x23: {  	s31 =	sadd.s32 $0xFFFFFFFF, s11;
	s16 =	sshll.u32 @!p1 s16, $0xD;
	s14 =	ssub.s32 @!p1 s14, s15  }
0x24: {  	s15 =	sand.u32 @!p1 $0x2000, s16;
	s16 =	sadd.s32 @!p1 s6, s17;
	s14 =	sshll.u32 @!p1 s14, $0x4  }
0x25: {  	s17 =	simm.s32 @!p1 $0x6400;
	s14 =	sadd.s32 @!p1 s14, s16;
	s16 =	simm.s32 @!p1 $0x40  }
0x26: {  	[tilespmem:s15], [sflag:$0x1] =	stream.strided.gather @!p1 [hbm4b:s14+s16], $0x2000, s17, s16, $0x38;
	[tilespmem:$0x8080] =	vst v63  }
0x27: {  	p1 =	sge.u32 s31, s5  }
.Ltmp2:
0x28: {  	_ = 	snop;
	(pc) =	sbr.rel @p1 .LBB1_5-.Ltmp2, $1  }
0x29: {  	_ =	sdelay $0x3  }
0x2a: {  	s14 =	simm.s32 $0x1  }
0x2b: {  	_ =	swait.ge [sflag:s4], $0x2000;
	s14 =	simm.s32 @!p0 $0x0  }
0x2c: {  	[sflag:s4] =	ssyncset.done $0x0;
	s15 =	sshll.u32 s14, $0xD  }
0x2d: {  	[sflag:s4] =	ssyncadd.s32 $0xFFFFE000;
	s18 =	sor.u32 $0x20, s15  }
0x2e: {  	s14 =	smul.u32 $0x8100, s14;
	v3 =	vld [tilespmem:s18+$0x10]  }
0x2f: {  	s30 =	sand.u32 $0x1, s11;
	v2 =	vld [tilespmem:s18+$0xFFFFFFF0]  }
0x30: {  	s15 =	smul.u32 $0x8100, s30;
	s14 =	sshrl.u32 s14, $0x2;
	v0 =	vld [tilespmem:s18+$0x0]  }
0x31: {  	v1 =	vld [tilespmem:s18+$0xFFFFFFE0];
	s16 =	sor.u32 $0x4000, s14  }
0x32: {  	s31 =	sshrl.u32 s15, $0x2;
	s15 =	sadd.s32 $0x0, s16  }
0x33: {  	s17 =	simm.s32 $0x4;
	s18 =	sadd.s32 $0x40, s18;
	s14 =	sor.u32 $0x4000, s31;
	[tilespmem:s15+$0x1830 ss:$0x81] =	vst.msk $0xffff, v3  }
.LBB1_3:
0x34: {  	v3 =	vld [tilespmem:s18+$0x10];
	p1 =	sne.s32 s17, $0x1FC;
	[tilespmem:s15+$0x810 ss:$0x81] =	vst.msk $0xffff, v2;
	s19 =	smov.u32 s17;
	s17 =	sadd.s32 $0x4, s17  }
.Ltmp3:
0x35: {  	v2 =	vld [tilespmem:s18+$0xFFFFFFF0];
	[tilespmem:s15+$0x1020 ss:$0x81] =	vst.msk $0xffff, v0;
	(pc) =	sbr.rel @p1 .LBB1_3-.Ltmp3, $4  }
0x36: {  	v0 =	vld [tilespmem:s18+$0x0];
	[tilespmem:s15+$0x0 ss:$0x81] =	vst.msk $0xffff, v1  }
0x37: {  	s15 =	sshra.s32 s19, $0x2;
	v1 =	vld [tilespmem:s18+$0xFFFFFFE0]  }
0x38: {  	s15 =	sadd.s32 s15, s16  }
0x39: {  	s18 =	sadd.s32 $0x40, s18;
	[tilespmem:s15+$0x1830 ss:$0x81] =	vst.msk $0xffff, v3  }
.Ltmp4:
0x3a: {  	_ = 	snop;
	(pc) =	sbr.rel .LBB1_4-.Ltmp4, $1  }
0x3b: {  	_ =	sdelay $0x3  }
.LBB1_6:
0x3c: {  	_ =	sfence.sel $0x180000  }
0x3d: {  	s2 =	simm.s32 $0x1;
	[bflag:$0x0] =	sbarrier.arrive $0xFFFF  }
0x3e: {  	s31 =	simm.s32 $0x2;
	[sflag:s2] =	ssyncpa.u1 $0x1  }
0x3f: {  	[sflag:s31] =	ssyncpa.u1 $0x1  }
0x40: {  	p0 =	sne.s32 s0, $0x0;
	_ =	strace $0x9000004A  }
0x41: {  	s0 =	sadd.s32 @!p0 $0x100000, s1;
	[bflag:$0x2] =	sbarrier.arrive $0xFFFF  }
0x42: {  	[sflag:s0] =	ssyncadd.tile.s32 @!p0 $0x1;
	_ =	shalt  }
.Lfunc_end1:
_tile_overlayer_lowered:
.L_overlay_start_2:
0x43: {  	(tag) =	ssettag $0x2  }
0x44: {  	s0 =	rddreg [dreg:$0x0];
	s2 =	stileid.u32  }
0x45: {  	s1 =	rddreg [dreg:$0x1];
	p0 =	sne.s32 s2, $0x0  }
0x46: {  	s3 =	rddreg [dreg:$0x2];
	[bflag:$0x3] =	sbarrier.arrive $0xFFFF;
	s2 =	simm.s32 @!p0 $0x1C01  }
0x47: {  	[timem:s3], [sflag:s2] =	dma.local @!p0 [hbm:s0], s1  }
0x48: {  	s0 =	simm.s32 @!p0 $0x1  }
0x49: {  	_ =	swait.ge @!p0 [sflag:s0], s1  }
0x4a: {  	s1 =	ssub.s32 @!p0 $0x0, s1;
	[sflag:s0] =	ssyncset.done @!p0 $0x0  }
0x4b: {  	[sflag:s0] =	ssyncadd.s32 @!p0 s1  }
0x4c: {  	[bflag:$0x3] =	sbarrier.arrive $0xFFFF  }
0x4d: {  	_ =	shalt  }

</sc_bundles>
